<compile_context>
chip_gen: v7x
topology: tpu7x:2x2x1
jax: 0.10.2.dev20260603
libtpu: 0.0.44.dev20260713+nightly
codegen_flags: <defaults>
</compile_context>

<pallas_src>
import functools

import jax
import jax.numpy as jnp
from jax import lax
from jax.experimental import pallas as pl
from jax.experimental.pallas import tpu as pltpu
from jax.experimental.pallas import tpu_sc as plsc

EPS = 1e-15
D = 128
C = 10
CP = C - 1
NC, NS = 2, 16
NW = NC * NS
R = 40
IDXC = R * C


@functools.cache
def _make_sc_dots(b_total: int):
    rows_w = b_total // NW
    ch = rows_w // R
    assert rows_w * NW == b_total and ch * R == rows_w
    orows = R * 16 // D

    mesh = plsc.VectorSubcoreMesh(core_axis_name="c", subcore_axis_name="s")

    nhalf = ch // 2
    assert nhalf * 2 == ch

    @functools.partial(
        pl.kernel,
        mesh=mesh,
        compiler_params=pltpu.CompilerParams(needs_layout_passes=False),
        out_type=jax.ShapeDtypeStruct((b_total, 16), jnp.float32),
        scratch_types=[
            pltpu.VMEM((rows_w * C,), jnp.int32),
            pltpu.VMEM((IDXC, D), jnp.float32),
            pltpu.VMEM((IDXC, D), jnp.float32),
            pltpu.VMEM((R, 16), jnp.float32),
            pltpu.VMEM((R, 16), jnp.float32),
            pltpu.SemaphoreType.DMA,
            pltpu.SemaphoreType.DMA,
            pltpu.SemaphoreType.DMA,
            pltpu.SemaphoreType.DMA,
        ],
    )
    def sc_dots(idx_hbm, emb_hbm, out_hbm, idx_v, rows_a, rows_b,
                dots_a, dots_b, sem_a, sem_b, osem_a, osem_b):
        w = lax.axis_index("s") * NC + lax.axis_index("c")
        for j in range(C):
            pltpu.async_copy(
                idx_hbm.at[pl.ds(j * b_total + w * rows_w, rows_w)],
                idx_v.at[pl.ds(j * rows_w, rows_w)],
                sem_a,
            )
        for j in range(C):
            pltpu.make_async_copy(
                idx_hbm.at[pl.ds(j * b_total, rows_w)],
                idx_v.at[pl.ds(j * rows_w, rows_w)],
                sem_a,
            ).wait()
        lane = lax.iota(jnp.int32, 16)
        lane_eq = [lane == jj for jj in range(CP)]

        def fire(k, rows_v, sem):
            for j in range(C):
                pltpu.async_copy(
                    emb_hbm.at[idx_v.at[pl.ds(j * rows_w + k * R, R)]],
                    rows_v.at[pl.ds(j * R, R)],
                    sem,
                )

        def drain(rows_v, sem):
            for j in range(C):
                pltpu.make_async_copy(
                    emb_hbm.at[idx_v.at[pl.ds(j * rows_w, R)]],
                    rows_v.at[pl.ds(j * R, R)],
                    sem,
                ).wait()

        def out_slice(k):
            return out_hbm.at[pl.ds((w * ch + k) * R, R)]

        def compute(rows_v, dots_v):
            @plsc.parallel_loop(0, R, unroll=1)
            def row_body(r):
                s = [rows_v[r, pl.ds(cc * 16, 16)] for cc in range(8)]
                coll = jnp.zeros((16,), jnp.float32)
                for j in range(1, C):
                    p = [
                        s[cc] * rows_v[j * R + r, pl.ds(cc * 16, 16)]
                        for cc in range(8)
                    ]
                    q = [p[0] + p[1], p[2] + p[3], p[4] + p[5], p[6] + p[7]]
                    acc = (q[0] + q[1]) + (q[2] + q[3])
                    coll = jnp.where(lane_eq[j - 1], jnp.sum(acc), coll)
                dots_v[r, pl.ds(0, 16)] = coll

        def owait(k, dots_v, osem):
            pltpu.make_async_copy(dots_v, out_slice(k), osem).wait()

        fire(0, rows_a, sem_a)

        def body(i, carry):
            k0 = 2 * i
            k1 = k0 + 1
            fire(k1, rows_b, sem_b)
            drain(rows_a, sem_a)

            @pl.when(i > 0)
            def _():
                owait(k0, dots_a, osem_a)

            compute(rows_a, dots_a)
            pltpu.async_copy(dots_a, out_slice(k0), osem_a)

            @pl.when(i < nhalf - 1)
            def _():
                fire(k0 + 2, rows_a, sem_a)

            drain(rows_b, sem_b)

            @pl.when(i > 0)
            def _():
                owait(k1, dots_b, osem_b)

            compute(rows_b, dots_b)
            pltpu.async_copy(dots_b, out_slice(k1), osem_b)
            return carry

        lax.fori_loop(0, nhalf, body, 0)
        owait(ch - 2, dots_a, osem_a)
        owait(ch - 1, dots_b, osem_b)

    return sc_dots


@functools.cache
def _make_loss_tc(rows: int, pos_rows: int, denom: float):

    def body(d_ref, o_ref):
        x = d_ref[:]
        sig = 1.0 / (1.0 + jnp.exp(-x))
        lane16 = lax.broadcasted_iota(jnp.int32, x.shape, 1) % 16
        rid = lax.broadcasted_iota(jnp.int32, x.shape, 0)
        val = jnp.where(
            rid < pos_rows, -jnp.log(sig + EPS), -jnp.log(1.0 - sig + EPS)
        )
        val = jnp.where(lane16 < CP, val, 0.0)
        o_ref[:, :] = jnp.reshape(jnp.sum(val) / denom, (1, 1))

    return pl.pallas_call(
        body, out_shape=jax.ShapeDtypeStruct((1, 1), jnp.float32)
    )


def kernel(pos_rw, neg_rw, emb):
    b = pos_rw.shape[0]
    idx_t = jnp.concatenate(
        [pos_rw, neg_rw], axis=0).T.reshape(-1).astype(jnp.int32)
    dots = _make_sc_dots(2 * b)(idx_t, emb)
    dots2d = dots.reshape(-1, D)
    pos_rows = b * 16 // D
    loss = _make_loss_tc(dots2d.shape[0], pos_rows, float(b * CP))(dots2d)
    return loss[0, 0]

# --- scband reference (transcript-rebuilt; emitter-appended) ---
"""Pipeline reference for scband-dwpretrain-58712202936390 (READ-ONLY COPY).

The authoritative reference and input builder live on the scoring server;
editing this copy changes nothing except your own understanding.
"""

import jax, jax.numpy as jnp
import numpy as np

EPS = 1e-15

def setup_inputs(seed: int = 0) -> dict:
    key = jax.random.key(seed)
    k1, k2, k3 = jax.random.split(key, 3)
    num_nodes = 100000
    embedding_dim = 128
    rows = 14080
    context_size = 10
    pos_rw = jax.random.randint(k1, (rows, context_size), 0, num_nodes, dtype=jnp.int64 if jax.config.jax_enable_x64 else jnp.int32).astype(jnp.int32)
    neg_rw = jax.random.randint(k2, (rows, context_size), 0, num_nodes, dtype=jnp.int32)
    emb = jax.random.normal(k3, (num_nodes, embedding_dim), dtype=jnp.float32)
    return {"pos_rw": pos_rw, "neg_rw": neg_rw, "emb": emb}


def reference(pos_rw, neg_rw, emb):
    # Faithful port of torch_geometric Node2Vec.loss (shared embedding for
    # center and context, skip-gram with negative sampling).
    D = emb.shape[1]

    # Positive loss
    start_p = pos_rw[:, 0]
    rest_p = pos_rw[:, 1:]
    h_start_p = jnp.take(emb, start_p, axis=0)[:, None, :]              # [B,1,D]
    h_rest_p = jnp.take(emb, rest_p.reshape(-1), axis=0)
    h_rest_p = h_rest_p.reshape(pos_rw.shape[0], -1, D)                  # [B,C-1,D]
    out_p = (h_start_p * h_rest_p).sum(axis=-1).reshape(-1)
    pos_loss = -jnp.log(jax.nn.sigmoid(out_p) + EPS).mean()

    # Negative loss
    start_n = neg_rw[:, 0]
    rest_n = neg_rw[:, 1:]
    h_start_n = jnp.take(emb, start_n, axis=0)[:, None, :]
    h_rest_n = jnp.take(emb, rest_n.reshape(-1), axis=0)
    h_rest_n = h_rest_n.reshape(neg_rw.shape[0], -1, D)
    out_n = (h_start_n * h_rest_n).sum(axis=-1).reshape(-1)
    neg_loss = -jnp.log(1.0 - jax.nn.sigmoid(out_n) + EPS).mean()

    return pos_loss + neg_loss

if __name__ == "__main__":
    import jax
    _d = setup_inputs()
    print(jax.jit(kernel)(*tuple(_d.values())))

</pallas_src>

<mosaic_0001>
#map = affine_map<(d0, d1) -> (0)>
#map1 = affine_map<(d0, d1) -> (0, 0)>
module attributes {stable_mosaic.version = 14 : i64} {
  func.func @sc_dots(%arg0: i32, %arg1: i32, %arg2: memref<281600xi32, #tpu.memory_space<hbm>>, %arg3: memref<100000x128xf32, #tpu.memory_space<hbm>>, %arg4: memref<28160x16xf32, #tpu.memory_space<hbm>>, %arg5: memref<8800xi32, #tpu.memory_space<vmem>>, %arg6: memref<400x128xf32, #tpu.memory_space<vmem>>, %arg7: memref<400x128xf32, #tpu.memory_space<vmem>>, %arg8: memref<40x16xf32, #tpu.memory_space<vmem>>, %arg9: memref<40x16xf32, #tpu.memory_space<vmem>>, %arg10: memref<!tpu.dma_semaphore, #tpu.memory_space<semaphore_mem>>, %arg11: memref<!tpu.dma_semaphore, #tpu.memory_space<semaphore_mem>>, %arg12: memref<!tpu.dma_semaphore, #tpu.memory_space<semaphore_mem>>, %arg13: memref<!tpu.dma_semaphore, #tpu.memory_space<semaphore_mem>>) attributes {dimension_semantics = [#tpu.dimension_semantics<core_parallel>, #tpu.dimension_semantics<subcore_parallel>], iteration_bounds = array<i64: 2, 16>, scalar_prefetch = 0 : i64, scratch_operands = 9 : i64, tpu.core_type = #tpu.core_type<sc_vector_subcore>, window_params = [{transform_indices = #map}, {transform_indices = #map1}, {transform_indices = #map1}]} {
    %mul3A = arith.constant 2 : i32
    %mul3A_0 = arith.muli %arg1, %mul3A : i32
    %add3A = arith.addi %mul3A_0, %arg0 : i32
    %mul3A_1 = arith.constant 880 : i32
    %mul3A_2 = arith.muli %add3A, %mul3A_1 : i32
    %add3A_3 = arith.constant 0 : i32
    %add3A_4 = arith.addi %add3A_3, %mul3A_2 : i32
    %dma_start3A = arith.constant 0 : i32
    %dma_start3A_5 = tpu.memref_slice %arg5[%dma_start3A] : memref<8800xi32, #tpu.memory_space<vmem>> -> memref<880xi32, #tpu.memory_space<vmem>>
    %dma_start3A_6 = tpu.memref_slice %arg2[%add3A_4] : memref<281600xi32, #tpu.memory_space<hbm>> -> memref<880xi32, #tpu.memory_space<hbm>>
    %dma_start3A_7 = arith.constant 0 : i32
    %dma_start3A_8 = tpu.memref_slice %arg5[%dma_start3A_7] : memref<8800xi32, #tpu.memory_space<vmem>> -> memref<880xi32, #tpu.memory_space<vmem>>
    %dma_start3A_9 = tpu.memref_slice %arg2[%add3A_4] : memref<281600xi32, #tpu.memory_space<hbm>> -> memref<880xi32, #tpu.memory_space<hbm>>
    tpu.enqueue_dma source(%dma_start3A_9 : memref<880xi32, #tpu.memory_space<hbm>>) target(%dma_start3A_8 : memref<880xi32, #tpu.memory_space<vmem>>) target_semaphore(%arg10 : memref<!tpu.dma_semaphore, #tpu.memory_space<semaphore_mem>>)
    %mul3A_10 = arith.constant 880 : i32
    %mul3A_11 = arith.muli %add3A, %mul3A_10 : i32
    %add3A_12 = arith.constant 28160 : i32
    %add3A_13 = arith.addi %add3A_12, %mul3A_11 : i32
    %dma_start3A_14 = arith.constant 880 : i32
    %dma_start3A_15 = tpu.memref_slice %arg5[%dma_start3A_14] : memref<8800xi32, #tpu.memory_space<vmem>> -> memref<880xi32, #tpu.memory_space<vmem>>
    %dma_start3A_16 = tpu.memref_slice %arg2[%add3A_13] : memref<281600xi32, #tpu.memory_space<hbm>> -> memref<880xi32, #tpu.memory_space<hbm>>
    %dma_start3A_17 = arith.constant 880 : i32
    %dma_start3A_18 = tpu.memref_slice %arg5[%dma_start3A_17] : memref<8800xi32, #tpu.memory_space<vmem>> -> memref<880xi32, #tpu.memory_space<vmem>>
    %dma_start3A_19 = tpu.memref_slice %arg2[%add3A_13] : memref<281600xi32, #tpu.memory_space<hbm>> -> memref<880xi32, #tpu.memory_space<hbm>>
    tpu.enqueue_dma source(%dma_start3A_19 : memref<880xi32, #tpu.memory_space<hbm>>) target(%dma_start3A_18 : memref<880xi32, #tpu.memory_space<vmem>>) target_semaphore(%arg10 : memref<!tpu.dma_semaphore, #tpu.memory_space<semaphore_mem>>)
    %mul3A_20 = arith.constant 880 : i32
    %mul3A_21 = arith.muli %add3A, %mul3A_20 : i32
    %add3A_22 = arith.constant 56320 : i32
    %add3A_23 = arith.addi %add3A_22, %mul3A_21 : i32
    %dma_start3A_24 = arith.constant 1760 : i32
    %dma_start3A_25 = tpu.memref_slice %arg5[%dma_start3A_24] : memref<8800xi32, #tpu.memory_space<vmem>> -> memref<880xi32, #tpu.memory_space<vmem>>
    %dma_start3A_26 = tpu.memref_slice %arg2[%add3A_23] : memref<281600xi32, #tpu.memory_space<hbm>> -> memref<880xi32, #tpu.memory_space<hbm>>
    %dma_start3A_27 = arith.constant 1760 : i32
    %dma_start3A_28 = tpu.memref_slice %arg5[%dma_start3A_27] : memref<8800xi32, #tpu.memory_space<vmem>> -> memref<880xi32, #tpu.memory_space<vmem>>
    %dma_start3A_29 = tpu.memref_slice %arg2[%add3A_23] : memref<281600xi32, #tpu.memory_space<hbm>> -> memref<880xi32, #tpu.memory_space<hbm>>
    tpu.enqueue_dma source(%dma_start3A_29 : memref<880xi32, #tpu.memory_space<hbm>>) target(%dma_start3A_28 : memref<880xi32, #tpu.memory_space<vmem>>) target_semaphore(%arg10 : memref<!tpu.dma_semaphore, #tpu.memory_space<semaphore_mem>>)
    %mul3A_30 = arith.constant 880 : i32
    %mul3A_31 = arith.muli %add3A, %mul3A_30 : i32
    %add3A_32 = arith.constant 84480 : i32
    %add3A_33 = arith.addi %add3A_32, %mul3A_31 : i32
    %dma_start3A_34 = arith.constant 2640 : i32
    %dma_start3A_35 = tpu.memref_slice %arg5[%dma_start3A_34] : memref<8800xi32, #tpu.memory_space<vmem>> -> memref<880xi32, #tpu.memory_space<vmem>>
    %dma_start3A_36 = tpu.memref_slice %arg2[%add3A_33] : memref<281600xi32, #tpu.memory_space<hbm>> -> memref<880xi32, #tpu.memory_space<hbm>>
    %dma_start3A_37 = arith.constant 2640 : i32
    %dma_start3A_38 = tpu.memref_slice %arg5[%dma_start3A_37] : memref<8800xi32, #tpu.memory_space<vmem>> -> memref<880xi32, #tpu.memory_space<vmem>>
    %dma_start3A_39 = tpu.memref_slice %arg2[%add3A_33] : memref<281600xi32, #tpu.memory_space<hbm>> -> memref<880xi32, #tpu.memory_space<hbm>>
    tpu.enqueue_dma source(%dma_start3A_39 : memref<880xi32, #tpu.memory_space<hbm>>) target(%dma_start3A_38 : memref<880xi32, #tpu.memory_space<vmem>>) target_semaphore(%arg10 : memref<!tpu.dma_semaphore, #tpu.memory_space<semaphore_mem>>)
    %mul3A_40 = arith.constant 880 : i32
    %mul3A_41 = arith.muli %add3A, %mul3A_40 : i32
    %add3A_42 = arith.constant 112640 : i32
    %add3A_43 = arith.addi %add3A_42, %mul3A_41 : i32
    %dma_start3A_44 = arith.constant 3520 : i32
    %dma_start3A_45 = tpu.memref_slice %arg5[%dma_start3A_44] : memref<8800xi32, #tpu.memory_space<vmem>> -> memref<880xi32, #tpu.memory_space<vmem>>
    %dma_start3A_46 = tpu.memref_slice %arg2[%add3A_43] : memref<281600xi32, #tpu.memory_space<hbm>> -> memref<880xi32, #tpu.memory_space<hbm>>
    %dma_start3A_47 = arith.constant 3520 : i32
    %dma_start3A_48 = tpu.memref_slice %arg5[%dma_start3A_47] : memref<8800xi32, #tpu.memory_space<vmem>> -> memref<880xi32, #tpu.memory_space<vmem>>
    %dma_start3A_49 = tpu.memref_slice %arg2[%add3A_43] : memref<281600xi32, #tpu.memory_space<hbm>> -> memref<880xi32, #tpu.memory_space<hbm>>
    tpu.enqueue_dma source(%dma_start3A_49 : memref<880xi32, #tpu.memory_space<hbm>>) target(%dma_start3A_48 : memref<880xi32, #tpu.memory_space<vmem>>) target_semaphore(%arg10 : memref<!tpu.dma_semaphore, #tpu.memory_space<semaphore_mem>>)
    %mul3A_50 = arith.constant 880 : i32
    %mul3A_51 = arith.muli %add3A, %mul3A_50 : i32
    %add3A_52 = arith.constant 140800 : i32
    %add3A_53 = arith.addi %add3A_52, %mul3A_51 : i32
    %dma_start3A_54 = arith.constant 4400 : i32
    %dma_start3A_55 = tpu.memref_slice %arg5[%dma_start3A_54] : memref<8800xi32, #tpu.memory_space<vmem>> -> memref<880xi32, #tpu.memory_space<vmem>>
    %dma_start3A_56 = tpu.memref_slice %arg2[%add3A_53] : memref<281600xi32, #tpu.memory_space<hbm>> -> memref<880xi32, #tpu.memory_space<hbm>>
    %dma_start3A_57 = arith.constant 4400 : i32
    %dma_start3A_58 = tpu.memref_slice %arg5[%dma_start3A_57] : memref<8800xi32, #tpu.memory_space<vmem>> -> memref<880xi32, #tpu.memory_space<vmem>>
    %dma_start3A_59 = tpu.memref_slice %arg2[%add3A_53] : memref<281600xi32, #tpu.memory_space<hbm>> -> memref<880xi32, #tpu.memory_space<hbm>>
    tpu.enqueue_dma source(%dma_start3A_59 : memref<880xi32, #tpu.memory_space<hbm>>) target(%dma_start3A_58 : memref<880xi32, #tpu.memory_space<vmem>>) target_semaphore(%arg10 : memref<!tpu.dma_semaphore, #tpu.memory_space<semaphore_mem>>)
    %mul3A_60 = arith.constant 880 : i32
    %mul3A_61 = arith.muli %add3A, %mul3A_60 : i32
    %add3A_62 = arith.constant 168960 : i32
    %add3A_63 = arith.addi %add3A_62, %mul3A_61 : i32
    %dma_start3A_64 = arith.constant 5280 : i32
    %dma_start3A_65 = tpu.memref_slice %arg5[%dma_start3A_64] : memref<8800xi32, #tpu.memory_space<vmem>> -> memref<880xi32, #tpu.memory_space<vmem>>
    %dma_start3A_66 = tpu.memref_slice %arg2[%add3A_63] : memref<281600xi32, #tpu.memory_space<hbm>> -> memref<880xi32, #tpu.memory_space<hbm>>
    %dma_start3A_67 = arith.constant 5280 : i32
    %dma_start3A_68 = tpu.memref_slice %arg5[%dma_start3A_67] : memref<8800xi32, #tpu.memory_space<vmem>> -> memref<880xi32, #tpu.memory_space<vmem>>
    %dma_start3A_69 = tpu.memref_slice %arg2[%add3A_63] : memref<281600xi32, #tpu.memory_space<hbm>> -> memref<880xi32, #tpu.memory_space<hbm>>
    tpu.enqueue_dma source(%dma_start3A_69 : memref<880xi32, #tpu.memory_space<hbm>>) target(%dma_start3A_68 : memref<880xi32, #tpu.memory_space<vmem>>) target_semaphore(%arg10 : memref<!tpu.dma_semaphore, #tpu.memory_space<semaphore_mem>>)
    %mul3A_70 = arith.constant 880 : i32
    %mul3A_71 = arith.muli %add3A, %mul3A_70 : i32
    %add3A_72 = arith.constant 197120 : i32
    %add3A_73 = arith.addi %add3A_72, %mul3A_71 : i32
    %dma_start3A_74 = arith.constant 6160 : i32
    %dma_start3A_75 = tpu.memref_slice %arg5[%dma_start3A_74] : memref<8800xi32, #tpu.memory_space<vmem>> -> memref<880xi32, #tpu.memory_space<vmem>>
    %dma_start3A_76 = tpu.memref_slice %arg2[%add3A_73] : memref<281600xi32, #tpu.memory_space<hbm>> -> memref<880xi32, #tpu.memory_space<hbm>>
    %dma_start3A_77 = arith.constant 6160 : i32
    %dma_start3A_78 = tpu.memref_slice %arg5[%dma_start3A_77] : memref<8800xi32, #tpu.memory_space<vmem>> -> memref<880xi32, #tpu.memory_space<vmem>>
    %dma_start3A_79 = tpu.memref_slice %arg2[%add3A_73] : memref<281600xi32, #tpu.memory_space<hbm>> -> memref<880xi32, #tpu.memory_space<hbm>>
    tpu.enqueue_dma source(%dma_start3A_79 : memref<880xi32, #tpu.memory_space<hbm>>) target(%dma_start3A_78 : memref<880xi32, #tpu.memory_space<vmem>>) target_semaphore(%arg10 : memref<!tpu.dma_semaphore, #tpu.memory_space<semaphore_mem>>)
    %mul3A_80 = arith.constant 880 : i32
    %mul3A_81 = arith.muli %add3A, %mul3A_80 : i32
    %add3A_82 = arith.constant 225280 : i32
    %add3A_83 = arith.addi %add3A_82, %mul3A_81 : i32
    %dma_start3A_84 = arith.constant 7040 : i32
    %dma_start3A_85 = tpu.memref_slice %arg5[%dma_start3A_84] : memref<8800xi32, #tpu.memory_space<vmem>> -> memref<880xi32, #tpu.memory_space<vmem>>
    %dma_start3A_86 = tpu.memref_slice %arg2[%add3A_83] : memref<281600xi32, #tpu.memory_space<hbm>> -> memref<880xi32, #tpu.memory_space<hbm>>
    %dma_start3A_87 = arith.constant 7040 : i32
    %dma_start3A_88 = tpu.memref_slice %arg5[%dma_start3A_87] : memref<8800xi32, #tpu.memory_space<vmem>> -> memref<880xi32, #tpu.memory_space<vmem>>
    %dma_start3A_89 = tpu.memref_slice %arg2[%add3A_83] : memref<281600xi32, #tpu.memory_space<hbm>> -> memref<880xi32, #tpu.memory_space<hbm>>
    tpu.enqueue_dma source(%dma_start3A_89 : memref<880xi32, #tpu.memory_space<hbm>>) target(%dma_start3A_88 : memref<880xi32, #tpu.memory_space<vmem>>) target_semaphore(%arg10 : memref<!tpu.dma_semaphore, #tpu.memory_space<semaphore_mem>>)
    %mul3A_90 = arith.constant 880 : i32
    %mul3A_91 = arith.muli %add3A, %mul3A_90 : i32
    %add3A_92 = arith.constant 253440 : i32
    %add3A_93 = arith.addi %add3A_92, %mul3A_91 : i32
    %dma_start3A_94 = arith.constant 7920 : i32
    %dma_start3A_95 = tpu.memref_slice %arg5[%dma_start3A_94] : memref<8800xi32, #tpu.memory_space<vmem>> -> memref<880xi32, #tpu.memory_space<vmem>>
    %dma_start3A_96 = tpu.memref_slice %arg2[%add3A_93] : memref<281600xi32, #tpu.memory_space<hbm>> -> memref<880xi32, #tpu.memory_space<hbm>>
    %dma_start3A_97 = arith.constant 7920 : i32
    %dma_start3A_98 = tpu.memref_slice %arg5[%dma_start3A_97] : memref<8800xi32, #tpu.memory_space<vmem>> -> memref<880xi32, #tpu.memory_space<vmem>>
    %dma_start3A_99 = tpu.memref_slice %arg2[%add3A_93] : memref<281600xi32, #tpu.memory_space<hbm>> -> memref<880xi32, #tpu.memory_space<hbm>>
    tpu.enqueue_dma source(%dma_start3A_99 : memref<880xi32, #tpu.memory_space<hbm>>) target(%dma_start3A_98 : memref<880xi32, #tpu.memory_space<vmem>>) target_semaphore(%arg10 : memref<!tpu.dma_semaphore, #tpu.memory_space<semaphore_mem>>)
    %dma_wait3A = arith.constant 0 : i32
    %dma_wait3A_100 = tpu.memref_slice %arg5[%dma_wait3A] : memref<8800xi32, #tpu.memory_space<vmem>> -> memref<880xi32, #tpu.memory_space<vmem>>
    %dma_wait3A_101 = arith.constant 0 : i32
    %dma_wait3A_102 = tpu.memref_slice %arg2[%dma_wait3A_101] : memref<281600xi32, #tpu.memory_space<hbm>> -> memref<880xi32, #tpu.memory_space<hbm>>
    %dma_wait3A_103 = arith.constant 0 : i32
    %dma_wait3A_104 = tpu.memref_slice %arg5[%dma_wait3A_103] : memref<8800xi32, #tpu.memory_space<vmem>> -> memref<880xi32, #tpu.memory_space<vmem>>
    %dma_wait3A_105 = arith.constant 0 : i32
    %dma_wait3A_106 = tpu.memref_slice %arg2[%dma_wait3A_105] : memref<281600xi32, #tpu.memory_space<hbm>> -> memref<880xi32, #tpu.memory_space<hbm>>
    tpu.wait_dma2 semaphore(%arg10 : memref<!tpu.dma_semaphore, #tpu.memory_space<semaphore_mem>>) src(%dma_wait3A_106 : memref<880xi32, #tpu.memory_space<hbm>>) dst(%dma_wait3A_104 : memref<880xi32, #tpu.memory_space<vmem>>)
    %dma_wait3A_107 = arith.constant 880 : i32
    %dma_wait3A_108 = tpu.memref_slice %arg5[%dma_wait3A_107] : memref<8800xi32, #tpu.memory_space<vmem>> -> memref<880xi32, #tpu.memory_space<vmem>>
    %dma_wait3A_109 = arith.constant 28160 : i32
    %dma_wait3A_110 = tpu.memref_slice %arg2[%dma_wait3A_109] : memref<281600xi32, #tpu.memory_space<hbm>> -> memref<880xi32, #tpu.memory_space<hbm>>
    %dma_wait3A_111 = arith.constant 880 : i32
    %dma_wait3A_112 = tpu.memref_slice %arg5[%dma_wait3A_111] : memref<8800xi32, #tpu.memory_space<vmem>> -> memref<880xi32, #tpu.memory_space<vmem>>
    %dma_wait3A_113 = arith.constant 28160 : i32
    %dma_wait3A_114 = tpu.memref_slice %arg2[%dma_wait3A_113] : memref<281600xi32, #tpu.memory_space<hbm>> -> memref<880xi32, #tpu.memory_space<hbm>>
    tpu.wait_dma2 semaphore(%arg10 : memref<!tpu.dma_semaphore, #tpu.memory_space<semaphore_mem>>) src(%dma_wait3A_114 : memref<880xi32, #tpu.memory_space<hbm>>) dst(%dma_wait3A_112 : memref<880xi32, #tpu.memory_space<vmem>>)
    %dma_wait3A_115 = arith.constant 1760 : i32
    %dma_wait3A_116 = tpu.memref_slice %arg5[%dma_wait3A_115] : memref<8800xi32, #tpu.memory_space<vmem>> -> memref<880xi32, #tpu.memory_space<vmem>>
    %dma_wait3A_117 = arith.constant 56320 : i32
    %dma_wait3A_118 = tpu.memref_slice %arg2[%dma_wait3A_117] : memref<281600xi32, #tpu.memory_space<hbm>> -> memref<880xi32, #tpu.memory_space<hbm>>
    %dma_wait3A_119 = arith.constant 1760 : i32
    %dma_wait3A_120 = tpu.memref_slice %arg5[%dma_wait3A_119] : memref<8800xi32, #tpu.memory_space<vmem>> -> memref<880xi32, #tpu.memory_space<vmem>>
    %dma_wait3A_121 = arith.constant 56320 : i32
    %dma_wait3A_122 = tpu.memref_slice %arg2[%dma_wait3A_121] : memref<281600xi32, #tpu.memory_space<hbm>> -> memref<880xi32, #tpu.memory_space<hbm>>
    tpu.wait_dma2 semaphore(%arg10 : memref<!tpu.dma_semaphore, #tpu.memory_space<semaphore_mem>>) src(%dma_wait3A_122 : memref<880xi32, #tpu.memory_space<hbm>>) dst(%dma_wait3A_120 : memref<880xi32, #tpu.memory_space<vmem>>)
    %dma_wait3A_123 = arith.constant 2640 : i32
    %dma_wait3A_124 = tpu.memref_slice %arg5[%dma_wait3A_123] : memref<8800xi32, #tpu.memory_space<vmem>> -> memref<880xi32, #tpu.memory_space<vmem>>
    %dma_wait3A_125 = arith.constant 84480 : i32
    %dma_wait3A_126 = tpu.memref_slice %arg2[%dma_wait3A_125] : memref<281600xi32, #tpu.memory_space<hbm>> -> memref<880xi32, #tpu.memory_space<hbm>>
    %dma_wait3A_127 = arith.constant 2640 : i32
    %dma_wait3A_128 = tpu.memref_slice %arg5[%dma_wait3A_127] : memref<8800xi32, #tpu.memory_space<vmem>> -> memref<880xi32, #tpu.memory_space<vmem>>
    %dma_wait3A_129 = arith.constant 84480 : i32
    %dma_wait3A_130 = tpu.memref_slice %arg2[%dma_wait3A_129] : memref<281600xi32, #tpu.memory_space<hbm>> -> memref<880xi32, #tpu.memory_space<hbm>>
    tpu.wait_dma2 semaphore(%arg10 : memref<!tpu.dma_semaphore, #tpu.memory_space<semaphore_mem>>) src(%dma_wait3A_130 : memref<880xi32, #tpu.memory_space<hbm>>) dst(%dma_wait3A_128 : memref<880xi32, #tpu.memory_space<vmem>>)
    %dma_wait3A_131 = arith.constant 3520 : i32
    %dma_wait3A_132 = tpu.memref_slice %arg5[%dma_wait3A_131] : memref<8800xi32, #tpu.memory_space<vmem>> -> memref<880xi32, #tpu.memory_space<vmem>>
    %dma_wait3A_133 = arith.constant 112640 : i32
    %dma_wait3A_134 = tpu.memref_slice %arg2[%dma_wait3A_133] : memref<281600xi32, #tpu.memory_space<hbm>> -> memref<880xi32, #tpu.memory_space<hbm>>
    %dma_wait3A_135 = arith.constant 3520 : i32
    %dma_wait3A_136 = tpu.memref_slice %arg5[%dma_wait3A_135] : memref<8800xi32, #tpu.memory_space<vmem>> -> memref<880xi32, #tpu.memory_space<vmem>>
    %dma_wait3A_137 = arith.constant 112640 : i32
    %dma_wait3A_138 = tpu.memref_slice %arg2[%dma_wait3A_137] : memref<281600xi32, #tpu.memory_space<hbm>> -> memref<880xi32, #tpu.memory_space<hbm>>
    tpu.wait_dma2 semaphore(%arg10 : memref<!tpu.dma_semaphore, #tpu.memory_space<semaphore_mem>>) src(%dma_wait3A_138 : memref<880xi32, #tpu.memory_space<hbm>>) dst(%dma_wait3A_136 : memref<880xi32, #tpu.memory_space<vmem>>)
    %dma_wait3A_139 = arith.constant 4400 : i32
    %dma_wait3A_140 = tpu.memref_slice %arg5[%dma_wait3A_139] : memref<8800xi32, #tpu.memory_space<vmem>> -> memref<880xi32, #tpu.memory_space<vmem>>
    %dma_wait3A_141 = arith.constant 140800 : i32
    %dma_wait3A_142 = tpu.memref_slice %arg2[%dma_wait3A_141] : memref<281600xi32, #tpu.memory_space<hbm>> -> memref<880xi32, #tpu.memory_space<hbm>>
    %dma_wait3A_143 = arith.constant 4400 : i32
    %dma_wait3A_144 = tpu.memref_slice %arg5[%dma_wait3A_143] : memref<8800xi32, #tpu.memory_space<vmem>> -> memref<880xi32, #tpu.memory_space<vmem>>
    %dma_wait3A_145 = arith.constant 140800 : i32
    %dma_wait3A_146 = tpu.memref_slice %arg2[%dma_wait3A_145] : memref<281600xi32, #tpu.memory_space<hbm>> -> memref<880xi32, #tpu.memory_space<hbm>>
    tpu.wait_dma2 semaphore(%arg10 : memref<!tpu.dma_semaphore, #tpu.memory_space<semaphore_mem>>) src(%dma_wait3A_146 : memref<880xi32, #tpu.memory_space<hbm>>) dst(%dma_wait3A_144 : memref<880xi32, #tpu.memory_space<vmem>>)
    %dma_wait3A_147 = arith.constant 5280 : i32
    %dma_wait3A_148 = tpu.memref_slice %arg5[%dma_wait3A_147] : memref<8800xi32, #tpu.memory_space<vmem>> -> memref<880xi32, #tpu.memory_space<vmem>>
    %dma_wait3A_149 = arith.constant 168960 : i32
    %dma_wait3A_150 = tpu.memref_slice %arg2[%dma_wait3A_149] : memref<281600xi32, #tpu.memory_space<hbm>> -> memref<880xi32, #tpu.memory_space<hbm>>
    %dma_wait3A_151 = arith.constant 5280 : i32
    %dma_wait3A_152 = tpu.memref_slice %arg5[%dma_wait3A_151] : memref<8800xi32, #tpu.memory_space<vmem>> -> memref<880xi32, #tpu.memory_space<vmem>>
    %dma_wait3A_153 = arith.constant 168960 : i32
    %dma_wait3A_154 = tpu.memref_slice %arg2[%dma_wait3A_153] : memref<281600xi32, #tpu.memory_space<hbm>> -> memref<880xi32, #tpu.memory_space<hbm>>
    tpu.wait_dma2 semaphore(%arg10 : memref<!tpu.dma_semaphore, #tpu.memory_space<semaphore_mem>>) src(%dma_wait3A_154 : memref<880xi32, #tpu.memory_space<hbm>>) dst(%dma_wait3A_152 : memref<880xi32, #tpu.memory_space<vmem>>)
    %dma_wait3A_155 = arith.constant 6160 : i32
    %dma_wait3A_156 = tpu.memref_slice %arg5[%dma_wait3A_155] : memref<8800xi32, #tpu.memory_space<vmem>> -> memref<880xi32, #tpu.memory_space<vmem>>
    %dma_wait3A_157 = arith.constant 197120 : i32
    %dma_wait3A_158 = tpu.memref_slice %arg2[%dma_wait3A_157] : memref<281600xi32, #tpu.memory_space<hbm>> -> memref<880xi32, #tpu.memory_space<hbm>>
    %dma_wait3A_159 = arith.constant 6160 : i32
    %dma_wait3A_160 = tpu.memref_slice %arg5[%dma_wait3A_159] : memref<8800xi32, #tpu.memory_space<vmem>> -> memref<880xi32, #tpu.memory_space<vmem>>
    %dma_wait3A_161 = arith.constant 197120 : i32
    %dma_wait3A_162 = tpu.memref_slice %arg2[%dma_wait3A_161] : memref<281600xi32, #tpu.memory_space<hbm>> -> memref<880xi32, #tpu.memory_space<hbm>>
    tpu.wait_dma2 semaphore(%arg10 : memref<!tpu.dma_semaphore, #tpu.memory_space<semaphore_mem>>) src(%dma_wait3A_162 : memref<880xi32, #tpu.memory_space<hbm>>) dst(%dma_wait3A_160 : memref<880xi32, #tpu.memory_space<vmem>>)
    %dma_wait3A_163 = arith.constant 7040 : i32
    %dma_wait3A_164 = tpu.memref_slice %arg5[%dma_wait3A_163] : memref<8800xi32, #tpu.memory_space<vmem>> -> memref<880xi32, #tpu.memory_space<vmem>>
    %dma_wait3A_165 = arith.constant 225280 : i32
    %dma_wait3A_166 = tpu.memref_slice %arg2[%dma_wait3A_165] : memref<281600xi32, #tpu.memory_space<hbm>> -> memref<880xi32, #tpu.memory_space<hbm>>
    %dma_wait3A_167 = arith.constant 7040 : i32
    %dma_wait3A_168 = tpu.memref_slice %arg5[%dma_wait3A_167] : memref<8800xi32, #tpu.memory_space<vmem>> -> memref<880xi32, #tpu.memory_space<vmem>>
    %dma_wait3A_169 = arith.constant 225280 : i32
    %dma_wait3A_170 = tpu.memref_slice %arg2[%dma_wait3A_169] : memref<281600xi32, #tpu.memory_space<hbm>> -> memref<880xi32, #tpu.memory_space<hbm>>
    tpu.wait_dma2 semaphore(%arg10 : memref<!tpu.dma_semaphore, #tpu.memory_space<semaphore_mem>>) src(%dma_wait3A_170 : memref<880xi32, #tpu.memory_space<hbm>>) dst(%dma_wait3A_168 : memref<880xi32, #tpu.memory_space<vmem>>)
    %dma_wait3A_171 = arith.constant 7920 : i32
    %dma_wait3A_172 = tpu.memref_slice %arg5[%dma_wait3A_171] : memref<8800xi32, #tpu.memory_space<vmem>> -> memref<880xi32, #tpu.memory_space<vmem>>
    %dma_wait3A_173 = arith.constant 253440 : i32
    %dma_wait3A_174 = tpu.memref_slice %arg2[%dma_wait3A_173] : memref<281600xi32, #tpu.memory_space<hbm>> -> memref<880xi32, #tpu.memory_space<hbm>>
    %dma_wait3A_175 = arith.constant 7920 : i32
    %dma_wait3A_176 = tpu.memref_slice %arg5[%dma_wait3A_175] : memref<8800xi32, #tpu.memory_space<vmem>> -> memref<880xi32, #tpu.memory_space<vmem>>
    %dma_wait3A_177 = arith.constant 253440 : i32
    %dma_wait3A_178 = tpu.memref_slice %arg2[%dma_wait3A_177] : memref<281600xi32, #tpu.memory_space<hbm>> -> memref<880xi32, #tpu.memory_space<hbm>>
    tpu.wait_dma2 semaphore(%arg10 : memref<!tpu.dma_semaphore, #tpu.memory_space<semaphore_mem>>) src(%dma_wait3A_178 : memref<880xi32, #tpu.memory_space<hbm>>) dst(%dma_wait3A_176 : memref<880xi32, #tpu.memory_space<vmem>>)
    %iota3A = tpu.iota {dimensions = array<i32: 0>} : vector<16xi32>
    %eq3A = arith.constant 0 : i32
    %eq3A_179 = vector.broadcast %eq3A : i32 to vector<16xi32>
    %eq3A_180 = arith.cmpi eq, %iota3A, %eq3A_179 : vector<16xi32>
    %eq3A_181 = arith.constant 1 : i32
    %eq3A_182 = vector.broadcast %eq3A_181 : i32 to vector<16xi32>
    %eq3A_183 = arith.cmpi eq, %iota3A, %eq3A_182 : vector<16xi32>
    %eq3A_184 = arith.constant 2 : i32
    %eq3A_185 = vector.broadcast %eq3A_184 : i32 to vector<16xi32>
    %eq3A_186 = arith.cmpi eq, %iota3A, %eq3A_185 : vector<16xi32>
    %eq3A_187 = arith.constant 3 : i32
    %eq3A_188 = vector.broadcast %eq3A_187 : i32 to vector<16xi32>
    %eq3A_189 = arith.cmpi eq, %iota3A, %eq3A_188 : vector<16xi32>
    %eq3A_190 = arith.constant 4 : i32
    %eq3A_191 = vector.broadcast %eq3A_190 : i32 to vector<16xi32>
    %eq3A_192 = arith.cmpi eq, %iota3A, %eq3A_191 : vector<16xi32>
    %eq3A_193 = arith.constant 5 : i32
    %eq3A_194 = vector.broadcast %eq3A_193 : i32 to vector<16xi32>
    %eq3A_195 = arith.cmpi eq, %iota3A, %eq3A_194 : vector<16xi32>
    %eq3A_196 = arith.constant 6 : i32
    %eq3A_197 = vector.broadcast %eq3A_196 : i32 to vector<16xi32>
    %eq3A_198 = arith.cmpi eq, %iota3A, %eq3A_197 : vector<16xi32>
    %eq3A_199 = arith.constant 7 : i32
    %eq3A_200 = vector.broadcast %eq3A_199 : i32 to vector<16xi32>
    %eq3A_201 = arith.cmpi eq, %iota3A, %eq3A_200 : vector<16xi32>
    %eq3A_202 = arith.constant 8 : i32
    %eq3A_203 = vector.broadcast %eq3A_202 : i32 to vector<16xi32>
    %eq3A_204 = arith.cmpi eq, %iota3A, %eq3A_203 : vector<16xi32>
    %dma_start3A_205 = arith.constant 0 : i32
    %dma_start3A_206 = arith.constant 0 : i32
    %dma_start3A_207 = tpu.memref_slice %arg6[%dma_start3A_205, %dma_start3A_206] : memref<400x128xf32, #tpu.memory_space<vmem>> -> memref<40x128xf32, #tpu.memory_space<vmem>>
    %dma_start3A_208 = arith.constant 0 : i32
    %dma_start3A_209 = tpu.memref_slice %arg5[%dma_start3A_208] : memref<8800xi32, #tpu.memory_space<vmem>> -> memref<40xi32, #tpu.memory_space<vmem>>
    %dma_start3A_210 = arith.constant 0 : i32
    %dma_start3A_211 = arith.constant 0 : i32
    %dma_start3A_212 = tpu.memref_slice %arg3[%dma_start3A_210, %dma_start3A_211] : memref<100000x128xf32, #tpu.memory_space<hbm>> -> memref<100000x128xf32, #tpu.memory_space<hbm>>
    tpu.enqueue_indirect_dma source(%dma_start3A_212 : memref<100000x128xf32, #tpu.memory_space<hbm>>) target(%dma_start3A_207 : memref<40x128xf32, #tpu.memory_space<vmem>>) offsets(%dma_start3A_209 : memref<40xi32, #tpu.memory_space<vmem>>) semaphore(%arg10 : memref<!tpu.dma_semaphore, #tpu.memory_space<semaphore_mem>>)
    %dma_start3A_213 = arith.constant 40 : i32
    %dma_start3A_214 = arith.constant 0 : i32
    %dma_start3A_215 = tpu.memref_slice %arg6[%dma_start3A_213, %dma_start3A_214] : memref<400x128xf32, #tpu.memory_space<vmem>> -> memref<40x128xf32, #tpu.memory_space<vmem>>
    %dma_start3A_216 = arith.constant 880 : i32
    %dma_start3A_217 = tpu.memref_slice %arg5[%dma_start3A_216] : memref<8800xi32, #tpu.memory_space<vmem>> -> memref<40xi32, #tpu.memory_space<vmem>>
    %dma_start3A_218 = arith.constant 0 : i32
    %dma_start3A_219 = arith.constant 0 : i32
    %dma_start3A_220 = tpu.memref_slice %arg3[%dma_start3A_218, %dma_start3A_219] : memref<100000x128xf32, #tpu.memory_space<hbm>> -> memref<100000x128xf32, #tpu.memory_space<hbm>>
    tpu.enqueue_indirect_dma source(%dma_start3A_220 : memref<100000x128xf32, #tpu.memory_space<hbm>>) target(%dma_start3A_215 : memref<40x128xf32, #tpu.memory_space<vmem>>) offsets(%dma_start3A_217 : memref<40xi32, #tpu.memory_space<vmem>>) semaphore(%arg10 : memref<!tpu.dma_semaphore, #tpu.memory_space<semaphore_mem>>)
    %dma_start3A_221 = arith.constant 80 : i32
    %dma_start3A_222 = arith.constant 0 : i32
    %dma_start3A_223 = tpu.memref_slice %arg6[%dma_start3A_221, %dma_start3A_222] : memref<400x128xf32, #tpu.memory_space<vmem>> -> memref<40x128xf32, #tpu.memory_space<vmem>>
    %dma_start3A_224 = arith.constant 1760 : i32
    %dma_start3A_225 = tpu.memref_slice %arg5[%dma_start3A_224] : memref<8800xi32, #tpu.memory_space<vmem>> -> memref<40xi32, #tpu.memory_space<vmem>>
    %dma_start3A_226 = arith.constant 0 : i32
    %dma_start3A_227 = arith.constant 0 : i32
    %dma_start3A_228 = tpu.memref_slice %arg3[%dma_start3A_226, %dma_start3A_227] : memref<100000x128xf32, #tpu.memory_space<hbm>> -> memref<100000x128xf32, #tpu.memory_space<hbm>>
    tpu.enqueue_indirect_dma source(%dma_start3A_228 : memref<100000x128xf32, #tpu.memory_space<hbm>>) target(%dma_start3A_223 : memref<40x128xf32, #tpu.memory_space<vmem>>) offsets(%dma_start3A_225 : memref<40xi32, #tpu.memory_space<vmem>>) semaphore(%arg10 : memref<!tpu.dma_semaphore, #tpu.memory_space<semaphore_mem>>)
    %dma_start3A_229 = arith.constant 120 : i32
    %dma_start3A_230 = arith.constant 0 : i32
    %dma_start3A_231 = tpu.memref_slice %arg6[%dma_start3A_229, %dma_start3A_230] : memref<400x128xf32, #tpu.memory_space<vmem>> -> memref<40x128xf32, #tpu.memory_space<vmem>>
    %dma_start3A_232 = arith.constant 2640 : i32
    %dma_start3A_233 = tpu.memref_slice %arg5[%dma_start3A_232] : memref<8800xi32, #tpu.memory_space<vmem>> -> memref<40xi32, #tpu.memory_space<vmem>>
    %dma_start3A_234 = arith.constant 0 : i32
    %dma_start3A_235 = arith.constant 0 : i32
    %dma_start3A_236 = tpu.memref_slice %arg3[%dma_start3A_234, %dma_start3A_235] : memref<100000x128xf32, #tpu.memory_space<hbm>> -> memref<100000x128xf32, #tpu.memory_space<hbm>>
    tpu.enqueue_indirect_dma source(%dma_start3A_236 : memref<100000x128xf32, #tpu.memory_space<hbm>>) target(%dma_start3A_231 : memref<40x128xf32, #tpu.memory_space<vmem>>) offsets(%dma_start3A_233 : memref<40xi32, #tpu.memory_space<vmem>>) semaphore(%arg10 : memref<!tpu.dma_semaphore, #tpu.memory_space<semaphore_mem>>)
    %dma_start3A_237 = arith.constant 160 : i32
    %dma_start3A_238 = arith.constant 0 : i32
    %dma_start3A_239 = tpu.memref_slice %arg6[%dma_start3A_237, %dma_start3A_238] : memref<400x128xf32, #tpu.memory_space<vmem>> -> memref<40x128xf32, #tpu.memory_space<vmem>>
    %dma_start3A_240 = arith.constant 3520 : i32
    %dma_start3A_241 = tpu.memref_slice %arg5[%dma_start3A_240] : memref<8800xi32, #tpu.memory_space<vmem>> -> memref<40xi32, #tpu.memory_space<vmem>>
    %dma_start3A_242 = arith.constant 0 : i32
    %dma_start3A_243 = arith.constant 0 : i32
    %dma_start3A_244 = tpu.memref_slice %arg3[%dma_start3A_242, %dma_start3A_243] : memref<100000x128xf32, #tpu.memory_space<hbm>> -> memref<100000x128xf32, #tpu.memory_space<hbm>>
    tpu.enqueue_indirect_dma source(%dma_start3A_244 : memref<100000x128xf32, #tpu.memory_space<hbm>>) target(%dma_start3A_239 : memref<40x128xf32, #tpu.memory_space<vmem>>) offsets(%dma_start3A_241 : memref<40xi32, #tpu.memory_space<vmem>>) semaphore(%arg10 : memref<!tpu.dma_semaphore, #tpu.memory_space<semaphore_mem>>)
    %dma_start3A_245 = arith.constant 200 : i32
    %dma_start3A_246 = arith.constant 0 : i32
    %dma_start3A_247 = tpu.memref_slice %arg6[%dma_start3A_245, %dma_start3A_246] : memref<400x128xf32, #tpu.memory_space<vmem>> -> memref<40x128xf32, #tpu.memory_space<vmem>>
    %dma_start3A_248 = arith.constant 4400 : i32
    %dma_start3A_249 = tpu.memref_slice %arg5[%dma_start3A_248] : memref<8800xi32, #tpu.memory_space<vmem>> -> memref<40xi32, #tpu.memory_space<vmem>>
    %dma_start3A_250 = arith.constant 0 : i32
    %dma_start3A_251 = arith.constant 0 : i32
    %dma_start3A_252 = tpu.memref_slice %arg3[%dma_start3A_250, %dma_start3A_251] : memref<100000x128xf32, #tpu.memory_space<hbm>> -> memref<100000x128xf32, #tpu.memory_space<hbm>>
    tpu.enqueue_indirect_dma source(%dma_start3A_252 : memref<100000x128xf32, #tpu.memory_space<hbm>>) target(%dma_start3A_247 : memref<40x128xf32, #tpu.memory_space<vmem>>) offsets(%dma_start3A_249 : memref<40xi32, #tpu.memory_space<vmem>>) semaphore(%arg10 : memref<!tpu.dma_semaphore, #tpu.memory_space<semaphore_mem>>)
    %dma_start3A_253 = arith.constant 240 : i32
    %dma_start3A_254 = arith.constant 0 : i32
    %dma_start3A_255 = tpu.memref_slice %arg6[%dma_start3A_253, %dma_start3A_254] : memref<400x128xf32, #tpu.memory_space<vmem>> -> memref<40x128xf32, #tpu.memory_space<vmem>>
    %dma_start3A_256 = arith.constant 5280 : i32
    %dma_start3A_257 = tpu.memref_slice %arg5[%dma_start3A_256] : memref<8800xi32, #tpu.memory_space<vmem>> -> memref<40xi32, #tpu.memory_space<vmem>>
    %dma_start3A_258 = arith.constant 0 : i32
    %dma_start3A_259 = arith.constant 0 : i32
    %dma_start3A_260 = tpu.memref_slice %arg3[%dma_start3A_258, %dma_start3A_259] : memref<100000x128xf32, #tpu.memory_space<hbm>> -> memref<100000x128xf32, #tpu.memory_space<hbm>>
    tpu.enqueue_indirect_dma source(%dma_start3A_260 : memref<100000x128xf32, #tpu.memory_space<hbm>>) target(%dma_start3A_255 : memref<40x128xf32, #tpu.memory_space<vmem>>) offsets(%dma_start3A_257 : memref<40xi32, #tpu.memory_space<vmem>>) semaphore(%arg10 : memref<!tpu.dma_semaphore, #tpu.memory_space<semaphore_mem>>)
    %dma_start3A_261 = arith.constant 280 : i32
    %dma_start3A_262 = arith.constant 0 : i32
    %dma_start3A_263 = tpu.memref_slice %arg6[%dma_start3A_261, %dma_start3A_262] : memref<400x128xf32, #tpu.memory_space<vmem>> -> memref<40x128xf32, #tpu.memory_space<vmem>>
    %dma_start3A_264 = arith.constant 6160 : i32
    %dma_start3A_265 = tpu.memref_slice %arg5[%dma_start3A_264] : memref<8800xi32, #tpu.memory_space<vmem>> -> memref<40xi32, #tpu.memory_space<vmem>>
    %dma_start3A_266 = arith.constant 0 : i32
    %dma_start3A_267 = arith.constant 0 : i32
    %dma_start3A_268 = tpu.memref_slice %arg3[%dma_start3A_266, %dma_start3A_267] : memref<100000x128xf32, #tpu.memory_space<hbm>> -> memref<100000x128xf32, #tpu.memory_space<hbm>>
    tpu.enqueue_indirect_dma source(%dma_start3A_268 : memref<100000x128xf32, #tpu.memory_space<hbm>>) target(%dma_start3A_263 : memref<40x128xf32, #tpu.memory_space<vmem>>) offsets(%dma_start3A_265 : memref<40xi32, #tpu.memory_space<vmem>>) semaphore(%arg10 : memref<!tpu.dma_semaphore, #tpu.memory_space<semaphore_mem>>)
    %dma_start3A_269 = arith.constant 320 : i32
    %dma_start3A_270 = arith.constant 0 : i32
    %dma_start3A_271 = tpu.memref_slice %arg6[%dma_start3A_269, %dma_start3A_270] : memref<400x128xf32, #tpu.memory_space<vmem>> -> memref<40x128xf32, #tpu.memory_space<vmem>>
    %dma_start3A_272 = arith.constant 7040 : i32
    %dma_start3A_273 = tpu.memref_slice %arg5[%dma_start3A_272] : memref<8800xi32, #tpu.memory_space<vmem>> -> memref<40xi32, #tpu.memory_space<vmem>>
    %dma_start3A_274 = arith.constant 0 : i32
    %dma_start3A_275 = arith.constant 0 : i32
    %dma_start3A_276 = tpu.memref_slice %arg3[%dma_start3A_274, %dma_start3A_275] : memref<100000x128xf32, #tpu.memory_space<hbm>> -> memref<100000x128xf32, #tpu.memory_space<hbm>>
    tpu.enqueue_indirect_dma source(%dma_start3A_276 : memref<100000x128xf32, #tpu.memory_space<hbm>>) target(%dma_start3A_271 : memref<40x128xf32, #tpu.memory_space<vmem>>) offsets(%dma_start3A_273 : memref<40xi32, #tpu.memory_space<vmem>>) semaphore(%arg10 : memref<!tpu.dma_semaphore, #tpu.memory_space<semaphore_mem>>)
    %dma_start3A_277 = arith.constant 360 : i32
    %dma_start3A_278 = arith.constant 0 : i32
    %dma_start3A_279 = tpu.memref_slice %arg6[%dma_start3A_277, %dma_start3A_278] : memref<400x128xf32, #tpu.memory_space<vmem>> -> memref<40x128xf32, #tpu.memory_space<vmem>>
    %dma_start3A_280 = arith.constant 7920 : i32
    %dma_start3A_281 = tpu.memref_slice %arg5[%dma_start3A_280] : memref<8800xi32, #tpu.memory_space<vmem>> -> memref<40xi32, #tpu.memory_space<vmem>>
    %dma_start3A_282 = arith.constant 0 : i32
    %dma_start3A_283 = arith.constant 0 : i32
    %dma_start3A_284 = tpu.memref_slice %arg3[%dma_start3A_282, %dma_start3A_283] : memref<100000x128xf32, #tpu.memory_space<hbm>> -> memref<100000x128xf32, #tpu.memory_space<hbm>>
    tpu.enqueue_indirect_dma source(%dma_start3A_284 : memref<100000x128xf32, #tpu.memory_space<hbm>>) target(%dma_start3A_279 : memref<40x128xf32, #tpu.memory_space<vmem>>) offsets(%dma_start3A_281 : memref<40xi32, #tpu.memory_space<vmem>>) semaphore(%arg10 : memref<!tpu.dma_semaphore, #tpu.memory_space<semaphore_mem>>)
    %scan3A = arith.constant 0 : i32
    %scan3A_285 = arith.constant 0 : i32
    %scan3A_286 = arith.constant 11 : i32
    %scan3A_287 = arith.addi %scan3A_285, %scan3A_286 : i32
    %scan3A_288 = arith.constant 1 : i32
    scf.for %scan3A_310 = %scan3A_285 to %scan3A_287 step %scan3A_288  : i32 {
      %mul3A_311 = arith.constant 2 : i32
      %mul3A_312 = arith.muli %mul3A_311, %scan3A_310 : i32
      %add3A_313 = arith.constant 1 : i32
      %add3A_314 = arith.addi %mul3A_312, %add3A_313 : i32
      %mul3A_315 = arith.constant 40 : i32
      %mul3A_316 = arith.muli %add3A_314, %mul3A_315 : i32
      %add3A_317 = arith.constant 0 : i32
      %add3A_318 = arith.addi %add3A_317, %mul3A_316 : i32
      %dma_start3A_319 = arith.constant 0 : i32
      %dma_start3A_320 = arith.constant 0 : i32
      %dma_start3A_321 = tpu.memref_slice %arg7[%dma_start3A_319, %dma_start3A_320] : memref<400x128xf32, #tpu.memory_space<vmem>> -> memref<40x128xf32, #tpu.memory_space<vmem>>
      %dma_start3A_322 = tpu.memref_slice %arg5[%add3A_318] : memref<8800xi32, #tpu.memory_space<vmem>> -> memref<40xi32, #tpu.memory_space<vmem>>
      %dma_start3A_323 = arith.constant 0 : i32
      %dma_start3A_324 = arith.constant 0 : i32
      %dma_start3A_325 = tpu.memref_slice %arg3[%dma_start3A_323, %dma_start3A_324] : memref<100000x128xf32, #tpu.memory_space<hbm>> -> memref<100000x128xf32, #tpu.memory_space<hbm>>
      tpu.enqueue_indirect_dma source(%dma_start3A_325 : memref<100000x128xf32, #tpu.memory_space<hbm>>) target(%dma_start3A_321 : memref<40x128xf32, #tpu.memory_space<vmem>>) offsets(%dma_start3A_322 : memref<40xi32, #tpu.memory_space<vmem>>) semaphore(%arg11 : memref<!tpu.dma_semaphore, #tpu.memory_space<semaphore_mem>>)
      %mul3A_326 = arith.constant 40 : i32
      %mul3A_327 = arith.muli %add3A_314, %mul3A_326 : i32
      %add3A_328 = arith.constant 880 : i32
      %add3A_329 = arith.addi %add3A_328, %mul3A_327 : i32
      %dma_start3A_330 = arith.constant 40 : i32
      %dma_start3A_331 = arith.constant 0 : i32
      %dma_start3A_332 = tpu.memref_slice %arg7[%dma_start3A_330, %dma_start3A_331] : memref<400x128xf32, #tpu.memory_space<vmem>> -> memref<40x128xf32, #tpu.memory_space<vmem>>
      %dma_start3A_333 = tpu.memref_slice %arg5[%add3A_329] : memref<8800xi32, #tpu.memory_space<vmem>> -> memref<40xi32, #tpu.memory_space<vmem>>
      %dma_start3A_334 = arith.constant 0 : i32
      %dma_start3A_335 = arith.constant 0 : i32
      %dma_start3A_336 = tpu.memref_slice %arg3[%dma_start3A_334, %dma_start3A_335] : memref<100000x128xf32, #tpu.memory_space<hbm>> -> memref<100000x128xf32, #tpu.memory_space<hbm>>
      tpu.enqueue_indirect_dma source(%dma_start3A_336 : memref<100000x128xf32, #tpu.memory_space<hbm>>) target(%dma_start3A_332 : memref<40x128xf32, #tpu.memory_space<vmem>>) offsets(%dma_start3A_333 : memref<40xi32, #tpu.memory_space<vmem>>) semaphore(%arg11 : memref<!tpu.dma_semaphore, #tpu.memory_space<semaphore_mem>>)
      %mul3A_337 = arith.constant 40 : i32
      %mul3A_338 = arith.muli %add3A_314, %mul3A_337 : i32
      %add3A_339 = arith.constant 1760 : i32
      %add3A_340 = arith.addi %add3A_339, %mul3A_338 : i32
      %dma_start3A_341 = arith.constant 80 : i32
      %dma_start3A_342 = arith.constant 0 : i32
      %dma_start3A_343 = tpu.memref_slice %arg7[%dma_start3A_341, %dma_start3A_342] : memref<400x128xf32, #tpu.memory_space<vmem>> -> memref<40x128xf32, #tpu.memory_space<vmem>>
      %dma_start3A_344 = tpu.memref_slice %arg5[%add3A_340] : memref<8800xi32, #tpu.memory_space<vmem>> -> memref<40xi32, #tpu.memory_space<vmem>>
      %dma_start3A_345 = arith.constant 0 : i32
      %dma_start3A_346 = arith.constant 0 : i32
      %dma_start3A_347 = tpu.memref_slice %arg3[%dma_start3A_345, %dma_start3A_346] : memref<100000x128xf32, #tpu.memory_space<hbm>> -> memref<100000x128xf32, #tpu.memory_space<hbm>>
      tpu.enqueue_indirect_dma source(%dma_start3A_347 : memref<100000x128xf32, #tpu.memory_space<hbm>>) target(%dma_start3A_343 : memref<40x128xf32, #tpu.memory_space<vmem>>) offsets(%dma_start3A_344 : memref<40xi32, #tpu.memory_space<vmem>>) semaphore(%arg11 : memref<!tpu.dma_semaphore, #tpu.memory_space<semaphore_mem>>)
      %mul3A_348 = arith.constant 40 : i32
      %mul3A_349 = arith.muli %add3A_314, %mul3A_348 : i32
      %add3A_350 = arith.constant 2640 : i32
      %add3A_351 = arith.addi %add3A_350, %mul3A_349 : i32
      %dma_start3A_352 = arith.constant 120 : i32
      %dma_start3A_353 = arith.constant 0 : i32
      %dma_start3A_354 = tpu.memref_slice %arg7[%dma_start3A_352, %dma_start3A_353] : memref<400x128xf32, #tpu.memory_space<vmem>> -> memref<40x128xf32, #tpu.memory_space<vmem>>
      %dma_start3A_355 = tpu.memref_slice %arg5[%add3A_351] : memref<8800xi32, #tpu.memory_space<vmem>> -> memref<40xi32, #tpu.memory_space<vmem>>
      %dma_start3A_356 = arith.constant 0 : i32
      %dma_start3A_357 = arith.constant 0 : i32
      %dma_start3A_358 = tpu.memref_slice %arg3[%dma_start3A_356, %dma_start3A_357] : memref<100000x128xf32, #tpu.memory_space<hbm>> -> memref<100000x128xf32, #tpu.memory_space<hbm>>
      tpu.enqueue_indirect_dma source(%dma_start3A_358 : memref<100000x128xf32, #tpu.memory_space<hbm>>) target(%dma_start3A_354 : memref<40x128xf32, #tpu.memory_space<vmem>>) offsets(%dma_start3A_355 : memref<40xi32, #tpu.memory_space<vmem>>) semaphore(%arg11 : memref<!tpu.dma_semaphore, #tpu.memory_space<semaphore_mem>>)
      %mul3A_359 = arith.constant 40 : i32
      %mul3A_360 = arith.muli %add3A_314, %mul3A_359 : i32
      %add3A_361 = arith.constant 3520 : i32
      %add3A_362 = arith.addi %add3A_361, %mul3A_360 : i32
      %dma_start3A_363 = arith.constant 160 : i32
      %dma_start3A_364 = arith.constant 0 : i32
      %dma_start3A_365 = tpu.memref_slice %arg7[%dma_start3A_363, %dma_start3A_364] : memref<400x128xf32, #tpu.memory_space<vmem>> -> memref<40x128xf32, #tpu.memory_space<vmem>>
      %dma_start3A_366 = tpu.memref_slice %arg5[%add3A_362] : memref<8800xi32, #tpu.memory_space<vmem>> -> memref<40xi32, #tpu.memory_space<vmem>>
      %dma_start3A_367 = arith.constant 0 : i32
      %dma_start3A_368 = arith.constant 0 : i32
      %dma_start3A_369 = tpu.memref_slice %arg3[%dma_start3A_367, %dma_start3A_368] : memref<100000x128xf32, #tpu.memory_space<hbm>> -> memref<100000x128xf32, #tpu.memory_space<hbm>>
      tpu.enqueue_indirect_dma source(%dma_start3A_369 : memref<100000x128xf32, #tpu.memory_space<hbm>>) target(%dma_start3A_365 : memref<40x128xf32, #tpu.memory_space<vmem>>) offsets(%dma_start3A_366 : memref<40xi32, #tpu.memory_space<vmem>>) semaphore(%arg11 : memref<!tpu.dma_semaphore, #tpu.memory_space<semaphore_mem>>)
      %mul3A_370 = arith.constant 40 : i32
      %mul3A_371 = arith.muli %add3A_314, %mul3A_370 : i32
      %add3A_372 = arith.constant 4400 : i32
      %add3A_373 = arith.addi %add3A_372, %mul3A_371 : i32
      %dma_start3A_374 = arith.constant 200 : i32
      %dma_start3A_375 = arith.constant 0 : i32
      %dma_start3A_376 = tpu.memref_slice %arg7[%dma_start3A_374, %dma_start3A_375] : memref<400x128xf32, #tpu.memory_space<vmem>> -> memref<40x128xf32, #tpu.memory_space<vmem>>
      %dma_start3A_377 = tpu.memref_slice %arg5[%add3A_373] : memref<8800xi32, #tpu.memory_space<vmem>> -> memref<40xi32, #tpu.memory_space<vmem>>
      %dma_start3A_378 = arith.constant 0 : i32
      %dma_start3A_379 = arith.constant 0 : i32
      %dma_start3A_380 = tpu.memref_slice %arg3[%dma_start3A_378, %dma_start3A_379] : memref<100000x128xf32, #tpu.memory_space<hbm>> -> memref<100000x128xf32, #tpu.memory_space<hbm>>
      tpu.enqueue_indirect_dma source(%dma_start3A_380 : memref<100000x128xf32, #tpu.memory_space<hbm>>) target(%dma_start3A_376 : memref<40x128xf32, #tpu.memory_space<vmem>>) offsets(%dma_start3A_377 : memref<40xi32, #tpu.memory_space<vmem>>) semaphore(%arg11 : memref<!tpu.dma_semaphore, #tpu.memory_space<semaphore_mem>>)
      %mul3A_381 = arith.constant 40 : i32
      %mul3A_382 = arith.muli %add3A_314, %mul3A_381 : i32
      %add3A_383 = arith.constant 5280 : i32
      %add3A_384 = arith.addi %add3A_383, %mul3A_382 : i32
      %dma_start3A_385 = arith.constant 240 : i32
      %dma_start3A_386 = arith.constant 0 : i32
      %dma_start3A_387 = tpu.memref_slice %arg7[%dma_start3A_385, %dma_start3A_386] : memref<400x128xf32, #tpu.memory_space<vmem>> -> memref<40x128xf32, #tpu.memory_space<vmem>>
      %dma_start3A_388 = tpu.memref_slice %arg5[%add3A_384] : memref<8800xi32, #tpu.memory_space<vmem>> -> memref<40xi32, #tpu.memory_space<vmem>>
      %dma_start3A_389 = arith.constant 0 : i32
      %dma_start3A_390 = arith.constant 0 : i32
      %dma_start3A_391 = tpu.memref_slice %arg3[%dma_start3A_389, %dma_start3A_390] : memref<100000x128xf32, #tpu.memory_space<hbm>> -> memref<100000x128xf32, #tpu.memory_space<hbm>>
      tpu.enqueue_indirect_dma source(%dma_start3A_391 : memref<100000x128xf32, #tpu.memory_space<hbm>>) target(%dma_start3A_387 : memref<40x128xf32, #tpu.memory_space<vmem>>) offsets(%dma_start3A_388 : memref<40xi32, #tpu.memory_space<vmem>>) semaphore(%arg11 : memref<!tpu.dma_semaphore, #tpu.memory_space<semaphore_mem>>)
      %mul3A_392 = arith.constant 40 : i32
      %mul3A_393 = arith.muli %add3A_314, %mul3A_392 : i32
      %add3A_394 = arith.constant 6160 : i32
      %add3A_395 = arith.addi %add3A_394, %mul3A_393 : i32
      %dma_start3A_396 = arith.constant 280 : i32
      %dma_start3A_397 = arith.constant 0 : i32
      %dma_start3A_398 = tpu.memref_slice %arg7[%dma_start3A_396, %dma_start3A_397] : memref<400x128xf32, #tpu.memory_space<vmem>> -> memref<40x128xf32, #tpu.memory_space<vmem>>
      %dma_start3A_399 = tpu.memref_slice %arg5[%add3A_395] : memref<8800xi32, #tpu.memory_space<vmem>> -> memref<40xi32, #tpu.memory_space<vmem>>
      %dma_start3A_400 = arith.constant 0 : i32
      %dma_start3A_401 = arith.constant 0 : i32
      %dma_start3A_402 = tpu.memref_slice %arg3[%dma_start3A_400, %dma_start3A_401] : memref<100000x128xf32, #tpu.memory_space<hbm>> -> memref<100000x128xf32, #tpu.memory_space<hbm>>
      tpu.enqueue_indirect_dma source(%dma_start3A_402 : memref<100000x128xf32, #tpu.memory_space<hbm>>) target(%dma_start3A_398 : memref<40x128xf32, #tpu.memory_space<vmem>>) offsets(%dma_start3A_399 : memref<40xi32, #tpu.memory_space<vmem>>) semaphore(%arg11 : memref<!tpu.dma_semaphore, #tpu.memory_space<semaphore_mem>>)
      %mul3A_403 = arith.constant 40 : i32
      %mul3A_404 = arith.muli %add3A_314, %mul3A_403 : i32
      %add3A_405 = arith.constant 7040 : i32
      %add3A_406 = arith.addi %add3A_405, %mul3A_404 : i32
      %dma_start3A_407 = arith.constant 320 : i32
      %dma_start3A_408 = arith.constant 0 : i32
      %dma_start3A_409 = tpu.memref_slice %arg7[%dma_start3A_407, %dma_start3A_408] : memref<400x128xf32, #tpu.memory_space<vmem>> -> memref<40x128xf32, #tpu.memory_space<vmem>>
      %dma_start3A_410 = tpu.memref_slice %arg5[%add3A_406] : memref<8800xi32, #tpu.memory_space<vmem>> -> memref<40xi32, #tpu.memory_space<vmem>>
      %dma_start3A_411 = arith.constant 0 : i32
      %dma_start3A_412 = arith.constant 0 : i32
      %dma_start3A_413 = tpu.memref_slice %arg3[%dma_start3A_411, %dma_start3A_412] : memref<100000x128xf32, #tpu.memory_space<hbm>> -> memref<100000x128xf32, #tpu.memory_space<hbm>>
      tpu.enqueue_indirect_dma source(%dma_start3A_413 : memref<100000x128xf32, #tpu.memory_space<hbm>>) target(%dma_start3A_409 : memref<40x128xf32, #tpu.memory_space<vmem>>) offsets(%dma_start3A_410 : memref<40xi32, #tpu.memory_space<vmem>>) semaphore(%arg11 : memref<!tpu.dma_semaphore, #tpu.memory_space<semaphore_mem>>)
      %mul3A_414 = arith.constant 40 : i32
      %mul3A_415 = arith.muli %add3A_314, %mul3A_414 : i32
      %add3A_416 = arith.constant 7920 : i32
      %add3A_417 = arith.addi %add3A_416, %mul3A_415 : i32
      %dma_start3A_418 = arith.constant 360 : i32
      %dma_start3A_419 = arith.constant 0 : i32
      %dma_start3A_420 = tpu.memref_slice %arg7[%dma_start3A_418, %dma_start3A_419] : memref<400x128xf32, #tpu.memory_space<vmem>> -> memref<40x128xf32, #tpu.memory_space<vmem>>
      %dma_start3A_421 = tpu.memref_slice %arg5[%add3A_417] : memref<8800xi32, #tpu.memory_space<vmem>> -> memref<40xi32, #tpu.memory_space<vmem>>
      %dma_start3A_422 = arith.constant 0 : i32
      %dma_start3A_423 = arith.constant 0 : i32
      %dma_start3A_424 = tpu.memref_slice %arg3[%dma_start3A_422, %dma_start3A_423] : memref<100000x128xf32, #tpu.memory_space<hbm>> -> memref<100000x128xf32, #tpu.memory_space<hbm>>
      tpu.enqueue_indirect_dma source(%dma_start3A_424 : memref<100000x128xf32, #tpu.memory_space<hbm>>) target(%dma_start3A_420 : memref<40x128xf32, #tpu.memory_space<vmem>>) offsets(%dma_start3A_421 : memref<40xi32, #tpu.memory_space<vmem>>) semaphore(%arg11 : memref<!tpu.dma_semaphore, #tpu.memory_space<semaphore_mem>>)
      %dma_wait3A_425 = arith.constant 0 : i32
      %dma_wait3A_426 = arith.constant 0 : i32
      %dma_wait3A_427 = tpu.memref_slice %arg6[%dma_wait3A_425, %dma_wait3A_426] : memref<400x128xf32, #tpu.memory_space<vmem>> -> memref<40x128xf32, #tpu.memory_space<vmem>>
      %dma_wait3A_428 = arith.constant 0 : i32
      %dma_wait3A_429 = tpu.memref_slice %arg5[%dma_wait3A_428] : memref<8800xi32, #tpu.memory_space<vmem>> -> memref<40xi32, #tpu.memory_space<vmem>>
      %dma_wait3A_430 = arith.constant 0 : i32
      %dma_wait3A_431 = arith.constant 0 : i32
      %dma_wait3A_432 = tpu.memref_slice %arg3[%dma_wait3A_430, %dma_wait3A_431] : memref<100000x128xf32, #tpu.memory_space<hbm>> -> memref<100000x128xf32, #tpu.memory_space<hbm>>
      tpu.wait_indirect_dma semaphore(%arg10 : memref<!tpu.dma_semaphore, #tpu.memory_space<semaphore_mem>>) src(%dma_wait3A_432 : memref<100000x128xf32, #tpu.memory_space<hbm>>) dst(%dma_wait3A_427 : memref<40x128xf32, #tpu.memory_space<vmem>>)
      %dma_wait3A_433 = arith.constant 40 : i32
      %dma_wait3A_434 = arith.constant 0 : i32
      %dma_wait3A_435 = tpu.memref_slice %arg6[%dma_wait3A_433, %dma_wait3A_434] : memref<400x128xf32, #tpu.memory_space<vmem>> -> memref<40x128xf32, #tpu.memory_space<vmem>>
      %dma_wait3A_436 = arith.constant 880 : i32
      %dma_wait3A_437 = tpu.memref_slice %arg5[%dma_wait3A_436] : memref<8800xi32, #tpu.memory_space<vmem>> -> memref<40xi32, #tpu.memory_space<vmem>>
      %dma_wait3A_438 = arith.constant 0 : i32
      %dma_wait3A_439 = arith.constant 0 : i32
      %dma_wait3A_440 = tpu.memref_slice %arg3[%dma_wait3A_438, %dma_wait3A_439] : memref<100000x128xf32, #tpu.memory_space<hbm>> -> memref<100000x128xf32, #tpu.memory_space<hbm>>
      tpu.wait_indirect_dma semaphore(%arg10 : memref<!tpu.dma_semaphore, #tpu.memory_space<semaphore_mem>>) src(%dma_wait3A_440 : memref<100000x128xf32, #tpu.memory_space<hbm>>) dst(%dma_wait3A_435 : memref<40x128xf32, #tpu.memory_space<vmem>>)
      %dma_wait3A_441 = arith.constant 80 : i32
      %dma_wait3A_442 = arith.constant 0 : i32
      %dma_wait3A_443 = tpu.memref_slice %arg6[%dma_wait3A_441, %dma_wait3A_442] : memref<400x128xf32, #tpu.memory_space<vmem>> -> memref<40x128xf32, #tpu.memory_space<vmem>>
      %dma_wait3A_444 = arith.constant 1760 : i32
      %dma_wait3A_445 = tpu.memref_slice %arg5[%dma_wait3A_444] : memref<8800xi32, #tpu.memory_space<vmem>> -> memref<40xi32, #tpu.memory_space<vmem>>
      %dma_wait3A_446 = arith.constant 0 : i32
      %dma_wait3A_447 = arith.constant 0 : i32
      %dma_wait3A_448 = tpu.memref_slice %arg3[%dma_wait3A_446, %dma_wait3A_447] : memref<100000x128xf32, #tpu.memory_space<hbm>> -> memref<100000x128xf32, #tpu.memory_space<hbm>>
      tpu.wait_indirect_dma semaphore(%arg10 : memref<!tpu.dma_semaphore, #tpu.memory_space<semaphore_mem>>) src(%dma_wait3A_448 : memref<100000x128xf32, #tpu.memory_space<hbm>>) dst(%dma_wait3A_443 : memref<40x128xf32, #tpu.memory_space<vmem>>)
      %dma_wait3A_449 = arith.constant 120 : i32
      %dma_wait3A_450 = arith.constant 0 : i32
      %dma_wait3A_451 = tpu.memref_slice %arg6[%dma_wait3A_449, %dma_wait3A_450] : memref<400x128xf32, #tpu.memory_space<vmem>> -> memref<40x128xf32, #tpu.memory_space<vmem>>
      %dma_wait3A_452 = arith.constant 2640 : i32
      %dma_wait3A_453 = tpu.memref_slice %arg5[%dma_wait3A_452] : memref<8800xi32, #tpu.memory_space<vmem>> -> memref<40xi32, #tpu.memory_space<vmem>>
      %dma_wait3A_454 = arith.constant 0 : i32
      %dma_wait3A_455 = arith.constant 0 : i32
      %dma_wait3A_456 = tpu.memref_slice %arg3[%dma_wait3A_454, %dma_wait3A_455] : memref<100000x128xf32, #tpu.memory_space<hbm>> -> memref<100000x128xf32, #tpu.memory_space<hbm>>
      tpu.wait_indirect_dma semaphore(%arg10 : memref<!tpu.dma_semaphore, #tpu.memory_space<semaphore_mem>>) src(%dma_wait3A_456 : memref<100000x128xf32, #tpu.memory_space<hbm>>) dst(%dma_wait3A_451 : memref<40x128xf32, #tpu.memory_space<vmem>>)
      %dma_wait3A_457 = arith.constant 160 : i32
      %dma_wait3A_458 = arith.constant 0 : i32
      %dma_wait3A_459 = tpu.memref_slice %arg6[%dma_wait3A_457, %dma_wait3A_458] : memref<400x128xf32, #tpu.memory_space<vmem>> -> memref<40x128xf32, #tpu.memory_space<vmem>>
      %dma_wait3A_460 = arith.constant 3520 : i32
      %dma_wait3A_461 = tpu.memref_slice %arg5[%dma_wait3A_460] : memref<8800xi32, #tpu.memory_space<vmem>> -> memref<40xi32, #tpu.memory_space<vmem>>
      %dma_wait3A_462 = arith.constant 0 : i32
      %dma_wait3A_463 = arith.constant 0 : i32
      %dma_wait3A_464 = tpu.memref_slice %arg3[%dma_wait3A_462, %dma_wait3A_463] : memref<100000x128xf32, #tpu.memory_space<hbm>> -> memref<100000x128xf32, #tpu.memory_space<hbm>>
      tpu.wait_indirect_dma semaphore(%arg10 : memref<!tpu.dma_semaphore, #tpu.memory_space<semaphore_mem>>) src(%dma_wait3A_464 : memref<100000x128xf32, #tpu.memory_space<hbm>>) dst(%dma_wait3A_459 : memref<40x128xf32, #tpu.memory_space<vmem>>)
      %dma_wait3A_465 = arith.constant 200 : i32
      %dma_wait3A_466 = arith.constant 0 : i32
      %dma_wait3A_467 = tpu.memref_slice %arg6[%dma_wait3A_465, %dma_wait3A_466] : memref<400x128xf32, #tpu.memory_space<vmem>> -> memref<40x128xf32, #tpu.memory_space<vmem>>
      %dma_wait3A_468 = arith.constant 4400 : i32
      %dma_wait3A_469 = tpu.memref_slice %arg5[%dma_wait3A_468] : memref<8800xi32, #tpu.memory_space<vmem>> -> memref<40xi32, #tpu.memory_space<vmem>>
      %dma_wait3A_470 = arith.constant 0 : i32
      %dma_wait3A_471 = arith.constant 0 : i32
      %dma_wait3A_472 = tpu.memref_slice %arg3[%dma_wait3A_470, %dma_wait3A_471] : memref<100000x128xf32, #tpu.memory_space<hbm>> -> memref<100000x128xf32, #tpu.memory_space<hbm>>
      tpu.wait_indirect_dma semaphore(%arg10 : memref<!tpu.dma_semaphore, #tpu.memory_space<semaphore_mem>>) src(%dma_wait3A_472 : memref<100000x128xf32, #tpu.memory_space<hbm>>) dst(%dma_wait3A_467 : memref<40x128xf32, #tpu.memory_space<vmem>>)
      %dma_wait3A_473 = arith.constant 240 : i32
      %dma_wait3A_474 = arith.constant 0 : i32
      %dma_wait3A_475 = tpu.memref_slice %arg6[%dma_wait3A_473, %dma_wait3A_474] : memref<400x128xf32, #tpu.memory_space<vmem>> -> memref<40x128xf32, #tpu.memory_space<vmem>>
      %dma_wait3A_476 = arith.constant 5280 : i32
      %dma_wait3A_477 = tpu.memref_slice %arg5[%dma_wait3A_476] : memref<8800xi32, #tpu.memory_space<vmem>> -> memref<40xi32, #tpu.memory_space<vmem>>
      %dma_wait3A_478 = arith.constant 0 : i32
      %dma_wait3A_479 = arith.constant 0 : i32
      %dma_wait3A_480 = tpu.memref_slice %arg3[%dma_wait3A_478, %dma_wait3A_479] : memref<100000x128xf32, #tpu.memory_space<hbm>> -> memref<100000x128xf32, #tpu.memory_space<hbm>>
      tpu.wait_indirect_dma semaphore(%arg10 : memref<!tpu.dma_semaphore, #tpu.memory_space<semaphore_mem>>) src(%dma_wait3A_480 : memref<100000x128xf32, #tpu.memory_space<hbm>>) dst(%dma_wait3A_475 : memref<40x128xf32, #tpu.memory_space<vmem>>)
      %dma_wait3A_481 = arith.constant 280 : i32
      %dma_wait3A_482 = arith.constant 0 : i32
      %dma_wait3A_483 = tpu.memref_slice %arg6[%dma_wait3A_481, %dma_wait3A_482] : memref<400x128xf32, #tpu.memory_space<vmem>> -> memref<40x128xf32, #tpu.memory_space<vmem>>
      %dma_wait3A_484 = arith.constant 6160 : i32
      %dma_wait3A_485 = tpu.memref_slice %arg5[%dma_wait3A_484] : memref<8800xi32, #tpu.memory_space<vmem>> -> memref<40xi32, #tpu.memory_space<vmem>>
      %dma_wait3A_486 = arith.constant 0 : i32
      %dma_wait3A_487 = arith.constant 0 : i32
      %dma_wait3A_488 = tpu.memref_slice %arg3[%dma_wait3A_486, %dma_wait3A_487] : memref<100000x128xf32, #tpu.memory_space<hbm>> -> memref<100000x128xf32, #tpu.memory_space<hbm>>
      tpu.wait_indirect_dma semaphore(%arg10 : memref<!tpu.dma_semaphore, #tpu.memory_space<semaphore_mem>>) src(%dma_wait3A_488 : memref<100000x128xf32, #tpu.memory_space<hbm>>) dst(%dma_wait3A_483 : memref<40x128xf32, #tpu.memory_space<vmem>>)
      %dma_wait3A_489 = arith.constant 320 : i32
      %dma_wait3A_490 = arith.constant 0 : i32
      %dma_wait3A_491 = tpu.memref_slice %arg6[%dma_wait3A_489, %dma_wait3A_490] : memref<400x128xf32, #tpu.memory_space<vmem>> -> memref<40x128xf32, #tpu.memory_space<vmem>>
      %dma_wait3A_492 = arith.constant 7040 : i32
      %dma_wait3A_493 = tpu.memref_slice %arg5[%dma_wait3A_492] : memref<8800xi32, #tpu.memory_space<vmem>> -> memref<40xi32, #tpu.memory_space<vmem>>
      %dma_wait3A_494 = arith.constant 0 : i32
      %dma_wait3A_495 = arith.constant 0 : i32
      %dma_wait3A_496 = tpu.memref_slice %arg3[%dma_wait3A_494, %dma_wait3A_495] : memref<100000x128xf32, #tpu.memory_space<hbm>> -> memref<100000x128xf32, #tpu.memory_space<hbm>>
      tpu.wait_indirect_dma semaphore(%arg10 : memref<!tpu.dma_semaphore, #tpu.memory_space<semaphore_mem>>) src(%dma_wait3A_496 : memref<100000x128xf32, #tpu.memory_space<hbm>>) dst(%dma_wait3A_491 : memref<40x128xf32, #tpu.memory_space<vmem>>)
      %dma_wait3A_497 = arith.constant 360 : i32
      %dma_wait3A_498 = arith.constant 0 : i32
      %dma_wait3A_499 = tpu.memref_slice %arg6[%dma_wait3A_497, %dma_wait3A_498] : memref<400x128xf32, #tpu.memory_space<vmem>> -> memref<40x128xf32, #tpu.memory_space<vmem>>
      %dma_wait3A_500 = arith.constant 7920 : i32
      %dma_wait3A_501 = tpu.memref_slice %arg5[%dma_wait3A_500] : memref<8800xi32, #tpu.memory_space<vmem>> -> memref<40xi32, #tpu.memory_space<vmem>>
      %dma_wait3A_502 = arith.constant 0 : i32
      %dma_wait3A_503 = arith.constant 0 : i32
      %dma_wait3A_504 = tpu.memref_slice %arg3[%dma_wait3A_502, %dma_wait3A_503] : memref<100000x128xf32, #tpu.memory_space<hbm>> -> memref<100000x128xf32, #tpu.memory_space<hbm>>
      tpu.wait_indirect_dma semaphore(%arg10 : memref<!tpu.dma_semaphore, #tpu.memory_space<semaphore_mem>>) src(%dma_wait3A_504 : memref<100000x128xf32, #tpu.memory_space<hbm>>) dst(%dma_wait3A_499 : memref<40x128xf32, #tpu.memory_space<vmem>>)
      %gt3A = arith.constant 0 : i32
      %gt3A_505 = arith.cmpi sgt, %scan3A_310, %gt3A : i32
      %convert_element_type3A = arith.extui %gt3A_505 : i1 to i32
      %cond3A = arith.constant 0 : i32
      %cond3A_506 = arith.cmpi ne, %convert_element_type3A, %cond3A : i32
      scf.if %cond3A_506 {
        %mul3A_619 = arith.constant 22 : i32
        %mul3A_620 = arith.muli %add3A, %mul3A_619 : i32
        %add3A_621 = arith.addi %mul3A_620, %mul3A_312 : i32
        %mul3A_622 = arith.constant 40 : i32
        %mul3A_623 = arith.muli %add3A_621, %mul3A_622 : i32
        %dma_wait3A_624 = arith.constant 0 : i32
        %dma_wait3A_625 = tpu.memref_slice %arg4[%mul3A_623, %dma_wait3A_624] : memref<28160x16xf32, #tpu.memory_space<hbm>> -> memref<40x16xf32, #tpu.memory_space<hbm>>
        %dma_wait3A_626 = arith.constant 0 : i32
        %dma_wait3A_627 = tpu.memref_slice %arg4[%mul3A_623, %dma_wait3A_626] : memref<28160x16xf32, #tpu.memory_space<hbm>> -> memref<40x16xf32, #tpu.memory_space<hbm>>
        tpu.wait_dma2 semaphore(%arg12 : memref<!tpu.dma_semaphore, #tpu.memory_space<semaphore_mem>>) src(%arg8 : memref<40x16xf32, #tpu.memory_space<vmem>>) dst(%dma_wait3A_627 : memref<40x16xf32, #tpu.memory_space<hbm>>)
      } else {
      }
      %parallel_loop3A = arith.constant 0 : i32
      %parallel_loop3A_507 = arith.constant 40 : i32
      %parallel_loop3A_508 = arith.constant 1 : i32
      scf.for %parallel_loop3A_619 = %parallel_loop3A to %parallel_loop3A_507 step %parallel_loop3A_508  : i32 {
        %parallel_loop3A_620 = arith.index_cast %parallel_loop3A_619 : i32 to index
        %parallel_loop3A_621 = arith.constant 0 : index
        %parallel_loop3A_622 = tpu.vector_load %arg6[%parallel_loop3A_620, %parallel_loop3A_621] {strides = array<i32>} : memref<400x128xf32, #tpu.memory_space<vmem>>, vector<16xf32>,
        %parallel_loop3A_623 = arith.index_cast %parallel_loop3A_619 : i32 to index
        %parallel_loop3A_624 = arith.constant 16 : index
        %parallel_loop3A_625 = tpu.vector_load %arg6[%parallel_loop3A_623, %parallel_loop3A_624] {strides = array<i32>} : memref<400x128xf32, #tpu.memory_space<vmem>>, vector<16xf32>,
        %parallel_loop3A_626 = arith.index_cast %parallel_loop3A_619 : i32 to index
        %parallel_loop3A_627 = arith.constant 32 : index
        %parallel_loop3A_628 = tpu.vector_load %arg6[%parallel_loop3A_626, %parallel_loop3A_627] {strides = array<i32>} : memref<400x128xf32, #tpu.memory_space<vmem>>, vector<16xf32>,
        %parallel_loop3A_629 = arith.index_cast %parallel_loop3A_619 : i32 to index
        %parallel_loop3A_630 = arith.constant 48 : index
        %parallel_loop3A_631 = tpu.vector_load %arg6[%parallel_loop3A_629, %parallel_loop3A_630] {strides = array<i32>} : memref<400x128xf32, #tpu.memory_space<vmem>>, vector<16xf32>,
        %parallel_loop3A_632 = arith.index_cast %parallel_loop3A_619 : i32 to index
        %parallel_loop3A_633 = arith.constant 64 : index
        %parallel_loop3A_634 = tpu.vector_load %arg6[%parallel_loop3A_632, %parallel_loop3A_633] {strides = array<i32>} : memref<400x128xf32, #tpu.memory_space<vmem>>, vector<16xf32>,
        %parallel_loop3A_635 = arith.index_cast %parallel_loop3A_619 : i32 to index
        %parallel_loop3A_636 = arith.constant 80 : index
        %parallel_loop3A_637 = tpu.vector_load %arg6[%parallel_loop3A_635, %parallel_loop3A_636] {strides = array<i32>} : memref<400x128xf32, #tpu.memory_space<vmem>>, vector<16xf32>,
        %parallel_loop3A_638 = arith.index_cast %parallel_loop3A_619 : i32 to index
        %parallel_loop3A_639 = arith.constant 96 : index
        %parallel_loop3A_640 = tpu.vector_load %arg6[%parallel_loop3A_638, %parallel_loop3A_639] {strides = array<i32>} : memref<400x128xf32, #tpu.memory_space<vmem>>, vector<16xf32>,
        %parallel_loop3A_641 = arith.index_cast %parallel_loop3A_619 : i32 to index
        %parallel_loop3A_642 = arith.constant 112 : index
        %parallel_loop3A_643 = tpu.vector_load %arg6[%parallel_loop3A_641, %parallel_loop3A_642] {strides = array<i32>} : memref<400x128xf32, #tpu.memory_space<vmem>>, vector<16xf32>,
        %parallel_loop3A_644 = arith.constant 0.000000e+00 : f32
        %parallel_loop3A_645 = vector.broadcast %parallel_loop3A_644 : f32 to vector<16xf32>
        %parallel_loop3A_646 = arith.constant 40 : i32
        %parallel_loop3A_647 = arith.addi %parallel_loop3A_646, %parallel_loop3A_619 : i32
        %parallel_loop3A_648 = arith.index_cast %parallel_loop3A_647 : i32 to index
        %parallel_loop3A_649 = arith.constant 0 : index
        %parallel_loop3A_650 = tpu.vector_load %arg6[%parallel_loop3A_648, %parallel_loop3A_649] {strides = array<i32>} : memref<400x128xf32, #tpu.memory_space<vmem>>, vector<16xf32>,
        %parallel_loop3A_651 = arith.mulf %parallel_loop3A_622, %parallel_loop3A_650 : vector<16xf32>
        %parallel_loop3A_652 = arith.constant 40 : i32
        %parallel_loop3A_653 = arith.addi %parallel_loop3A_652, %parallel_loop3A_619 : i32
        %parallel_loop3A_654 = arith.index_cast %parallel_loop3A_653 : i32 to index
        %parallel_loop3A_655 = arith.constant 16 : index
        %parallel_loop3A_656 = tpu.vector_load %arg6[%parallel_loop3A_654, %parallel_loop3A_655] {strides = array<i32>} : memref<400x128xf32, #tpu.memory_space<vmem>>, vector<16xf32>,
        %parallel_loop3A_657 = arith.mulf %parallel_loop3A_625, %parallel_loop3A_656 : vector<16xf32>
        %parallel_loop3A_658 = arith.constant 40 : i32
        %parallel_loop3A_659 = arith.addi %parallel_loop3A_658, %parallel_loop3A_619 : i32
        %parallel_loop3A_660 = arith.index_cast %parallel_loop3A_659 : i32 to index
        %parallel_loop3A_661 = arith.constant 32 : index
        %parallel_loop3A_662 = tpu.vector_load %arg6[%parallel_loop3A_660, %parallel_loop3A_661] {strides = array<i32>} : memref<400x128xf32, #tpu.memory_space<vmem>>, vector<16xf32>,
        %parallel_loop3A_663 = arith.mulf %parallel_loop3A_628, %parallel_loop3A_662 : vector<16xf32>
        %parallel_loop3A_664 = arith.constant 40 : i32
        %parallel_loop3A_665 = arith.addi %parallel_loop3A_664, %parallel_loop3A_619 : i32
        %parallel_loop3A_666 = arith.index_cast %parallel_loop3A_665 : i32 to index
        %parallel_loop3A_667 = arith.constant 48 : index
        %parallel_loop3A_668 = tpu.vector_load %arg6[%parallel_loop3A_666, %parallel_loop3A_667] {strides = array<i32>} : memref<400x128xf32, #tpu.memory_space<vmem>>, vector<16xf32>,
        %parallel_loop3A_669 = arith.mulf %parallel_loop3A_631, %parallel_loop3A_668 : vector<16xf32>
        %parallel_loop3A_670 = arith.constant 40 : i32
        %parallel_loop3A_671 = arith.addi %parallel_loop3A_670, %parallel_loop3A_619 : i32
        %parallel_loop3A_672 = arith.index_cast %parallel_loop3A_671 : i32 to index
        %parallel_loop3A_673 = arith.constant 64 : index
        %parallel_loop3A_674 = tpu.vector_load %arg6[%parallel_loop3A_672, %parallel_loop3A_673] {strides = array<i32>} : memref<400x128xf32, #tpu.memory_space<vmem>>, vector<16xf32>,
        %parallel_loop3A_675 = arith.mulf %parallel_loop3A_634, %parallel_loop3A_674 : vector<16xf32>
        %parallel_loop3A_676 = arith.constant 40 : i32
        %parallel_loop3A_677 = arith.addi %parallel_loop3A_676, %parallel_loop3A_619 : i32
        %parallel_loop3A_678 = arith.index_cast %parallel_loop3A_677 : i32 to index
        %parallel_loop3A_679 = arith.constant 80 : index
        %parallel_loop3A_680 = tpu.vector_load %arg6[%parallel_loop3A_678, %parallel_loop3A_679] {strides = array<i32>} : memref<400x128xf32, #tpu.memory_space<vmem>>, vector<16xf32>,
        %parallel_loop3A_681 = arith.mulf %parallel_loop3A_637, %parallel_loop3A_680 : vector<16xf32>
        %parallel_loop3A_682 = arith.constant 40 : i32
        %parallel_loop3A_683 = arith.addi %parallel_loop3A_682, %parallel_loop3A_619 : i32
        %parallel_loop3A_684 = arith.index_cast %parallel_loop3A_683 : i32 to index
        %parallel_loop3A_685 = arith.constant 96 : index
        %parallel_loop3A_686 = tpu.vector_load %arg6[%parallel_loop3A_684, %parallel_loop3A_685] {strides = array<i32>} : memref<400x128xf32, #tpu.memory_space<vmem>>, vector<16xf32>,
        %parallel_loop3A_687 = arith.mulf %parallel_loop3A_640, %parallel_loop3A_686 : vector<16xf32>
        %parallel_loop3A_688 = arith.constant 40 : i32
        %parallel_loop3A_689 = arith.addi %parallel_loop3A_688, %parallel_loop3A_619 : i32
        %parallel_loop3A_690 = arith.index_cast %parallel_loop3A_689 : i32 to index
        %parallel_loop3A_691 = arith.constant 112 : index
        %parallel_loop3A_692 = tpu.vector_load %arg6[%parallel_loop3A_690, %parallel_loop3A_691] {strides = array<i32>} : memref<400x128xf32, #tpu.memory_space<vmem>>, vector<16xf32>,
        %parallel_loop3A_693 = arith.mulf %parallel_loop3A_643, %parallel_loop3A_692 : vector<16xf32>
        %parallel_loop3A_694 = arith.addf %parallel_loop3A_651, %parallel_loop3A_657 : vector<16xf32>
        %parallel_loop3A_695 = arith.addf %parallel_loop3A_663, %parallel_loop3A_669 : vector<16xf32>
        %parallel_loop3A_696 = arith.addf %parallel_loop3A_675, %parallel_loop3A_681 : vector<16xf32>
        %parallel_loop3A_697 = arith.addf %parallel_loop3A_687, %parallel_loop3A_693 : vector<16xf32>
        %parallel_loop3A_698 = arith.addf %parallel_loop3A_694, %parallel_loop3A_695 : vector<16xf32>
        %parallel_loop3A_699 = arith.addf %parallel_loop3A_696, %parallel_loop3A_697 : vector<16xf32>
        %parallel_loop3A_700 = arith.addf %parallel_loop3A_698, %parallel_loop3A_699 : vector<16xf32>
        %parallel_loop3A_701 = arith.constant true
        %parallel_loop3A_702 = vector.broadcast %parallel_loop3A_701 : i1 to vector<16xi1>
        %parallel_loop3A_703 = tpu.scan <sum>, %parallel_loop3A_700 masked %parallel_loop3A_702 : vector<16xf32>, vector<16xi1> -> vector<16xf32>
        %parallel_loop3A_704 = vector.extract %parallel_loop3A_703[15] : f32 from vector<16xf32>
        %parallel_loop3A_705 = vector.broadcast %parallel_loop3A_704 : f32 to vector<16xf32>
        %parallel_loop3A_706 = arith.select %eq3A_180, %parallel_loop3A_705, %parallel_loop3A_645 : vector<16xi1>, vector<16xf32>
        %parallel_loop3A_707 = arith.constant 80 : i32
        %parallel_loop3A_708 = arith.addi %parallel_loop3A_707, %parallel_loop3A_619 : i32
        %parallel_loop3A_709 = arith.index_cast %parallel_loop3A_708 : i32 to index
        %parallel_loop3A_710 = arith.constant 0 : index
        %parallel_loop3A_711 = tpu.vector_load %arg6[%parallel_loop3A_709, %parallel_loop3A_710] {strides = array<i32>} : memref<400x128xf32, #tpu.memory_space<vmem>>, vector<16xf32>,
        %parallel_loop3A_712 = arith.mulf %parallel_loop3A_622, %parallel_loop3A_711 : vector<16xf32>
        %parallel_loop3A_713 = arith.constant 80 : i32
        %parallel_loop3A_714 = arith.addi %parallel_loop3A_713, %parallel_loop3A_619 : i32
        %parallel_loop3A_715 = arith.index_cast %parallel_loop3A_714 : i32 to index
        %parallel_loop3A_716 = arith.constant 16 : index
        %parallel_loop3A_717 = tpu.vector_load %arg6[%parallel_loop3A_715, %parallel_loop3A_716] {strides = array<i32>} : memref<400x128xf32, #tpu.memory_space<vmem>>, vector<16xf32>,
        %parallel_loop3A_718 = arith.mulf %parallel_loop3A_625, %parallel_loop3A_717 : vector<16xf32>
        %parallel_loop3A_719 = arith.constant 80 : i32
        %parallel_loop3A_720 = arith.addi %parallel_loop3A_719, %parallel_loop3A_619 : i32
        %parallel_loop3A_721 = arith.index_cast %parallel_loop3A_720 : i32 to index
        %parallel_loop3A_722 = arith.constant 32 : index
        %parallel_loop3A_723 = tpu.vector_load %arg6[%parallel_loop3A_721, %parallel_loop3A_722] {strides = array<i32>} : memref<400x128xf32, #tpu.memory_space<vmem>>, vector<16xf32>,
        %parallel_loop3A_724 = arith.mulf %parallel_loop3A_628, %parallel_loop3A_723 : vector<16xf32>
        %parallel_loop3A_725 = arith.constant 80 : i32
        %parallel_loop3A_726 = arith.addi %parallel_loop3A_725, %parallel_loop3A_619 : i32
        %parallel_loop3A_727 = arith.index_cast %parallel_loop3A_726 : i32 to index
        %parallel_loop3A_728 = arith.constant 48 : index
        %parallel_loop3A_729 = tpu.vector_load %arg6[%parallel_loop3A_727, %parallel_loop3A_728] {strides = array<i32>} : memref<400x128xf32, #tpu.memory_space<vmem>>, vector<16xf32>,
        %parallel_loop3A_730 = arith.mulf %parallel_loop3A_631, %parallel_loop3A_729 : vector<16xf32>
        %parallel_loop3A_731 = arith.constant 80 : i32
        %parallel_loop3A_732 = arith.addi %parallel_loop3A_731, %parallel_loop3A_619 : i32
        %parallel_loop3A_733 = arith.index_cast %parallel_loop3A_732 : i32 to index
        %parallel_loop3A_734 = arith.constant 64 : index
        %parallel_loop3A_735 = tpu.vector_load %arg6[%parallel_loop3A_733, %parallel_loop3A_734] {strides = array<i32>} : memref<400x128xf32, #tpu.memory_space<vmem>>, vector<16xf32>,
        %parallel_loop3A_736 = arith.mulf %parallel_loop3A_634, %parallel_loop3A_735 : vector<16xf32>
        %parallel_loop3A_737 = arith.constant 80 : i32
        %parallel_loop3A_738 = arith.addi %parallel_loop3A_737, %parallel_loop3A_619 : i32
        %parallel_loop3A_739 = arith.index_cast %parallel_loop3A_738 : i32 to index
        %parallel_loop3A_740 = arith.constant 80 : index
        %parallel_loop3A_741 = tpu.vector_load %arg6[%parallel_loop3A_739, %parallel_loop3A_740] {strides = array<i32>} : memref<400x128xf32, #tpu.memory_space<vmem>>, vector<16xf32>,
        %parallel_loop3A_742 = arith.mulf %parallel_loop3A_637, %parallel_loop3A_741 : vector<16xf32>
        %parallel_loop3A_743 = arith.constant 80 : i32
        %parallel_loop3A_744 = arith.addi %parallel_loop3A_743, %parallel_loop3A_619 : i32
        %parallel_loop3A_745 = arith.index_cast %parallel_loop3A_744 : i32 to index
        %parallel_loop3A_746 = arith.constant 96 : index
        %parallel_loop3A_747 = tpu.vector_load %arg6[%parallel_loop3A_745, %parallel_loop3A_746] {strides = array<i32>} : memref<400x128xf32, #tpu.memory_space<vmem>>, vector<16xf32>,
        %parallel_loop3A_748 = arith.mulf %parallel_loop3A_640, %parallel_loop3A_747 : vector<16xf32>
        %parallel_loop3A_749 = arith.constant 80 : i32
        %parallel_loop3A_750 = arith.addi %parallel_loop3A_749, %parallel_loop3A_619 : i32
        %parallel_loop3A_751 = arith.index_cast %parallel_loop3A_750 : i32 to index
        %parallel_loop3A_752 = arith.constant 112 : index
        %parallel_loop3A_753 = tpu.vector_load %arg6[%parallel_loop3A_751, %parallel_loop3A_752] {strides = array<i32>} : memref<400x128xf32, #tpu.memory_space<vmem>>, vector<16xf32>,
        %parallel_loop3A_754 = arith.mulf %parallel_loop3A_643, %parallel_loop3A_753 : vector<16xf32>
        %parallel_loop3A_755 = arith.addf %parallel_loop3A_712, %parallel_loop3A_718 : vector<16xf32>
        %parallel_loop3A_756 = arith.addf %parallel_loop3A_724, %parallel_loop3A_730 : vector<16xf32>
        %parallel_loop3A_757 = arith.addf %parallel_loop3A_736, %parallel_loop3A_742 : vector<16xf32>
        %parallel_loop3A_758 = arith.addf %parallel_loop3A_748, %parallel_loop3A_754 : vector<16xf32>
        %parallel_loop3A_759 = arith.addf %parallel_loop3A_755, %parallel_loop3A_756 : vector<16xf32>
        %parallel_loop3A_760 = arith.addf %parallel_loop3A_757, %parallel_loop3A_758 : vector<16xf32>
        %parallel_loop3A_761 = arith.addf %parallel_loop3A_759, %parallel_loop3A_760 : vector<16xf32>
        %parallel_loop3A_762 = arith.constant true
        %parallel_loop3A_763 = vector.broadcast %parallel_loop3A_762 : i1 to vector<16xi1>
        %parallel_loop3A_764 = tpu.scan <sum>, %parallel_loop3A_761 masked %parallel_loop3A_763 : vector<16xf32>, vector<16xi1> -> vector<16xf32>
        %parallel_loop3A_765 = vector.extract %parallel_loop3A_764[15] : f32 from vector<16xf32>
        %parallel_loop3A_766 = vector.broadcast %parallel_loop3A_765 : f32 to vector<16xf32>
        %parallel_loop3A_767 = arith.select %eq3A_183, %parallel_loop3A_766, %parallel_loop3A_706 : vector<16xi1>, vector<16xf32>
        %parallel_loop3A_768 = arith.constant 120 : i32
        %parallel_loop3A_769 = arith.addi %parallel_loop3A_768, %parallel_loop3A_619 : i32
        %parallel_loop3A_770 = arith.index_cast %parallel_loop3A_769 : i32 to index
        %parallel_loop3A_771 = arith.constant 0 : index
        %parallel_loop3A_772 = tpu.vector_load %arg6[%parallel_loop3A_770, %parallel_loop3A_771] {strides = array<i32>} : memref<400x128xf32, #tpu.memory_space<vmem>>, vector<16xf32>,
        %parallel_loop3A_773 = arith.mulf %parallel_loop3A_622, %parallel_loop3A_772 : vector<16xf32>
        %parallel_loop3A_774 = arith.constant 120 : i32
        %parallel_loop3A_775 = arith.addi %parallel_loop3A_774, %parallel_loop3A_619 : i32
        %parallel_loop3A_776 = arith.index_cast %parallel_loop3A_775 : i32 to index
        %parallel_loop3A_777 = arith.constant 16 : index
        %parallel_loop3A_778 = tpu.vector_load %arg6[%parallel_loop3A_776, %parallel_loop3A_777] {strides = array<i32>} : memref<400x128xf32, #tpu.memory_space<vmem>>, vector<16xf32>,
        %parallel_loop3A_779 = arith.mulf %parallel_loop3A_625, %parallel_loop3A_778 : vector<16xf32>
        %parallel_loop3A_780 = arith.constant 120 : i32
        %parallel_loop3A_781 = arith.addi %parallel_loop3A_780, %parallel_loop3A_619 : i32
        %parallel_loop3A_782 = arith.index_cast %parallel_loop3A_781 : i32 to index
        %parallel_loop3A_783 = arith.constant 32 : index
        %parallel_loop3A_784 = tpu.vector_load %arg6[%parallel_loop3A_782, %parallel_loop3A_783] {strides = array<i32>} : memref<400x128xf32, #tpu.memory_space<vmem>>, vector<16xf32>,
        %parallel_loop3A_785 = arith.mulf %parallel_loop3A_628, %parallel_loop3A_784 : vector<16xf32>
        %parallel_loop3A_786 = arith.constant 120 : i32
        %parallel_loop3A_787 = arith.addi %parallel_loop3A_786, %parallel_loop3A_619 : i32
        %parallel_loop3A_788 = arith.index_cast %parallel_loop3A_787 : i32 to index
        %parallel_loop3A_789 = arith.constant 48 : index
        %parallel_loop3A_790 = tpu.vector_load %arg6[%parallel_loop3A_788, %parallel_loop3A_789] {strides = array<i32>} : memref<400x128xf32, #tpu.memory_space<vmem>>, vector<16xf32>,
        %parallel_loop3A_791 = arith.mulf %parallel_loop3A_631, %parallel_loop3A_790 : vector<16xf32>
        %parallel_loop3A_792 = arith.constant 120 : i32
        %parallel_loop3A_793 = arith.addi %parallel_loop3A_792, %parallel_loop3A_619 : i32
        %parallel_loop3A_794 = arith.index_cast %parallel_loop3A_793 : i32 to index
        %parallel_loop3A_795 = arith.constant 64 : index
        %parallel_loop3A_796 = tpu.vector_load %arg6[%parallel_loop3A_794, %parallel_loop3A_795] {strides = array<i32>} : memref<400x128xf32, #tpu.memory_space<vmem>>, vector<16xf32>,
        %parallel_loop3A_797 = arith.mulf %parallel_loop3A_634, %parallel_loop3A_796 : vector<16xf32>
        %parallel_loop3A_798 = arith.constant 120 : i32
        %parallel_loop3A_799 = arith.addi %parallel_loop3A_798, %parallel_loop3A_619 : i32
        %parallel_loop3A_800 = arith.index_cast %parallel_loop3A_799 : i32 to index
        %parallel_loop3A_801 = arith.constant 80 : index
        %parallel_loop3A_802 = tpu.vector_load %arg6[%parallel_loop3A_800, %parallel_loop3A_801] {strides = array<i32>} : memref<400x128xf32, #tpu.memory_space<vmem>>, vector<16xf32>,
        %parallel_loop3A_803 = arith.mulf %parallel_loop3A_637, %parallel_loop3A_802 : vector<16xf32>
        %parallel_loop3A_804 = arith.constant 120 : i32
        %parallel_loop3A_805 = arith.addi %parallel_loop3A_804, %parallel_loop3A_619 : i32
        %parallel_loop3A_806 = arith.index_cast %parallel_loop3A_805 : i32 to index
        %parallel_loop3A_807 = arith.constant 96 : index
        %parallel_loop3A_808 = tpu.vector_load %arg6[%parallel_loop3A_806, %parallel_loop3A_807] {strides = array<i32>} : memref<400x128xf32, #tpu.memory_space<vmem>>, vector<16xf32>,
        %parallel_loop3A_809 = arith.mulf %parallel_loop3A_640, %parallel_loop3A_808 : vector<16xf32>
        %parallel_loop3A_810 = arith.constant 120 : i32
        %parallel_loop3A_811 = arith.addi %parallel_loop3A_810, %parallel_loop3A_619 : i32
        %parallel_loop3A_812 = arith.index_cast %parallel_loop3A_811 : i32 to index
        %parallel_loop3A_813 = arith.constant 112 : index
        %parallel_loop3A_814 = tpu.vector_load %arg6[%parallel_loop3A_812, %parallel_loop3A_813] {strides = array<i32>} : memref<400x128xf32, #tpu.memory_space<vmem>>, vector<16xf32>,
        %parallel_loop3A_815 = arith.mulf %parallel_loop3A_643, %parallel_loop3A_814 : vector<16xf32>
        %parallel_loop3A_816 = arith.addf %parallel_loop3A_773, %parallel_loop3A_779 : vector<16xf32>
        %parallel_loop3A_817 = arith.addf %parallel_loop3A_785, %parallel_loop3A_791 : vector<16xf32>
        %parallel_loop3A_818 = arith.addf %parallel_loop3A_797, %parallel_loop3A_803 : vector<16xf32>
        %parallel_loop3A_819 = arith.addf %parallel_loop3A_809, %parallel_loop3A_815 : vector<16xf32>
        %parallel_loop3A_820 = arith.addf %parallel_loop3A_816, %parallel_loop3A_817 : vector<16xf32>
        %parallel_loop3A_821 = arith.addf %parallel_loop3A_818, %parallel_loop3A_819 : vector<16xf32>
        %parallel_loop3A_822 = arith.addf %parallel_loop3A_820, %parallel_loop3A_821 : vector<16xf32>
        %parallel_loop3A_823 = arith.constant true
        %parallel_loop3A_824 = vector.broadcast %parallel_loop3A_823 : i1 to vector<16xi1>
        %parallel_loop3A_825 = tpu.scan <sum>, %parallel_loop3A_822 masked %parallel_loop3A_824 : vector<16xf32>, vector<16xi1> -> vector<16xf32>
        %parallel_loop3A_826 = vector.extract %parallel_loop3A_825[15] : f32 from vector<16xf32>
        %parallel_loop3A_827 = vector.broadcast %parallel_loop3A_826 : f32 to vector<16xf32>
        %parallel_loop3A_828 = arith.select %eq3A_186, %parallel_loop3A_827, %parallel_loop3A_767 : vector<16xi1>, vector<16xf32>
        %parallel_loop3A_829 = arith.constant 160 : i32
        %parallel_loop3A_830 = arith.addi %parallel_loop3A_829, %parallel_loop3A_619 : i32
        %parallel_loop3A_831 = arith.index_cast %parallel_loop3A_830 : i32 to index
        %parallel_loop3A_832 = arith.constant 0 : index
        %parallel_loop3A_833 = tpu.vector_load %arg6[%parallel_loop3A_831, %parallel_loop3A_832] {strides = array<i32>} : memref<400x128xf32, #tpu.memory_space<vmem>>, vector<16xf32>,
        %parallel_loop3A_834 = arith.mulf %parallel_loop3A_622, %parallel_loop3A_833 : vector<16xf32>
        %parallel_loop3A_835 = arith.constant 160 : i32
        %parallel_loop3A_836 = arith.addi %parallel_loop3A_835, %parallel_loop3A_619 : i32
        %parallel_loop3A_837 = arith.index_cast %parallel_loop3A_836 : i32 to index
        %parallel_loop3A_838 = arith.constant 16 : index
        %parallel_loop3A_839 = tpu.vector_load %arg6[%parallel_loop3A_837, %parallel_loop3A_838] {strides = array<i32>} : memref<400x128xf32, #tpu.memory_space<vmem>>, vector<16xf32>,
        %parallel_loop3A_840 = arith.mulf %parallel_loop3A_625, %parallel_loop3A_839 : vector<16xf32>
        %parallel_loop3A_841 = arith.constant 160 : i32
        %parallel_loop3A_842 = arith.addi %parallel_loop3A_841, %parallel_loop3A_619 : i32
        %parallel_loop3A_843 = arith.index_cast %parallel_loop3A_842 : i32 to index
        %parallel_loop3A_844 = arith.constant 32 : index
        %parallel_loop3A_845 = tpu.vector_load %arg6[%parallel_loop3A_843, %parallel_loop3A_844] {strides = array<i32>} : memref<400x128xf32, #tpu.memory_space<vmem>>, vector<16xf32>,
        %parallel_loop3A_846 = arith.mulf %parallel_loop3A_628, %parallel_loop3A_845 : vector<16xf32>
        %parallel_loop3A_847 = arith.constant 160 : i32
        %parallel_loop3A_848 = arith.addi %parallel_loop3A_847, %parallel_loop3A_619 : i32
        %parallel_loop3A_849 = arith.index_cast %parallel_loop3A_848 : i32 to index
        %parallel_loop3A_850 = arith.constant 48 : index
        %parallel_loop3A_851 = tpu.vector_load %arg6[%parallel_loop3A_849, %parallel_loop3A_850] {strides = array<i32>} : memref<400x128xf32, #tpu.memory_space<vmem>>, vector<16xf32>,
        %parallel_loop3A_852 = arith.mulf %parallel_loop3A_631, %parallel_loop3A_851 : vector<16xf32>
        %parallel_loop3A_853 = arith.constant 160 : i32
        %parallel_loop3A_854 = arith.addi %parallel_loop3A_853, %parallel_loop3A_619 : i32
        %parallel_loop3A_855 = arith.index_cast %parallel_loop3A_854 : i32 to index
        %parallel_loop3A_856 = arith.constant 64 : index
        %parallel_loop3A_857 = tpu.vector_load %arg6[%parallel_loop3A_855, %parallel_loop3A_856] {strides = array<i32>} : memref<400x128xf32, #tpu.memory_space<vmem>>, vector<16xf32>,
        %parallel_loop3A_858 = arith.mulf %parallel_loop3A_634, %parallel_loop3A_857 : vector<16xf32>
        %parallel_loop3A_859 = arith.constant 160 : i32
        %parallel_loop3A_860 = arith.addi %parallel_loop3A_859, %parallel_loop3A_619 : i32
        %parallel_loop3A_861 = arith.index_cast %parallel_loop3A_860 : i32 to index
        %parallel_loop3A_862 = arith.constant 80 : index
        %parallel_loop3A_863 = tpu.vector_load %arg6[%parallel_loop3A_861, %parallel_loop3A_862] {strides = array<i32>} : memref<400x128xf32, #tpu.memory_space<vmem>>, vector<16xf32>,
        %parallel_loop3A_864 = arith.mulf %parallel_loop3A_637, %parallel_loop3A_863 : vector<16xf32>
        %parallel_loop3A_865 = arith.constant 160 : i32
        %parallel_loop3A_866 = arith.addi %parallel_loop3A_865, %parallel_loop3A_619 : i32
        %parallel_loop3A_867 = arith.index_cast %parallel_loop3A_866 : i32 to index
        %parallel_loop3A_868 = arith.constant 96 : index
        %parallel_loop3A_869 = tpu.vector_load %arg6[%parallel_loop3A_867, %parallel_loop3A_868] {strides = array<i32>} : memref<400x128xf32, #tpu.memory_space<vmem>>, vector<16xf32>,
        %parallel_loop3A_870 = arith.mulf %parallel_loop3A_640, %parallel_loop3A_869 : vector<16xf32>
        %parallel_loop3A_871 = arith.constant 160 : i32
        %parallel_loop3A_872 = arith.addi %parallel_loop3A_871, %parallel_loop3A_619 : i32
        %parallel_loop3A_873 = arith.index_cast %parallel_loop3A_872 : i32 to index
        %parallel_loop3A_874 = arith.constant 112 : index
        %parallel_loop3A_875 = tpu.vector_load %arg6[%parallel_loop3A_873, %parallel_loop3A_874] {strides = array<i32>} : memref<400x128xf32, #tpu.memory_space<vmem>>, vector<16xf32>,
        %parallel_loop3A_876 = arith.mulf %parallel_loop3A_643, %parallel_loop3A_875 : vector<16xf32>
        %parallel_loop3A_877 = arith.addf %parallel_loop3A_834, %parallel_loop3A_840 : vector<16xf32>
        %parallel_loop3A_878 = arith.addf %parallel_loop3A_846, %parallel_loop3A_852 : vector<16xf32>
        %parallel_loop3A_879 = arith.addf %parallel_loop3A_858, %parallel_loop3A_864 : vector<16xf32>
        %parallel_loop3A_880 = arith.addf %parallel_loop3A_870, %parallel_loop3A_876 : vector<16xf32>
        %parallel_loop3A_881 = arith.addf %parallel_loop3A_877, %parallel_loop3A_878 : vector<16xf32>
        %parallel_loop3A_882 = arith.addf %parallel_loop3A_879, %parallel_loop3A_880 : vector<16xf32>
        %parallel_loop3A_883 = arith.addf %parallel_loop3A_881, %parallel_loop3A_882 : vector<16xf32>
        %parallel_loop3A_884 = arith.constant true
        %parallel_loop3A_885 = vector.broadcast %parallel_loop3A_884 : i1 to vector<16xi1>
        %parallel_loop3A_886 = tpu.scan <sum>, %parallel_loop3A_883 masked %parallel_loop3A_885 : vector<16xf32>, vector<16xi1> -> vector<16xf32>
        %parallel_loop3A_887 = vector.extract %parallel_loop3A_886[15] : f32 from vector<16xf32>
        %parallel_loop3A_888 = vector.broadcast %parallel_loop3A_887 : f32 to vector<16xf32>
        %parallel_loop3A_889 = arith.select %eq3A_189, %parallel_loop3A_888, %parallel_loop3A_828 : vector<16xi1>, vector<16xf32>
        %parallel_loop3A_890 = arith.constant 200 : i32
        %parallel_loop3A_891 = arith.addi %parallel_loop3A_890, %parallel_loop3A_619 : i32
        %parallel_loop3A_892 = arith.index_cast %parallel_loop3A_891 : i32 to index
        %parallel_loop3A_893 = arith.constant 0 : index
        %parallel_loop3A_894 = tpu.vector_load %arg6[%parallel_loop3A_892, %parallel_loop3A_893] {strides = array<i32>} : memref<400x128xf32, #tpu.memory_space<vmem>>, vector<16xf32>,
        %parallel_loop3A_895 = arith.mulf %parallel_loop3A_622, %parallel_loop3A_894 : vector<16xf32>
        %parallel_loop3A_896 = arith.constant 200 : i32
        %parallel_loop3A_897 = arith.addi %parallel_loop3A_896, %parallel_loop3A_619 : i32
        %parallel_loop3A_898 = arith.index_cast %parallel_loop3A_897 : i32 to index
        %parallel_loop3A_899 = arith.constant 16 : index
        %parallel_loop3A_900 = tpu.vector_load %arg6[%parallel_loop3A_898, %parallel_loop3A_899] {strides = array<i32>} : memref<400x128xf32, #tpu.memory_space<vmem>>, vector<16xf32>,
        %parallel_loop3A_901 = arith.mulf %parallel_loop3A_625, %parallel_loop3A_900 : vector<16xf32>
        %parallel_loop3A_902 = arith.constant 200 : i32
        %parallel_loop3A_903 = arith.addi %parallel_loop3A_902, %parallel_loop3A_619 : i32
        %parallel_loop3A_904 = arith.index_cast %parallel_loop3A_903 : i32 to index
        %parallel_loop3A_905 = arith.constant 32 : index
        %parallel_loop3A_906 = tpu.vector_load %arg6[%parallel_loop3A_904, %parallel_loop3A_905] {strides = array<i32>} : memref<400x128xf32, #tpu.memory_space<vmem>>, vector<16xf32>,
        %parallel_loop3A_907 = arith.mulf %parallel_loop3A_628, %parallel_loop3A_906 : vector<16xf32>
        %parallel_loop3A_908 = arith.constant 200 : i32
        %parallel_loop3A_909 = arith.addi %parallel_loop3A_908, %parallel_loop3A_619 : i32
        %parallel_loop3A_910 = arith.index_cast %parallel_loop3A_909 : i32 to index
        %parallel_loop3A_911 = arith.constant 48 : index
        %parallel_loop3A_912 = tpu.vector_load %arg6[%parallel_loop3A_910, %parallel_loop3A_911] {strides = array<i32>} : memref<400x128xf32, #tpu.memory_space<vmem>>, vector<16xf32>,
        %parallel_loop3A_913 = arith.mulf %parallel_loop3A_631, %parallel_loop3A_912 : vector<16xf32>
        %parallel_loop3A_914 = arith.constant 200 : i32
        %parallel_loop3A_915 = arith.addi %parallel_loop3A_914, %parallel_loop3A_619 : i32
        %parallel_loop3A_916 = arith.index_cast %parallel_loop3A_915 : i32 to index
        %parallel_loop3A_917 = arith.constant 64 : index
        %parallel_loop3A_918 = tpu.vector_load %arg6[%parallel_loop3A_916, %parallel_loop3A_917] {strides = array<i32>} : memref<400x128xf32, #tpu.memory_space<vmem>>, vector<16xf32>,
        %parallel_loop3A_919 = arith.mulf %parallel_loop3A_634, %parallel_loop3A_918 : vector<16xf32>
        %parallel_loop3A_920 = arith.constant 200 : i32
        %parallel_loop3A_921 = arith.addi %parallel_loop3A_920, %parallel_loop3A_619 : i32
        %parallel_loop3A_922 = arith.index_cast %parallel_loop3A_921 : i32 to index
        %parallel_loop3A_923 = arith.constant 80 : index
        %parallel_loop3A_924 = tpu.vector_load %arg6[%parallel_loop3A_922, %parallel_loop3A_923] {strides = array<i32>} : memref<400x128xf32, #tpu.memory_space<vmem>>, vector<16xf32>,
        %parallel_loop3A_925 = arith.mulf %parallel_loop3A_637, %parallel_loop3A_924 : vector<16xf32>
        %parallel_loop3A_926 = arith.constant 200 : i32
        %parallel_loop3A_927 = arith.addi %parallel_loop3A_926, %parallel_loop3A_619 : i32
        %parallel_loop3A_928 = arith.index_cast %parallel_loop3A_927 : i32 to index
        %parallel_loop3A_929 = arith.constant 96 : index
        %parallel_loop3A_930 = tpu.vector_load %arg6[%parallel_loop3A_928, %parallel_loop3A_929] {strides = array<i32>} : memref<400x128xf32, #tpu.memory_space<vmem>>, vector<16xf32>,
        %parallel_loop3A_931 = arith.mulf %parallel_loop3A_640, %parallel_loop3A_930 : vector<16xf32>
        %parallel_loop3A_932 = arith.constant 200 : i32
        %parallel_loop3A_933 = arith.addi %parallel_loop3A_932, %parallel_loop3A_619 : i32
        %parallel_loop3A_934 = arith.index_cast %parallel_loop3A_933 : i32 to index
        %parallel_loop3A_935 = arith.constant 112 : index
        %parallel_loop3A_936 = tpu.vector_load %arg6[%parallel_loop3A_934, %parallel_loop3A_935] {strides = array<i32>} : memref<400x128xf32, #tpu.memory_space<vmem>>, vector<16xf32>,
        %parallel_loop3A_937 = arith.mulf %parallel_loop3A_643, %parallel_loop3A_936 : vector<16xf32>
        %parallel_loop3A_938 = arith.addf %parallel_loop3A_895, %parallel_loop3A_901 : vector<16xf32>
        %parallel_loop3A_939 = arith.addf %parallel_loop3A_907, %parallel_loop3A_913 : vector<16xf32>
        %parallel_loop3A_940 = arith.addf %parallel_loop3A_919, %parallel_loop3A_925 : vector<16xf32>
        %parallel_loop3A_941 = arith.addf %parallel_loop3A_931, %parallel_loop3A_937 : vector<16xf32>
        %parallel_loop3A_942 = arith.addf %parallel_loop3A_938, %parallel_loop3A_939 : vector<16xf32>
        %parallel_loop3A_943 = arith.addf %parallel_loop3A_940, %parallel_loop3A_941 : vector<16xf32>
        %parallel_loop3A_944 = arith.addf %parallel_loop3A_942, %parallel_loop3A_943 : vector<16xf32>
        %parallel_loop3A_945 = arith.constant true
        %parallel_loop3A_946 = vector.broadcast %parallel_loop3A_945 : i1 to vector<16xi1>
        %parallel_loop3A_947 = tpu.scan <sum>, %parallel_loop3A_944 masked %parallel_loop3A_946 : vector<16xf32>, vector<16xi1> -> vector<16xf32>
        %parallel_loop3A_948 = vector.extract %parallel_loop3A_947[15] : f32 from vector<16xf32>
        %parallel_loop3A_949 = vector.broadcast %parallel_loop3A_948 : f32 to vector<16xf32>
        %parallel_loop3A_950 = arith.select %eq3A_192, %parallel_loop3A_949, %parallel_loop3A_889 : vector<16xi1>, vector<16xf32>
        %parallel_loop3A_951 = arith.constant 240 : i32
        %parallel_loop3A_952 = arith.addi %parallel_loop3A_951, %parallel_loop3A_619 : i32
        %parallel_loop3A_953 = arith.index_cast %parallel_loop3A_952 : i32 to index
        %parallel_loop3A_954 = arith.constant 0 : index
        %parallel_loop3A_955 = tpu.vector_load %arg6[%parallel_loop3A_953, %parallel_loop3A_954] {strides = array<i32>} : memref<400x128xf32, #tpu.memory_space<vmem>>, vector<16xf32>,
        %parallel_loop3A_956 = arith.mulf %parallel_loop3A_622, %parallel_loop3A_955 : vector<16xf32>
        %parallel_loop3A_957 = arith.constant 240 : i32
        %parallel_loop3A_958 = arith.addi %parallel_loop3A_957, %parallel_loop3A_619 : i32
        %parallel_loop3A_959 = arith.index_cast %parallel_loop3A_958 : i32 to index
        %parallel_loop3A_960 = arith.constant 16 : index
        %parallel_loop3A_961 = tpu.vector_load %arg6[%parallel_loop3A_959, %parallel_loop3A_960] {strides = array<i32>} : memref<400x128xf32, #tpu.memory_space<vmem>>, vector<16xf32>,
        %parallel_loop3A_962 = arith.mulf %parallel_loop3A_625, %parallel_loop3A_961 : vector<16xf32>
        %parallel_loop3A_963 = arith.constant 240 : i32
        %parallel_loop3A_964 = arith.addi %parallel_loop3A_963, %parallel_loop3A_619 : i32
        %parallel_loop3A_965 = arith.index_cast %parallel_loop3A_964 : i32 to index
        %parallel_loop3A_966 = arith.constant 32 : index
        %parallel_loop3A_967 = tpu.vector_load %arg6[%parallel_loop3A_965, %parallel_loop3A_966] {strides = array<i32>} : memref<400x128xf32, #tpu.memory_space<vmem>>, vector<16xf32>,
        %parallel_loop3A_968 = arith.mulf %parallel_loop3A_628, %parallel_loop3A_967 : vector<16xf32>
        %parallel_loop3A_969 = arith.constant 240 : i32
        %parallel_loop3A_970 = arith.addi %parallel_loop3A_969, %parallel_loop3A_619 : i32
        %parallel_loop3A_971 = arith.index_cast %parallel_loop3A_970 : i32 to index
        %parallel_loop3A_972 = arith.constant 48 : index
        %parallel_loop3A_973 = tpu.vector_load %arg6[%parallel_loop3A_971, %parallel_loop3A_972] {strides = array<i32>} : memref<400x128xf32, #tpu.memory_space<vmem>>, vector<16xf32>,
        %parallel_loop3A_974 = arith.mulf %parallel_loop3A_631, %parallel_loop3A_973 : vector<16xf32>
        %parallel_loop3A_975 = arith.constant 240 : i32
        %parallel_loop3A_976 = arith.addi %parallel_loop3A_975, %parallel_loop3A_619 : i32
        %parallel_loop3A_977 = arith.index_cast %parallel_loop3A_976 : i32 to index
        %parallel_loop3A_978 = arith.constant 64 : index
        %parallel_loop3A_979 = tpu.vector_load %arg6[%parallel_loop3A_977, %parallel_loop3A_978] {strides = array<i32>} : memref<400x128xf32, #tpu.memory_space<vmem>>, vector<16xf32>,
        %parallel_loop3A_980 = arith.mulf %parallel_loop3A_634, %parallel_loop3A_979 : vector<16xf32>
        %parallel_loop3A_981 = arith.constant 240 : i32
        %parallel_loop3A_982 = arith.addi %parallel_loop3A_981, %parallel_loop3A_619 : i32
        %parallel_loop3A_983 = arith.index_cast %parallel_loop3A_982 : i32 to index
        %parallel_loop3A_984 = arith.constant 80 : index
        %parallel_loop3A_985 = tpu.vector_load %arg6[%parallel_loop3A_983, %parallel_loop3A_984] {strides = array<i32>} : memref<400x128xf32, #tpu.memory_space<vmem>>, vector<16xf32>,
        %parallel_loop3A_986 = arith.mulf %parallel_loop3A_637, %parallel_loop3A_985 : vector<16xf32>
        %parallel_loop3A_987 = arith.constant 240 : i32
        %parallel_loop3A_988 = arith.addi %parallel_loop3A_987, %parallel_loop3A_619 : i32
        %parallel_loop3A_989 = arith.index_cast %parallel_loop3A_988 : i32 to index
        %parallel_loop3A_990 = arith.constant 96 : index
        %parallel_loop3A_991 = tpu.vector_load %arg6[%parallel_loop3A_989, %parallel_loop3A_990] {strides = array<i32>} : memref<400x128xf32, #tpu.memory_space<vmem>>, vector<16xf32>,
        %parallel_loop3A_992 = arith.mulf %parallel_loop3A_640, %parallel_loop3A_991 : vector<16xf32>
        %parallel_loop3A_993 = arith.constant 240 : i32
        %parallel_loop3A_994 = arith.addi %parallel_loop3A_993, %parallel_loop3A_619 : i32
        %parallel_loop3A_995 = arith.index_cast %parallel_loop3A_994 : i32 to index
        %parallel_loop3A_996 = arith.constant 112 : index
        %parallel_loop3A_997 = tpu.vector_load %arg6[%parallel_loop3A_995, %parallel_loop3A_996] {strides = array<i32>} : memref<400x128xf32, #tpu.memory_space<vmem>>, vector<16xf32>,
        %parallel_loop3A_998 = arith.mulf %parallel_loop3A_643, %parallel_loop3A_997 : vector<16xf32>
        %parallel_loop3A_999 = arith.addf %parallel_loop3A_956, %parallel_loop3A_962 : vector<16xf32>
        %parallel_loop3A_1000 = arith.addf %parallel_loop3A_968, %parallel_loop3A_974 : vector<16xf32>
        %parallel_loop3A_1001 = arith.addf %parallel_loop3A_980, %parallel_loop3A_986 : vector<16xf32>
        %parallel_loop3A_1002 = arith.addf %parallel_loop3A_992, %parallel_loop3A_998 : vector<16xf32>
        %parallel_loop3A_1003 = arith.addf %parallel_loop3A_999, %parallel_loop3A_1000 : vector<16xf32>
        %parallel_loop3A_1004 = arith.addf %parallel_loop3A_1001, %parallel_loop3A_1002 : vector<16xf32>
        %parallel_loop3A_1005 = arith.addf %parallel_loop3A_1003, %parallel_loop3A_1004 : vector<16xf32>
        %parallel_loop3A_1006 = arith.constant true
        %parallel_loop3A_1007 = vector.broadcast %parallel_loop3A_1006 : i1 to vector<16xi1>
        %parallel_loop3A_1008 = tpu.scan <sum>, %parallel_loop3A_1005 masked %parallel_loop3A_1007 : vector<16xf32>, vector<16xi1> -> vector<16xf32>
        %parallel_loop3A_1009 = vector.extract %parallel_loop3A_1008[15] : f32 from vector<16xf32>
        %parallel_loop3A_1010 = vector.broadcast %parallel_loop3A_1009 : f32 to vector<16xf32>
        %parallel_loop3A_1011 = arith.select %eq3A_195, %parallel_loop3A_1010, %parallel_loop3A_950 : vector<16xi1>, vector<16xf32>
        %parallel_loop3A_1012 = arith.constant 280 : i32
        %parallel_loop3A_1013 = arith.addi %parallel_loop3A_1012, %parallel_loop3A_619 : i32
        %parallel_loop3A_1014 = arith.index_cast %parallel_loop3A_1013 : i32 to index
        %parallel_loop3A_1015 = arith.constant 0 : index
        %parallel_loop3A_1016 = tpu.vector_load %arg6[%parallel_loop3A_1014, %parallel_loop3A_1015] {strides = array<i32>} : memref<400x128xf32, #tpu.memory_space<vmem>>, vector<16xf32>,
        %parallel_loop3A_1017 = arith.mulf %parallel_loop3A_622, %parallel_loop3A_1016 : vector<16xf32>
        %parallel_loop3A_1018 = arith.constant 280 : i32
        %parallel_loop3A_1019 = arith.addi %parallel_loop3A_1018, %parallel_loop3A_619 : i32
        %parallel_loop3A_1020 = arith.index_cast %parallel_loop3A_1019 : i32 to index
        %parallel_loop3A_1021 = arith.constant 16 : index
        %parallel_loop3A_1022 = tpu.vector_load %arg6[%parallel_loop3A_1020, %parallel_loop3A_1021] {strides = array<i32>} : memref<400x128xf32, #tpu.memory_space<vmem>>, vector<16xf32>,
        %parallel_loop3A_1023 = arith.mulf %parallel_loop3A_625, %parallel_loop3A_1022 : vector<16xf32>
        %parallel_loop3A_1024 = arith.constant 280 : i32
        %parallel_loop3A_1025 = arith.addi %parallel_loop3A_1024, %parallel_loop3A_619 : i32
        %parallel_loop3A_1026 = arith.index_cast %parallel_loop3A_1025 : i32 to index
        %parallel_loop3A_1027 = arith.constant 32 : index
        %parallel_loop3A_1028 = tpu.vector_load %arg6[%parallel_loop3A_1026, %parallel_loop3A_1027] {strides = array<i32>} : memref<400x128xf32, #tpu.memory_space<vmem>>, vector<16xf32>,
        %parallel_loop3A_1029 = arith.mulf %parallel_loop3A_628, %parallel_loop3A_1028 : vector<16xf32>
        %parallel_loop3A_1030 = arith.constant 280 : i32
        %parallel_loop3A_1031 = arith.addi %parallel_loop3A_1030, %parallel_loop3A_619 : i32
        %parallel_loop3A_1032 = arith.index_cast %parallel_loop3A_1031 : i32 to index
        %parallel_loop3A_1033 = arith.constant 48 : index
        %parallel_loop3A_1034 = tpu.vector_load %arg6[%parallel_loop3A_1032, %parallel_loop3A_1033] {strides = array<i32>} : memref<400x128xf32, #tpu.memory_space<vmem>>, vector<16xf32>,
        %parallel_loop3A_1035 = arith.mulf %parallel_loop3A_631, %parallel_loop3A_1034 : vector<16xf32>
        %parallel_loop3A_1036 = arith.constant 280 : i32
        %parallel_loop3A_1037 = arith.addi %parallel_loop3A_1036, %parallel_loop3A_619 : i32
        %parallel_loop3A_1038 = arith.index_cast %parallel_loop3A_1037 : i32 to index
        %parallel_loop3A_1039 = arith.constant 64 : index
        %parallel_loop3A_1040 = tpu.vector_load %arg6[%parallel_loop3A_1038, %parallel_loop3A_1039] {strides = array<i32>} : memref<400x128xf32, #tpu.memory_space<vmem>>, vector<16xf32>,
        %parallel_loop3A_1041 = arith.mulf %parallel_loop3A_634, %parallel_loop3A_1040 : vector<16xf32>
        %parallel_loop3A_1042 = arith.constant 280 : i32
        %parallel_loop3A_1043 = arith.addi %parallel_loop3A_1042, %parallel_loop3A_619 : i32
        %parallel_loop3A_1044 = arith.index_cast %parallel_loop3A_1043 : i32 to index
        %parallel_loop3A_1045 = arith.constant 80 : index
        %parallel_loop3A_1046 = tpu.vector_load %arg6[%parallel_loop3A_1044, %parallel_loop3A_1045] {strides = array<i32>} : memref<400x128xf32, #tpu.memory_space<vmem>>, vector<16xf32>,
        %parallel_loop3A_1047 = arith.mulf %parallel_loop3A_637, %parallel_loop3A_1046 : vector<16xf32>
        %parallel_loop3A_1048 = arith.constant 280 : i32
        %parallel_loop3A_1049 = arith.addi %parallel_loop3A_1048, %parallel_loop3A_619 : i32
        %parallel_loop3A_1050 = arith.index_cast %parallel_loop3A_1049 : i32 to index
        %parallel_loop3A_1051 = arith.constant 96 : index
        %parallel_loop3A_1052 = tpu.vector_load %arg6[%parallel_loop3A_1050, %parallel_loop3A_1051] {strides = array<i32>} : memref<400x128xf32, #tpu.memory_space<vmem>>, vector<16xf32>,
        %parallel_loop3A_1053 = arith.mulf %parallel_loop3A_640, %parallel_loop3A_1052 : vector<16xf32>
        %parallel_loop3A_1054 = arith.constant 280 : i32
        %parallel_loop3A_1055 = arith.addi %parallel_loop3A_1054, %parallel_loop3A_619 : i32
        %parallel_loop3A_1056 = arith.index_cast %parallel_loop3A_1055 : i32 to index
        %parallel_loop3A_1057 = arith.constant 112 : index
        %parallel_loop3A_1058 = tpu.vector_load %arg6[%parallel_loop3A_1056, %parallel_loop3A_1057] {strides = array<i32>} : memref<400x128xf32, #tpu.memory_space<vmem>>, vector<16xf32>,
        %parallel_loop3A_1059 = arith.mulf %parallel_loop3A_643, %parallel_loop3A_1058 : vector<16xf32>
        %parallel_loop3A_1060 = arith.addf %parallel_loop3A_1017, %parallel_loop3A_1023 : vector<16xf32>
        %parallel_loop3A_1061 = arith.addf %parallel_loop3A_1029, %parallel_loop3A_1035 : vector<16xf32>
        %parallel_loop3A_1062 = arith.addf %parallel_loop3A_1041, %parallel_loop3A_1047 : vector<16xf32>
        %parallel_loop3A_1063 = arith.addf %parallel_loop3A_1053, %parallel_loop3A_1059 : vector<16xf32>
        %parallel_loop3A_1064 = arith.addf %parallel_loop3A_1060, %parallel_loop3A_1061 : vector<16xf32>
        %parallel_loop3A_1065 = arith.addf %parallel_loop3A_1062, %parallel_loop3A_1063 : vector<16xf32>
        %parallel_loop3A_1066 = arith.addf %parallel_loop3A_1064, %parallel_loop3A_1065 : vector<16xf32>
        %parallel_loop3A_1067 = arith.constant true
        %parallel_loop3A_1068 = vector.broadcast %parallel_loop3A_1067 : i1 to vector<16xi1>
        %parallel_loop3A_1069 = tpu.scan <sum>, %parallel_loop3A_1066 masked %parallel_loop3A_1068 : vector<16xf32>, vector<16xi1> -> vector<16xf32>
        %parallel_loop3A_1070 = vector.extract %parallel_loop3A_1069[15] : f32 from vector<16xf32>
        %parallel_loop3A_1071 = vector.broadcast %parallel_loop3A_1070 : f32 to vector<16xf32>
        %parallel_loop3A_1072 = arith.select %eq3A_198, %parallel_loop3A_1071, %parallel_loop3A_1011 : vector<16xi1>, vector<16xf32>
        %parallel_loop3A_1073 = arith.constant 320 : i32
        %parallel_loop3A_1074 = arith.addi %parallel_loop3A_1073, %parallel_loop3A_619 : i32
        %parallel_loop3A_1075 = arith.index_cast %parallel_loop3A_1074 : i32 to index
        %parallel_loop3A_1076 = arith.constant 0 : index
        %parallel_loop3A_1077 = tpu.vector_load %arg6[%parallel_loop3A_1075, %parallel_loop3A_1076] {strides = array<i32>} : memref<400x128xf32, #tpu.memory_space<vmem>>, vector<16xf32>,
        %parallel_loop3A_1078 = arith.mulf %parallel_loop3A_622, %parallel_loop3A_1077 : vector<16xf32>
        %parallel_loop3A_1079 = arith.constant 320 : i32
        %parallel_loop3A_1080 = arith.addi %parallel_loop3A_1079, %parallel_loop3A_619 : i32
        %parallel_loop3A_1081 = arith.index_cast %parallel_loop3A_1080 : i32 to index
        %parallel_loop3A_1082 = arith.constant 16 : index
        %parallel_loop3A_1083 = tpu.vector_load %arg6[%parallel_loop3A_1081, %parallel_loop3A_1082] {strides = array<i32>} : memref<400x128xf32, #tpu.memory_space<vmem>>, vector<16xf32>,
        %parallel_loop3A_1084 = arith.mulf %parallel_loop3A_625, %parallel_loop3A_1083 : vector<16xf32>
        %parallel_loop3A_1085 = arith.constant 320 : i32
        %parallel_loop3A_1086 = arith.addi %parallel_loop3A_1085, %parallel_loop3A_619 : i32
        %parallel_loop3A_1087 = arith.index_cast %parallel_loop3A_1086 : i32 to index
        %parallel_loop3A_1088 = arith.constant 32 : index
        %parallel_loop3A_1089 = tpu.vector_load %arg6[%parallel_loop3A_1087, %parallel_loop3A_1088] {strides = array<i32>} : memref<400x128xf32, #tpu.memory_space<vmem>>, vector<16xf32>,
        %parallel_loop3A_1090 = arith.mulf %parallel_loop3A_628, %parallel_loop3A_1089 : vector<16xf32>
        %parallel_loop3A_1091 = arith.constant 320 : i32
        %parallel_loop3A_1092 = arith.addi %parallel_loop3A_1091, %parallel_loop3A_619 : i32
        %parallel_loop3A_1093 = arith.index_cast %parallel_loop3A_1092 : i32 to index
        %parallel_loop3A_1094 = arith.constant 48 : index
        %parallel_loop3A_1095 = tpu.vector_load %arg6[%parallel_loop3A_1093, %parallel_loop3A_1094] {strides = array<i32>} : memref<400x128xf32, #tpu.memory_space<vmem>>, vector<16xf32>,
        %parallel_loop3A_1096 = arith.mulf %parallel_loop3A_631, %parallel_loop3A_1095 : vector<16xf32>
        %parallel_loop3A_1097 = arith.constant 320 : i32
        %parallel_loop3A_1098 = arith.addi %parallel_loop3A_1097, %parallel_loop3A_619 : i32
        %parallel_loop3A_1099 = arith.index_cast %parallel_loop3A_1098 : i32 to index
        %parallel_loop3A_1100 = arith.constant 64 : index
        %parallel_loop3A_1101 = tpu.vector_load %arg6[%parallel_loop3A_1099, %parallel_loop3A_1100] {strides = array<i32>} : memref<400x128xf32, #tpu.memory_space<vmem>>, vector<16xf32>,
        %parallel_loop3A_1102 = arith.mulf %parallel_loop3A_634, %parallel_loop3A_1101 : vector<16xf32>
        %parallel_loop3A_1103 = arith.constant 320 : i32
        %parallel_loop3A_1104 = arith.addi %parallel_loop3A_1103, %parallel_loop3A_619 : i32
        %parallel_loop3A_1105 = arith.index_cast %parallel_loop3A_1104 : i32 to index
        %parallel_loop3A_1106 = arith.constant 80 : index
        %parallel_loop3A_1107 = tpu.vector_load %arg6[%parallel_loop3A_1105, %parallel_loop3A_1106] {strides = array<i32>} : memref<400x128xf32, #tpu.memory_space<vmem>>, vector<16xf32>,
        %parallel_loop3A_1108 = arith.mulf %parallel_loop3A_637, %parallel_loop3A_1107 : vector<16xf32>
        %parallel_loop3A_1109 = arith.constant 320 : i32
        %parallel_loop3A_1110 = arith.addi %parallel_loop3A_1109, %parallel_loop3A_619 : i32
        %parallel_loop3A_1111 = arith.index_cast %parallel_loop3A_1110 : i32 to index
        %parallel_loop3A_1112 = arith.constant 96 : index
        %parallel_loop3A_1113 = tpu.vector_load %arg6[%parallel_loop3A_1111, %parallel_loop3A_1112] {strides = array<i32>} : memref<400x128xf32, #tpu.memory_space<vmem>>, vector<16xf32>,
        %parallel_loop3A_1114 = arith.mulf %parallel_loop3A_640, %parallel_loop3A_1113 : vector<16xf32>
        %parallel_loop3A_1115 = arith.constant 320 : i32
        %parallel_loop3A_1116 = arith.addi %parallel_loop3A_1115, %parallel_loop3A_619 : i32
        %parallel_loop3A_1117 = arith.index_cast %parallel_loop3A_1116 : i32 to index
        %parallel_loop3A_1118 = arith.constant 112 : index
        %parallel_loop3A_1119 = tpu.vector_load %arg6[%parallel_loop3A_1117, %parallel_loop3A_1118] {strides = array<i32>} : memref<400x128xf32, #tpu.memory_space<vmem>>, vector<16xf32>,
        %parallel_loop3A_1120 = arith.mulf %parallel_loop3A_643, %parallel_loop3A_1119 : vector<16xf32>
        %parallel_loop3A_1121 = arith.addf %parallel_loop3A_1078, %parallel_loop3A_1084 : vector<16xf32>
        %parallel_loop3A_1122 = arith.addf %parallel_loop3A_1090, %parallel_loop3A_1096 : vector<16xf32>
        %parallel_loop3A_1123 = arith.addf %parallel_loop3A_1102, %parallel_loop3A_1108 : vector<16xf32>
        %parallel_loop3A_1124 = arith.addf %parallel_loop3A_1114, %parallel_loop3A_1120 : vector<16xf32>
        %parallel_loop3A_1125 = arith.addf %parallel_loop3A_1121, %parallel_loop3A_1122 : vector<16xf32>
        %parallel_loop3A_1126 = arith.addf %parallel_loop3A_1123, %parallel_loop3A_1124 : vector<16xf32>
        %parallel_loop3A_1127 = arith.addf %parallel_loop3A_1125, %parallel_loop3A_1126 : vector<16xf32>
        %parallel_loop3A_1128 = arith.constant true
        %parallel_loop3A_1129 = vector.broadcast %parallel_loop3A_1128 : i1 to vector<16xi1>
        %parallel_loop3A_1130 = tpu.scan <sum>, %parallel_loop3A_1127 masked %parallel_loop3A_1129 : vector<16xf32>, vector<16xi1> -> vector<16xf32>
        %parallel_loop3A_1131 = vector.extract %parallel_loop3A_1130[15] : f32 from vector<16xf32>
        %parallel_loop3A_1132 = vector.broadcast %parallel_loop3A_1131 : f32 to vector<16xf32>
        %parallel_loop3A_1133 = arith.select %eq3A_201, %parallel_loop3A_1132, %parallel_loop3A_1072 : vector<16xi1>, vector<16xf32>
        %parallel_loop3A_1134 = arith.constant 360 : i32
        %parallel_loop3A_1135 = arith.addi %parallel_loop3A_1134, %parallel_loop3A_619 : i32
        %parallel_loop3A_1136 = arith.index_cast %parallel_loop3A_1135 : i32 to index
        %parallel_loop3A_1137 = arith.constant 0 : index
        %parallel_loop3A_1138 = tpu.vector_load %arg6[%parallel_loop3A_1136, %parallel_loop3A_1137] {strides = array<i32>} : memref<400x128xf32, #tpu.memory_space<vmem>>, vector<16xf32>,
        %parallel_loop3A_1139 = arith.mulf %parallel_loop3A_622, %parallel_loop3A_1138 : vector<16xf32>
        %parallel_loop3A_1140 = arith.constant 360 : i32
        %parallel_loop3A_1141 = arith.addi %parallel_loop3A_1140, %parallel_loop3A_619 : i32
        %parallel_loop3A_1142 = arith.index_cast %parallel_loop3A_1141 : i32 to index
        %parallel_loop3A_1143 = arith.constant 16 : index
        %parallel_loop3A_1144 = tpu.vector_load %arg6[%parallel_loop3A_1142, %parallel_loop3A_1143] {strides = array<i32>} : memref<400x128xf32, #tpu.memory_space<vmem>>, vector<16xf32>,
        %parallel_loop3A_1145 = arith.mulf %parallel_loop3A_625, %parallel_loop3A_1144 : vector<16xf32>
        %parallel_loop3A_1146 = arith.constant 360 : i32
        %parallel_loop3A_1147 = arith.addi %parallel_loop3A_1146, %parallel_loop3A_619 : i32
        %parallel_loop3A_1148 = arith.index_cast %parallel_loop3A_1147 : i32 to index
        %parallel_loop3A_1149 = arith.constant 32 : index
        %parallel_loop3A_1150 = tpu.vector_load %arg6[%parallel_loop3A_1148, %parallel_loop3A_1149] {strides = array<i32>} : memref<400x128xf32, #tpu.memory_space<vmem>>, vector<16xf32>,
        %parallel_loop3A_1151 = arith.mulf %parallel_loop3A_628, %parallel_loop3A_1150 : vector<16xf32>
        %parallel_loop3A_1152 = arith.constant 360 : i32
        %parallel_loop3A_1153 = arith.addi %parallel_loop3A_1152, %parallel_loop3A_619 : i32
        %parallel_loop3A_1154 = arith.index_cast %parallel_loop3A_1153 : i32 to index
        %parallel_loop3A_1155 = arith.constant 48 : index
        %parallel_loop3A_1156 = tpu.vector_load %arg6[%parallel_loop3A_1154, %parallel_loop3A_1155] {strides = array<i32>} : memref<400x128xf32, #tpu.memory_space<vmem>>, vector<16xf32>,
        %parallel_loop3A_1157 = arith.mulf %parallel_loop3A_631, %parallel_loop3A_1156 : vector<16xf32>
        %parallel_loop3A_1158 = arith.constant 360 : i32
        %parallel_loop3A_1159 = arith.addi %parallel_loop3A_1158, %parallel_loop3A_619 : i32
        %parallel_loop3A_1160 = arith.index_cast %parallel_loop3A_1159 : i32 to index
        %parallel_loop3A_1161 = arith.constant 64 : index
        %parallel_loop3A_1162 = tpu.vector_load %arg6[%parallel_loop3A_1160, %parallel_loop3A_1161] {strides = array<i32>} : memref<400x128xf32, #tpu.memory_space<vmem>>, vector<16xf32>,
        %parallel_loop3A_1163 = arith.mulf %parallel_loop3A_634, %parallel_loop3A_1162 : vector<16xf32>
        %parallel_loop3A_1164 = arith.constant 360 : i32
        %parallel_loop3A_1165 = arith.addi %parallel_loop3A_1164, %parallel_loop3A_619 : i32
        %parallel_loop3A_1166 = arith.index_cast %parallel_loop3A_1165 : i32 to index
        %parallel_loop3A_1167 = arith.constant 80 : index
        %parallel_loop3A_1168 = tpu.vector_load %arg6[%parallel_loop3A_1166, %parallel_loop3A_1167] {strides = array<i32>} : memref<400x128xf32, #tpu.memory_space<vmem>>, vector<16xf32>,
        %parallel_loop3A_1169 = arith.mulf %parallel_loop3A_637, %parallel_loop3A_1168 : vector<16xf32>
        %parallel_loop3A_1170 = arith.constant 360 : i32
        %parallel_loop3A_1171 = arith.addi %parallel_loop3A_1170, %parallel_loop3A_619 : i32
        %parallel_loop3A_1172 = arith.index_cast %parallel_loop3A_1171 : i32 to index
        %parallel_loop3A_1173 = arith.constant 96 : index
        %parallel_loop3A_1174 = tpu.vector_load %arg6[%parallel_loop3A_1172, %parallel_loop3A_1173] {strides = array<i32>} : memref<400x128xf32, #tpu.memory_space<vmem>>, vector<16xf32>,
        %parallel_loop3A_1175 = arith.mulf %parallel_loop3A_640, %parallel_loop3A_1174 : vector<16xf32>
        %parallel_loop3A_1176 = arith.constant 360 : i32
        %parallel_loop3A_1177 = arith.addi %parallel_loop3A_1176, %parallel_loop3A_619 : i32
        %parallel_loop3A_1178 = arith.index_cast %parallel_loop3A_1177 : i32 to index
        %parallel_loop3A_1179 = arith.constant 112 : index
        %parallel_loop3A_1180 = tpu.vector_load %arg6[%parallel_loop3A_1178, %parallel_loop3A_1179] {strides = array<i32>} : memref<400x128xf32, #tpu.memory_space<vmem>>, vector<16xf32>,
        %parallel_loop3A_1181 = arith.mulf %parallel_loop3A_643, %parallel_loop3A_1180 : vector<16xf32>
        %parallel_loop3A_1182 = arith.addf %parallel_loop3A_1139, %parallel_loop3A_1145 : vector<16xf32>
        %parallel_loop3A_1183 = arith.addf %parallel_loop3A_1151, %parallel_loop3A_1157 : vector<16xf32>
        %parallel_loop3A_1184 = arith.addf %parallel_loop3A_1163, %parallel_loop3A_1169 : vector<16xf32>
        %parallel_loop3A_1185 = arith.addf %parallel_loop3A_1175, %parallel_loop3A_1181 : vector<16xf32>
        %parallel_loop3A_1186 = arith.addf %parallel_loop3A_1182, %parallel_loop3A_1183 : vector<16xf32>
        %parallel_loop3A_1187 = arith.addf %parallel_loop3A_1184, %parallel_loop3A_1185 : vector<16xf32>
        %parallel_loop3A_1188 = arith.addf %parallel_loop3A_1186, %parallel_loop3A_1187 : vector<16xf32>
        %parallel_loop3A_1189 = arith.constant true
        %parallel_loop3A_1190 = vector.broadcast %parallel_loop3A_1189 : i1 to vector<16xi1>
        %parallel_loop3A_1191 = tpu.scan <sum>, %parallel_loop3A_1188 masked %parallel_loop3A_1190 : vector<16xf32>, vector<16xi1> -> vector<16xf32>
        %parallel_loop3A_1192 = vector.extract %parallel_loop3A_1191[15] : f32 from vector<16xf32>
        %parallel_loop3A_1193 = vector.broadcast %parallel_loop3A_1192 : f32 to vector<16xf32>
        %parallel_loop3A_1194 = arith.select %eq3A_204, %parallel_loop3A_1193, %parallel_loop3A_1133 : vector<16xi1>, vector<16xf32>
        %parallel_loop3A_1195 = arith.index_cast %parallel_loop3A_619 : i32 to index
        %parallel_loop3A_1196 = arith.constant 0 : index
        %parallel_loop3A_1197 = tpu.vector_load %arg8[%parallel_loop3A_1195, %parallel_loop3A_1196] {strides = array<i32>} : memref<40x16xf32, #tpu.memory_space<vmem>>, vector<16xf32>,
        tpu.vector_store %arg8[%parallel_loop3A_1195, %parallel_loop3A_1196], %parallel_loop3A_1194 {strides = array<i32>} : memref<40x16xf32, #tpu.memory_space<vmem>>, vector<16xf32>,
      } {sc.loop_unroll_factor = 1 : i64, sc.parallel_access}
      %mul3A_509 = arith.constant 22 : i32
      %mul3A_510 = arith.muli %add3A, %mul3A_509 : i32
      %add3A_511 = arith.addi %mul3A_510, %mul3A_312 : i32
      %mul3A_512 = arith.constant 40 : i32
      %mul3A_513 = arith.muli %add3A_511, %mul3A_512 : i32
      %dma_start3A_514 = arith.constant 0 : i32
      %dma_start3A_515 = tpu.memref_slice %arg4[%mul3A_513, %dma_start3A_514] : memref<28160x16xf32, #tpu.memory_space<hbm>> -> memref<40x16xf32, #tpu.memory_space<hbm>>
      %dma_start3A_516 = arith.constant 0 : i32
      %dma_start3A_517 = tpu.memref_slice %arg4[%mul3A_513, %dma_start3A_516] : memref<28160x16xf32, #tpu.memory_space<hbm>> -> memref<40x16xf32, #tpu.memory_space<hbm>>
      tpu.enqueue_dma source(%arg8 : memref<40x16xf32, #tpu.memory_space<vmem>>) target(%dma_start3A_517 : memref<40x16xf32, #tpu.memory_space<hbm>>) target_semaphore(%arg12 : memref<!tpu.dma_semaphore, #tpu.memory_space<semaphore_mem>>)
      %lt3A = arith.constant 10 : i32
      %lt3A_518 = arith.cmpi slt, %scan3A_310, %lt3A : i32
      %convert_element_type3A_519 = arith.extui %lt3A_518 : i1 to i32
      %cond3A_520 = arith.constant 0 : i32
      %cond3A_521 = arith.cmpi ne, %convert_element_type3A_519, %cond3A_520 : i32
      scf.if %cond3A_521 {
        %add3A_619 = arith.constant 2 : i32
        %add3A_620 = arith.addi %mul3A_312, %add3A_619 : i32
        %mul3A_621 = arith.constant 40 : i32
        %mul3A_622 = arith.muli %add3A_620, %mul3A_621 : i32
        %add3A_623 = arith.constant 0 : i32
        %add3A_624 = arith.addi %add3A_623, %mul3A_622 : i32
        %dma_start3A_625 = arith.constant 0 : i32
        %dma_start3A_626 = arith.constant 0 : i32
        %dma_start3A_627 = tpu.memref_slice %arg6[%dma_start3A_625, %dma_start3A_626] : memref<400x128xf32, #tpu.memory_space<vmem>> -> memref<40x128xf32, #tpu.memory_space<vmem>>
        %dma_start3A_628 = tpu.memref_slice %arg5[%add3A_624] : memref<8800xi32, #tpu.memory_space<vmem>> -> memref<40xi32, #tpu.memory_space<vmem>>
        %dma_start3A_629 = arith.constant 0 : i32
        %dma_start3A_630 = arith.constant 0 : i32
        %dma_start3A_631 = tpu.memref_slice %arg3[%dma_start3A_629, %dma_start3A_630] : memref<100000x128xf32, #tpu.memory_space<hbm>> -> memref<100000x128xf32, #tpu.memory_space<hbm>>
        tpu.enqueue_indirect_dma source(%dma_start3A_631 : memref<100000x128xf32, #tpu.memory_space<hbm>>) target(%dma_start3A_627 : memref<40x128xf32, #tpu.memory_space<vmem>>) offsets(%dma_start3A_628 : memref<40xi32, #tpu.memory_space<vmem>>) semaphore(%arg10 : memref<!tpu.dma_semaphore, #tpu.memory_space<semaphore_mem>>)
        %mul3A_632 = arith.constant 40 : i32
        %mul3A_633 = arith.muli %add3A_620, %mul3A_632 : i32
        %add3A_634 = arith.constant 880 : i32
        %add3A_635 = arith.addi %add3A_634, %mul3A_633 : i32
        %dma_start3A_636 = arith.constant 40 : i32
        %dma_start3A_637 = arith.constant 0 : i32
        %dma_start3A_638 = tpu.memref_slice %arg6[%dma_start3A_636, %dma_start3A_637] : memref<400x128xf32, #tpu.memory_space<vmem>> -> memref<40x128xf32, #tpu.memory_space<vmem>>
        %dma_start3A_639 = tpu.memref_slice %arg5[%add3A_635] : memref<8800xi32, #tpu.memory_space<vmem>> -> memref<40xi32, #tpu.memory_space<vmem>>
        %dma_start3A_640 = arith.constant 0 : i32
        %dma_start3A_641 = arith.constant 0 : i32
        %dma_start3A_642 = tpu.memref_slice %arg3[%dma_start3A_640, %dma_start3A_641] : memref<100000x128xf32, #tpu.memory_space<hbm>> -> memref<100000x128xf32, #tpu.memory_space<hbm>>
        tpu.enqueue_indirect_dma source(%dma_start3A_642 : memref<100000x128xf32, #tpu.memory_space<hbm>>) target(%dma_start3A_638 : memref<40x128xf32, #tpu.memory_space<vmem>>) offsets(%dma_start3A_639 : memref<40xi32, #tpu.memory_space<vmem>>) semaphore(%arg10 : memref<!tpu.dma_semaphore, #tpu.memory_space<semaphore_mem>>)
        %mul3A_643 = arith.constant 40 : i32
        %mul3A_644 = arith.muli %add3A_620, %mul3A_643 : i32
        %add3A_645 = arith.constant 1760 : i32
        %add3A_646 = arith.addi %add3A_645, %mul3A_644 : i32
        %dma_start3A_647 = arith.constant 80 : i32
        %dma_start3A_648 = arith.constant 0 : i32
        %dma_start3A_649 = tpu.memref_slice %arg6[%dma_start3A_647, %dma_start3A_648] : memref<400x128xf32, #tpu.memory_space<vmem>> -> memref<40x128xf32, #tpu.memory_space<vmem>>
        %dma_start3A_650 = tpu.memref_slice %arg5[%add3A_646] : memref<8800xi32, #tpu.memory_space<vmem>> -> memref<40xi32, #tpu.memory_space<vmem>>
        %dma_start3A_651 = arith.constant 0 : i32
        %dma_start3A_652 = arith.constant 0 : i32
        %dma_start3A_653 = tpu.memref_slice %arg3[%dma_start3A_651, %dma_start3A_652] : memref<100000x128xf32, #tpu.memory_space<hbm>> -> memref<100000x128xf32, #tpu.memory_space<hbm>>
        tpu.enqueue_indirect_dma source(%dma_start3A_653 : memref<100000x128xf32, #tpu.memory_space<hbm>>) target(%dma_start3A_649 : memref<40x128xf32, #tpu.memory_space<vmem>>) offsets(%dma_start3A_650 : memref<40xi32, #tpu.memory_space<vmem>>) semaphore(%arg10 : memref<!tpu.dma_semaphore, #tpu.memory_space<semaphore_mem>>)
        %mul3A_654 = arith.constant 40 : i32
        %mul3A_655 = arith.muli %add3A_620, %mul3A_654 : i32
        %add3A_656 = arith.constant 2640 : i32
        %add3A_657 = arith.addi %add3A_656, %mul3A_655 : i32
        %dma_start3A_658 = arith.constant 120 : i32
        %dma_start3A_659 = arith.constant 0 : i32
        %dma_start3A_660 = tpu.memref_slice %arg6[%dma_start3A_658, %dma_start3A_659] : memref<400x128xf32, #tpu.memory_space<vmem>> -> memref<40x128xf32, #tpu.memory_space<vmem>>
        %dma_start3A_661 = tpu.memref_slice %arg5[%add3A_657] : memref<8800xi32, #tpu.memory_space<vmem>> -> memref<40xi32, #tpu.memory_space<vmem>>
        %dma_start3A_662 = arith.constant 0 : i32
        %dma_start3A_663 = arith.constant 0 : i32
        %dma_start3A_664 = tpu.memref_slice %arg3[%dma_start3A_662, %dma_start3A_663] : memref<100000x128xf32, #tpu.memory_space<hbm>> -> memref<100000x128xf32, #tpu.memory_space<hbm>>
        tpu.enqueue_indirect_dma source(%dma_start3A_664 : memref<100000x128xf32, #tpu.memory_space<hbm>>) target(%dma_start3A_660 : memref<40x128xf32, #tpu.memory_space<vmem>>) offsets(%dma_start3A_661 : memref<40xi32, #tpu.memory_space<vmem>>) semaphore(%arg10 : memref<!tpu.dma_semaphore, #tpu.memory_space<semaphore_mem>>)
        %mul3A_665 = arith.constant 40 : i32
        %mul3A_666 = arith.muli %add3A_620, %mul3A_665 : i32
        %add3A_667 = arith.constant 3520 : i32
        %add3A_668 = arith.addi %add3A_667, %mul3A_666 : i32
        %dma_start3A_669 = arith.constant 160 : i32
        %dma_start3A_670 = arith.constant 0 : i32
        %dma_start3A_671 = tpu.memref_slice %arg6[%dma_start3A_669, %dma_start3A_670] : memref<400x128xf32, #tpu.memory_space<vmem>> -> memref<40x128xf32, #tpu.memory_space<vmem>>
        %dma_start3A_672 = tpu.memref_slice %arg5[%add3A_668] : memref<8800xi32, #tpu.memory_space<vmem>> -> memref<40xi32, #tpu.memory_space<vmem>>
        %dma_start3A_673 = arith.constant 0 : i32
        %dma_start3A_674 = arith.constant 0 : i32
        %dma_start3A_675 = tpu.memref_slice %arg3[%dma_start3A_673, %dma_start3A_674] : memref<100000x128xf32, #tpu.memory_space<hbm>> -> memref<100000x128xf32, #tpu.memory_space<hbm>>
        tpu.enqueue_indirect_dma source(%dma_start3A_675 : memref<100000x128xf32, #tpu.memory_space<hbm>>) target(%dma_start3A_671 : memref<40x128xf32, #tpu.memory_space<vmem>>) offsets(%dma_start3A_672 : memref<40xi32, #tpu.memory_space<vmem>>) semaphore(%arg10 : memref<!tpu.dma_semaphore, #tpu.memory_space<semaphore_mem>>)
        %mul3A_676 = arith.constant 40 : i32
        %mul3A_677 = arith.muli %add3A_620, %mul3A_676 : i32
        %add3A_678 = arith.constant 4400 : i32
        %add3A_679 = arith.addi %add3A_678, %mul3A_677 : i32
        %dma_start3A_680 = arith.constant 200 : i32
        %dma_start3A_681 = arith.constant 0 : i32
        %dma_start3A_682 = tpu.memref_slice %arg6[%dma_start3A_680, %dma_start3A_681] : memref<400x128xf32, #tpu.memory_space<vmem>> -> memref<40x128xf32, #tpu.memory_space<vmem>>
        %dma_start3A_683 = tpu.memref_slice %arg5[%add3A_679] : memref<8800xi32, #tpu.memory_space<vmem>> -> memref<40xi32, #tpu.memory_space<vmem>>
        %dma_start3A_684 = arith.constant 0 : i32
        %dma_start3A_685 = arith.constant 0 : i32
        %dma_start3A_686 = tpu.memref_slice %arg3[%dma_start3A_684, %dma_start3A_685] : memref<100000x128xf32, #tpu.memory_space<hbm>> -> memref<100000x128xf32, #tpu.memory_space<hbm>>
        tpu.enqueue_indirect_dma source(%dma_start3A_686 : memref<100000x128xf32, #tpu.memory_space<hbm>>) target(%dma_start3A_682 : memref<40x128xf32, #tpu.memory_space<vmem>>) offsets(%dma_start3A_683 : memref<40xi32, #tpu.memory_space<vmem>>) semaphore(%arg10 : memref<!tpu.dma_semaphore, #tpu.memory_space<semaphore_mem>>)
        %mul3A_687 = arith.constant 40 : i32
        %mul3A_688 = arith.muli %add3A_620, %mul3A_687 : i32
        %add3A_689 = arith.constant 5280 : i32
        %add3A_690 = arith.addi %add3A_689, %mul3A_688 : i32
        %dma_start3A_691 = arith.constant 240 : i32
        %dma_start3A_692 = arith.constant 0 : i32
        %dma_start3A_693 = tpu.memref_slice %arg6[%dma_start3A_691, %dma_start3A_692] : memref<400x128xf32, #tpu.memory_space<vmem>> -> memref<40x128xf32, #tpu.memory_space<vmem>>
        %dma_start3A_694 = tpu.memref_slice %arg5[%add3A_690] : memref<8800xi32, #tpu.memory_space<vmem>> -> memref<40xi32, #tpu.memory_space<vmem>>
        %dma_start3A_695 = arith.constant 0 : i32
        %dma_start3A_696 = arith.constant 0 : i32
        %dma_start3A_697 = tpu.memref_slice %arg3[%dma_start3A_695, %dma_start3A_696] : memref<100000x128xf32, #tpu.memory_space<hbm>> -> memref<100000x128xf32, #tpu.memory_space<hbm>>
        tpu.enqueue_indirect_dma source(%dma_start3A_697 : memref<100000x128xf32, #tpu.memory_space<hbm>>) target(%dma_start3A_693 : memref<40x128xf32, #tpu.memory_space<vmem>>) offsets(%dma_start3A_694 : memref<40xi32, #tpu.memory_space<vmem>>) semaphore(%arg10 : memref<!tpu.dma_semaphore, #tpu.memory_space<semaphore_mem>>)
        %mul3A_698 = arith.constant 40 : i32
        %mul3A_699 = arith.muli %add3A_620, %mul3A_698 : i32
        %add3A_700 = arith.constant 6160 : i32
        %add3A_701 = arith.addi %add3A_700, %mul3A_699 : i32
        %dma_start3A_702 = arith.constant 280 : i32
        %dma_start3A_703 = arith.constant 0 : i32
        %dma_start3A_704 = tpu.memref_slice %arg6[%dma_start3A_702, %dma_start3A_703] : memref<400x128xf32, #tpu.memory_space<vmem>> -> memref<40x128xf32, #tpu.memory_space<vmem>>
        %dma_start3A_705 = tpu.memref_slice %arg5[%add3A_701] : memref<8800xi32, #tpu.memory_space<vmem>> -> memref<40xi32, #tpu.memory_space<vmem>>
        %dma_start3A_706 = arith.constant 0 : i32
        %dma_start3A_707 = arith.constant 0 : i32
        %dma_start3A_708 = tpu.memref_slice %arg3[%dma_start3A_706, %dma_start3A_707] : memref<100000x128xf32, #tpu.memory_space<hbm>> -> memref<100000x128xf32, #tpu.memory_space<hbm>>
        tpu.enqueue_indirect_dma source(%dma_start3A_708 : memref<100000x128xf32, #tpu.memory_space<hbm>>) target(%dma_start3A_704 : memref<40x128xf32, #tpu.memory_space<vmem>>) offsets(%dma_start3A_705 : memref<40xi32, #tpu.memory_space<vmem>>) semaphore(%arg10 : memref<!tpu.dma_semaphore, #tpu.memory_space<semaphore_mem>>)
        %mul3A_709 = arith.constant 40 : i32
        %mul3A_710 = arith.muli %add3A_620, %mul3A_709 : i32
        %add3A_711 = arith.constant 7040 : i32
        %add3A_712 = arith.addi %add3A_711, %mul3A_710 : i32
        %dma_start3A_713 = arith.constant 320 : i32
        %dma_start3A_714 = arith.constant 0 : i32
        %dma_start3A_715 = tpu.memref_slice %arg6[%dma_start3A_713, %dma_start3A_714] : memref<400x128xf32, #tpu.memory_space<vmem>> -> memref<40x128xf32, #tpu.memory_space<vmem>>
        %dma_start3A_716 = tpu.memref_slice %arg5[%add3A_712] : memref<8800xi32, #tpu.memory_space<vmem>> -> memref<40xi32, #tpu.memory_space<vmem>>
        %dma_start3A_717 = arith.constant 0 : i32
        %dma_start3A_718 = arith.constant 0 : i32
        %dma_start3A_719 = tpu.memref_slice %arg3[%dma_start3A_717, %dma_start3A_718] : memref<100000x128xf32, #tpu.memory_space<hbm>> -> memref<100000x128xf32, #tpu.memory_space<hbm>>
        tpu.enqueue_indirect_dma source(%dma_start3A_719 : memref<100000x128xf32, #tpu.memory_space<hbm>>) target(%dma_start3A_715 : memref<40x128xf32, #tpu.memory_space<vmem>>) offsets(%dma_start3A_716 : memref<40xi32, #tpu.memory_space<vmem>>) semaphore(%arg10 : memref<!tpu.dma_semaphore, #tpu.memory_space<semaphore_mem>>)
        %mul3A_720 = arith.constant 40 : i32
        %mul3A_721 = arith.muli %add3A_620, %mul3A_720 : i32
        %add3A_722 = arith.constant 7920 : i32
        %add3A_723 = arith.addi %add3A_722, %mul3A_721 : i32
        %dma_start3A_724 = arith.constant 360 : i32
        %dma_start3A_725 = arith.constant 0 : i32
        %dma_start3A_726 = tpu.memref_slice %arg6[%dma_start3A_724, %dma_start3A_725] : memref<400x128xf32, #tpu.memory_space<vmem>> -> memref<40x128xf32, #tpu.memory_space<vmem>>
        %dma_start3A_727 = tpu.memref_slice %arg5[%add3A_723] : memref<8800xi32, #tpu.memory_space<vmem>> -> memref<40xi32, #tpu.memory_space<vmem>>
        %dma_start3A_728 = arith.constant 0 : i32
        %dma_start3A_729 = arith.constant 0 : i32
        %dma_start3A_730 = tpu.memref_slice %arg3[%dma_start3A_728, %dma_start3A_729] : memref<100000x128xf32, #tpu.memory_space<hbm>> -> memref<100000x128xf32, #tpu.memory_space<hbm>>
        tpu.enqueue_indirect_dma source(%dma_start3A_730 : memref<100000x128xf32, #tpu.memory_space<hbm>>) target(%dma_start3A_726 : memref<40x128xf32, #tpu.memory_space<vmem>>) offsets(%dma_start3A_727 : memref<40xi32, #tpu.memory_space<vmem>>) semaphore(%arg10 : memref<!tpu.dma_semaphore, #tpu.memory_space<semaphore_mem>>)
      } else {
      }
      %dma_wait3A_522 = arith.constant 0 : i32
      %dma_wait3A_523 = arith.constant 0 : i32
      %dma_wait3A_524 = tpu.memref_slice %arg7[%dma_wait3A_522, %dma_wait3A_523] : memref<400x128xf32, #tpu.memory_space<vmem>> -> memref<40x128xf32, #tpu.memory_space<vmem>>
      %dma_wait3A_525 = arith.constant 0 : i32
      %dma_wait3A_526 = tpu.memref_slice %arg5[%dma_wait3A_525] : memref<8800xi32, #tpu.memory_space<vmem>> -> memref<40xi32, #tpu.memory_space<vmem>>
      %dma_wait3A_527 = arith.constant 0 : i32
      %dma_wait3A_528 = arith.constant 0 : i32
      %dma_wait3A_529 = tpu.memref_slice %arg3[%dma_wait3A_527, %dma_wait3A_528] : memref<100000x128xf32, #tpu.memory_space<hbm>> -> memref<100000x128xf32, #tpu.memory_space<hbm>>
      tpu.wait_indirect_dma semaphore(%arg11 : memref<!tpu.dma_semaphore, #tpu.memory_space<semaphore_mem>>) src(%dma_wait3A_529 : memref<100000x128xf32, #tpu.memory_space<hbm>>) dst(%dma_wait3A_524 : memref<40x128xf32, #tpu.memory_space<vmem>>)
      %dma_wait3A_530 = arith.constant 40 : i32
      %dma_wait3A_531 = arith.constant 0 : i32
      %dma_wait3A_532 = tpu.memref_slice %arg7[%dma_wait3A_530, %dma_wait3A_531] : memref<400x128xf32, #tpu.memory_space<vmem>> -> memref<40x128xf32, #tpu.memory_space<vmem>>
      %dma_wait3A_533 = arith.constant 880 : i32
      %dma_wait3A_534 = tpu.memref_slice %arg5[%dma_wait3A_533] : memref<8800xi32, #tpu.memory_space<vmem>> -> memref<40xi32, #tpu.memory_space<vmem>>
      %dma_wait3A_535 = arith.constant 0 : i32
      %dma_wait3A_536 = arith.constant 0 : i32
      %dma_wait3A_537 = tpu.memref_slice %arg3[%dma_wait3A_535, %dma_wait3A_536] : memref<100000x128xf32, #tpu.memory_space<hbm>> -> memref<100000x128xf32, #tpu.memory_space<hbm>>
      tpu.wait_indirect_dma semaphore(%arg11 : memref<!tpu.dma_semaphore, #tpu.memory_space<semaphore_mem>>) src(%dma_wait3A_537 : memref<100000x128xf32, #tpu.memory_space<hbm>>) dst(%dma_wait3A_532 : memref<40x128xf32, #tpu.memory_space<vmem>>)
      %dma_wait3A_538 = arith.constant 80 : i32
      %dma_wait3A_539 = arith.constant 0 : i32
      %dma_wait3A_540 = tpu.memref_slice %arg7[%dma_wait3A_538, %dma_wait3A_539] : memref<400x128xf32, #tpu.memory_space<vmem>> -> memref<40x128xf32, #tpu.memory_space<vmem>>
      %dma_wait3A_541 = arith.constant 1760 : i32
      %dma_wait3A_542 = tpu.memref_slice %arg5[%dma_wait3A_541] : memref<8800xi32, #tpu.memory_space<vmem>> -> memref<40xi32, #tpu.memory_space<vmem>>
      %dma_wait3A_543 = arith.constant 0 : i32
      %dma_wait3A_544 = arith.constant 0 : i32
      %dma_wait3A_545 = tpu.memref_slice %arg3[%dma_wait3A_543, %dma_wait3A_544] : memref<100000x128xf32, #tpu.memory_space<hbm>> -> memref<100000x128xf32, #tpu.memory_space<hbm>>
      tpu.wait_indirect_dma semaphore(%arg11 : memref<!tpu.dma_semaphore, #tpu.memory_space<semaphore_mem>>) src(%dma_wait3A_545 : memref<100000x128xf32, #tpu.memory_space<hbm>>) dst(%dma_wait3A_540 : memref<40x128xf32, #tpu.memory_space<vmem>>)
      %dma_wait3A_546 = arith.constant 120 : i32
      %dma_wait3A_547 = arith.constant 0 : i32
      %dma_wait3A_548 = tpu.memref_slice %arg7[%dma_wait3A_546, %dma_wait3A_547] : memref<400x128xf32, #tpu.memory_space<vmem>> -> memref<40x128xf32, #tpu.memory_space<vmem>>
      %dma_wait3A_549 = arith.constant 2640 : i32
      %dma_wait3A_550 = tpu.memref_slice %arg5[%dma_wait3A_549] : memref<8800xi32, #tpu.memory_space<vmem>> -> memref<40xi32, #tpu.memory_space<vmem>>
      %dma_wait3A_551 = arith.constant 0 : i32
      %dma_wait3A_552 = arith.constant 0 : i32
      %dma_wait3A_553 = tpu.memref_slice %arg3[%dma_wait3A_551, %dma_wait3A_552] : memref<100000x128xf32, #tpu.memory_space<hbm>> -> memref<100000x128xf32, #tpu.memory_space<hbm>>
      tpu.wait_indirect_dma semaphore(%arg11 : memref<!tpu.dma_semaphore, #tpu.memory_space<semaphore_mem>>) src(%dma_wait3A_553 : memref<100000x128xf32, #tpu.memory_space<hbm>>) dst(%dma_wait3A_548 : memref<40x128xf32, #tpu.memory_space<vmem>>)
      %dma_wait3A_554 = arith.constant 160 : i32
      %dma_wait3A_555 = arith.constant 0 : i32
      %dma_wait3A_556 = tpu.memref_slice %arg7[%dma_wait3A_554, %dma_wait3A_555] : memref<400x128xf32, #tpu.memory_space<vmem>> -> memref<40x128xf32, #tpu.memory_space<vmem>>
      %dma_wait3A_557 = arith.constant 3520 : i32
      %dma_wait3A_558 = tpu.memref_slice %arg5[%dma_wait3A_557] : memref<8800xi32, #tpu.memory_space<vmem>> -> memref<40xi32, #tpu.memory_space<vmem>>
      %dma_wait3A_559 = arith.constant 0 : i32
      %dma_wait3A_560 = arith.constant 0 : i32
      %dma_wait3A_561 = tpu.memref_slice %arg3[%dma_wait3A_559, %dma_wait3A_560] : memref<100000x128xf32, #tpu.memory_space<hbm>> -> memref<100000x128xf32, #tpu.memory_space<hbm>>
      tpu.wait_indirect_dma semaphore(%arg11 : memref<!tpu.dma_semaphore, #tpu.memory_space<semaphore_mem>>) src(%dma_wait3A_561 : memref<100000x128xf32, #tpu.memory_space<hbm>>) dst(%dma_wait3A_556 : memref<40x128xf32, #tpu.memory_space<vmem>>)
      %dma_wait3A_562 = arith.constant 200 : i32
      %dma_wait3A_563 = arith.constant 0 : i32
      %dma_wait3A_564 = tpu.memref_slice %arg7[%dma_wait3A_562, %dma_wait3A_563] : memref<400x128xf32, #tpu.memory_space<vmem>> -> memref<40x128xf32, #tpu.memory_space<vmem>>
      %dma_wait3A_565 = arith.constant 4400 : i32
      %dma_wait3A_566 = tpu.memref_slice %arg5[%dma_wait3A_565] : memref<8800xi32, #tpu.memory_space<vmem>> -> memref<40xi32, #tpu.memory_space<vmem>>
      %dma_wait3A_567 = arith.constant 0 : i32
      %dma_wait3A_568 = arith.constant 0 : i32
      %dma_wait3A_569 = tpu.memref_slice %arg3[%dma_wait3A_567, %dma_wait3A_568] : memref<100000x128xf32, #tpu.memory_space<hbm>> -> memref<100000x128xf32, #tpu.memory_space<hbm>>
      tpu.wait_indirect_dma semaphore(%arg11 : memref<!tpu.dma_semaphore, #tpu.memory_space<semaphore_mem>>) src(%dma_wait3A_569 : memref<100000x128xf32, #tpu.memory_space<hbm>>) dst(%dma_wait3A_564 : memref<40x128xf32, #tpu.memory_space<vmem>>)
      %dma_wait3A_570 = arith.constant 240 : i32
      %dma_wait3A_571 = arith.constant 0 : i32
      %dma_wait3A_572 = tpu.memref_slice %arg7[%dma_wait3A_570, %dma_wait3A_571] : memref<400x128xf32, #tpu.memory_space<vmem>> -> memref<40x128xf32, #tpu.memory_space<vmem>>
      %dma_wait3A_573 = arith.constant 5280 : i32
      %dma_wait3A_574 = tpu.memref_slice %arg5[%dma_wait3A_573] : memref<8800xi32, #tpu.memory_space<vmem>> -> memref<40xi32, #tpu.memory_space<vmem>>
      %dma_wait3A_575 = arith.constant 0 : i32
      %dma_wait3A_576 = arith.constant 0 : i32
      %dma_wait3A_577 = tpu.memref_slice %arg3[%dma_wait3A_575, %dma_wait3A_576] : memref<100000x128xf32, #tpu.memory_space<hbm>> -> memref<100000x128xf32, #tpu.memory_space<hbm>>
      tpu.wait_indirect_dma semaphore(%arg11 : memref<!tpu.dma_semaphore, #tpu.memory_space<semaphore_mem>>) src(%dma_wait3A_577 : memref<100000x128xf32, #tpu.memory_space<hbm>>) dst(%dma_wait3A_572 : memref<40x128xf32, #tpu.memory_space<vmem>>)
      %dma_wait3A_578 = arith.constant 280 : i32
      %dma_wait3A_579 = arith.constant 0 : i32
      %dma_wait3A_580 = tpu.memref_slice %arg7[%dma_wait3A_578, %dma_wait3A_579] : memref<400x128xf32, #tpu.memory_space<vmem>> -> memref<40x128xf32, #tpu.memory_space<vmem>>
      %dma_wait3A_581 = arith.constant 6160 : i32
      %dma_wait3A_582 = tpu.memref_slice %arg5[%dma_wait3A_581] : memref<8800xi32, #tpu.memory_space<vmem>> -> memref<40xi32, #tpu.memory_space<vmem>>
      %dma_wait3A_583 = arith.constant 0 : i32
      %dma_wait3A_584 = arith.constant 0 : i32
      %dma_wait3A_585 = tpu.memref_slice %arg3[%dma_wait3A_583, %dma_wait3A_584] : memref<100000x128xf32, #tpu.memory_space<hbm>> -> memref<100000x128xf32, #tpu.memory_space<hbm>>
      tpu.wait_indirect_dma semaphore(%arg11 : memref<!tpu.dma_semaphore, #tpu.memory_space<semaphore_mem>>) src(%dma_wait3A_585 : memref<100000x128xf32, #tpu.memory_space<hbm>>) dst(%dma_wait3A_580 : memref<40x128xf32, #tpu.memory_space<vmem>>)
      %dma_wait3A_586 = arith.constant 320 : i32
      %dma_wait3A_587 = arith.constant 0 : i32
      %dma_wait3A_588 = tpu.memref_slice %arg7[%dma_wait3A_586, %dma_wait3A_587] : memref<400x128xf32, #tpu.memory_space<vmem>> -> memref<40x128xf32, #tpu.memory_space<vmem>>
      %dma_wait3A_589 = arith.constant 7040 : i32
      %dma_wait3A_590 = tpu.memref_slice %arg5[%dma_wait3A_589] : memref<8800xi32, #tpu.memory_space<vmem>> -> memref<40xi32, #tpu.memory_space<vmem>>
      %dma_wait3A_591 = arith.constant 0 : i32
      %dma_wait3A_592 = arith.constant 0 : i32
      %dma_wait3A_593 = tpu.memref_slice %arg3[%dma_wait3A_591, %dma_wait3A_592] : memref<100000x128xf32, #tpu.memory_space<hbm>> -> memref<100000x128xf32, #tpu.memory_space<hbm>>
      tpu.wait_indirect_dma semaphore(%arg11 : memref<!tpu.dma_semaphore, #tpu.memory_space<semaphore_mem>>) src(%dma_wait3A_593 : memref<100000x128xf32, #tpu.memory_space<hbm>>) dst(%dma_wait3A_588 : memref<40x128xf32, #tpu.memory_space<vmem>>)
      %dma_wait3A_594 = arith.constant 360 : i32
      %dma_wait3A_595 = arith.constant 0 : i32
      %dma_wait3A_596 = tpu.memref_slice %arg7[%dma_wait3A_594, %dma_wait3A_595] : memref<400x128xf32, #tpu.memory_space<vmem>> -> memref<40x128xf32, #tpu.memory_space<vmem>>
      %dma_wait3A_597 = arith.constant 7920 : i32
      %dma_wait3A_598 = tpu.memref_slice %arg5[%dma_wait3A_597] : memref<8800xi32, #tpu.memory_space<vmem>> -> memref<40xi32, #tpu.memory_space<vmem>>
      %dma_wait3A_599 = arith.constant 0 : i32
      %dma_wait3A_600 = arith.constant 0 : i32
      %dma_wait3A_601 = tpu.memref_slice %arg3[%dma_wait3A_599, %dma_wait3A_600] : memref<100000x128xf32, #tpu.memory_space<hbm>> -> memref<100000x128xf32, #tpu.memory_space<hbm>>
      tpu.wait_indirect_dma semaphore(%arg11 : memref<!tpu.dma_semaphore, #tpu.memory_space<semaphore_mem>>) src(%dma_wait3A_601 : memref<100000x128xf32, #tpu.memory_space<hbm>>) dst(%dma_wait3A_596 : memref<40x128xf32, #tpu.memory_space<vmem>>)
      %gt3A_602 = arith.constant 0 : i32
      %gt3A_603 = arith.cmpi sgt, %scan3A_310, %gt3A_602 : i32
      %convert_element_type3A_604 = arith.extui %gt3A_603 : i1 to i32
      %cond3A_605 = arith.constant 0 : i32
      %cond3A_606 = arith.cmpi ne, %convert_element_type3A_604, %cond3A_605 : i32
      scf.if %cond3A_606 {
        %mul3A_619 = arith.constant 22 : i32
        %mul3A_620 = arith.muli %add3A, %mul3A_619 : i32
        %add3A_621 = arith.addi %mul3A_620, %add3A_314 : i32
        %mul3A_622 = arith.constant 40 : i32
        %mul3A_623 = arith.muli %add3A_621, %mul3A_622 : i32
        %dma_wait3A_624 = arith.constant 0 : i32
        %dma_wait3A_625 = tpu.memref_slice %arg4[%mul3A_623, %dma_wait3A_624] : memref<28160x16xf32, #tpu.memory_space<hbm>> -> memref<40x16xf32, #tpu.memory_space<hbm>>
        %dma_wait3A_626 = arith.constant 0 : i32
        %dma_wait3A_627 = tpu.memref_slice %arg4[%mul3A_623, %dma_wait3A_626] : memref<28160x16xf32, #tpu.memory_space<hbm>> -> memref<40x16xf32, #tpu.memory_space<hbm>>
        tpu.wait_dma2 semaphore(%arg13 : memref<!tpu.dma_semaphore, #tpu.memory_space<semaphore_mem>>) src(%arg9 : memref<40x16xf32, #tpu.memory_space<vmem>>) dst(%dma_wait3A_627 : memref<40x16xf32, #tpu.memory_space<hbm>>)
      } else {
      }
      %parallel_loop3A_607 = arith.constant 0 : i32
      %parallel_loop3A_608 = arith.constant 40 : i32
      %parallel_loop3A_609 = arith.constant 1 : i32
      scf.for %parallel_loop3A_619 = %parallel_loop3A_607 to %parallel_loop3A_608 step %parallel_loop3A_609  : i32 {
        %parallel_loop3A_620 = arith.index_cast %parallel_loop3A_619 : i32 to index
        %parallel_loop3A_621 = arith.constant 0 : index
        %parallel_loop3A_622 = tpu.vector_load %arg7[%parallel_loop3A_620, %parallel_loop3A_621] {strides = array<i32>} : memref<400x128xf32, #tpu.memory_space<vmem>>, vector<16xf32>,
        %parallel_loop3A_623 = arith.index_cast %parallel_loop3A_619 : i32 to index
        %parallel_loop3A_624 = arith.constant 16 : index
        %parallel_loop3A_625 = tpu.vector_load %arg7[%parallel_loop3A_623, %parallel_loop3A_624] {strides = array<i32>} : memref<400x128xf32, #tpu.memory_space<vmem>>, vector<16xf32>,
        %parallel_loop3A_626 = arith.index_cast %parallel_loop3A_619 : i32 to index
        %parallel_loop3A_627 = arith.constant 32 : index
        %parallel_loop3A_628 = tpu.vector_load %arg7[%parallel_loop3A_626, %parallel_loop3A_627] {strides = array<i32>} : memref<400x128xf32, #tpu.memory_space<vmem>>, vector<16xf32>,
        %parallel_loop3A_629 = arith.index_cast %parallel_loop3A_619 : i32 to index
        %parallel_loop3A_630 = arith.constant 48 : index
        %parallel_loop3A_631 = tpu.vector_load %arg7[%parallel_loop3A_629, %parallel_loop3A_630] {strides = array<i32>} : memref<400x128xf32, #tpu.memory_space<vmem>>, vector<16xf32>,
        %parallel_loop3A_632 = arith.index_cast %parallel_loop3A_619 : i32 to index
        %parallel_loop3A_633 = arith.constant 64 : index
        %parallel_loop3A_634 = tpu.vector_load %arg7[%parallel_loop3A_632, %parallel_loop3A_633] {strides = array<i32>} : memref<400x128xf32, #tpu.memory_space<vmem>>, vector<16xf32>,
        %parallel_loop3A_635 = arith.index_cast %parallel_loop3A_619 : i32 to index
        %parallel_loop3A_636 = arith.constant 80 : index
        %parallel_loop3A_637 = tpu.vector_load %arg7[%parallel_loop3A_635, %parallel_loop3A_636] {strides = array<i32>} : memref<400x128xf32, #tpu.memory_space<vmem>>, vector<16xf32>,
        %parallel_loop3A_638 = arith.index_cast %parallel_loop3A_619 : i32 to index
        %parallel_loop3A_639 = arith.constant 96 : index
        %parallel_loop3A_640 = tpu.vector_load %arg7[%parallel_loop3A_638, %parallel_loop3A_639] {strides = array<i32>} : memref<400x128xf32, #tpu.memory_space<vmem>>, vector<16xf32>,
        %parallel_loop3A_641 = arith.index_cast %parallel_loop3A_619 : i32 to index
        %parallel_loop3A_642 = arith.constant 112 : index
        %parallel_loop3A_643 = tpu.vector_load %arg7[%parallel_loop3A_641, %parallel_loop3A_642] {strides = array<i32>} : memref<400x128xf32, #tpu.memory_space<vmem>>, vector<16xf32>,
        %parallel_loop3A_644 = arith.constant 0.000000e+00 : f32
        %parallel_loop3A_645 = vector.broadcast %parallel_loop3A_644 : f32 to vector<16xf32>
        %parallel_loop3A_646 = arith.constant 40 : i32
        %parallel_loop3A_647 = arith.addi %parallel_loop3A_646, %parallel_loop3A_619 : i32
        %parallel_loop3A_648 = arith.index_cast %parallel_loop3A_647 : i32 to index
        %parallel_loop3A_649 = arith.constant 0 : index
        %parallel_loop3A_650 = tpu.vector_load %arg7[%parallel_loop3A_648, %parallel_loop3A_649] {strides = array<i32>} : memref<400x128xf32, #tpu.memory_space<vmem>>, vector<16xf32>,
        %parallel_loop3A_651 = arith.mulf %parallel_loop3A_622, %parallel_loop3A_650 : vector<16xf32>
        %parallel_loop3A_652 = arith.constant 40 : i32
        %parallel_loop3A_653 = arith.addi %parallel_loop3A_652, %parallel_loop3A_619 : i32
        %parallel_loop3A_654 = arith.index_cast %parallel_loop3A_653 : i32 to index
        %parallel_loop3A_655 = arith.constant 16 : index
        %parallel_loop3A_656 = tpu.vector_load %arg7[%parallel_loop3A_654, %parallel_loop3A_655] {strides = array<i32>} : memref<400x128xf32, #tpu.memory_space<vmem>>, vector<16xf32>,
        %parallel_loop3A_657 = arith.mulf %parallel_loop3A_625, %parallel_loop3A_656 : vector<16xf32>
        %parallel_loop3A_658 = arith.constant 40 : i32
        %parallel_loop3A_659 = arith.addi %parallel_loop3A_658, %parallel_loop3A_619 : i32
        %parallel_loop3A_660 = arith.index_cast %parallel_loop3A_659 : i32 to index
        %parallel_loop3A_661 = arith.constant 32 : index
        %parallel_loop3A_662 = tpu.vector_load %arg7[%parallel_loop3A_660, %parallel_loop3A_661] {strides = array<i32>} : memref<400x128xf32, #tpu.memory_space<vmem>>, vector<16xf32>,
        %parallel_loop3A_663 = arith.mulf %parallel_loop3A_628, %parallel_loop3A_662 : vector<16xf32>
        %parallel_loop3A_664 = arith.constant 40 : i32
        %parallel_loop3A_665 = arith.addi %parallel_loop3A_664, %parallel_loop3A_619 : i32
        %parallel_loop3A_666 = arith.index_cast %parallel_loop3A_665 : i32 to index
        %parallel_loop3A_667 = arith.constant 48 : index
        %parallel_loop3A_668 = tpu.vector_load %arg7[%parallel_loop3A_666, %parallel_loop3A_667] {strides = array<i32>} : memref<400x128xf32, #tpu.memory_space<vmem>>, vector<16xf32>,
        %parallel_loop3A_669 = arith.mulf %parallel_loop3A_631, %parallel_loop3A_668 : vector<16xf32>
        %parallel_loop3A_670 = arith.constant 40 : i32
        %parallel_loop3A_671 = arith.addi %parallel_loop3A_670, %parallel_loop3A_619 : i32
        %parallel_loop3A_672 = arith.index_cast %parallel_loop3A_671 : i32 to index
        %parallel_loop3A_673 = arith.constant 64 : index
        %parallel_loop3A_674 = tpu.vector_load %arg7[%parallel_loop3A_672, %parallel_loop3A_673] {strides = array<i32>} : memref<400x128xf32, #tpu.memory_space<vmem>>, vector<16xf32>,
        %parallel_loop3A_675 = arith.mulf %parallel_loop3A_634, %parallel_loop3A_674 : vector<16xf32>
        %parallel_loop3A_676 = arith.constant 40 : i32
        %parallel_loop3A_677 = arith.addi %parallel_loop3A_676, %parallel_loop3A_619 : i32
        %parallel_loop3A_678 = arith.index_cast %parallel_loop3A_677 : i32 to index
        %parallel_loop3A_679 = arith.constant 80 : index
        %parallel_loop3A_680 = tpu.vector_load %arg7[%parallel_loop3A_678, %parallel_loop3A_679] {strides = array<i32>} : memref<400x128xf32, #tpu.memory_space<vmem>>, vector<16xf32>,
        %parallel_loop3A_681 = arith.mulf %parallel_loop3A_637, %parallel_loop3A_680 : vector<16xf32>
        %parallel_loop3A_682 = arith.constant 40 : i32
        %parallel_loop3A_683 = arith.addi %parallel_loop3A_682, %parallel_loop3A_619 : i32
        %parallel_loop3A_684 = arith.index_cast %parallel_loop3A_683 : i32 to index
        %parallel_loop3A_685 = arith.constant 96 : index
        %parallel_loop3A_686 = tpu.vector_load %arg7[%parallel_loop3A_684, %parallel_loop3A_685] {strides = array<i32>} : memref<400x128xf32, #tpu.memory_space<vmem>>, vector<16xf32>,
        %parallel_loop3A_687 = arith.mulf %parallel_loop3A_640, %parallel_loop3A_686 : vector<16xf32>
        %parallel_loop3A_688 = arith.constant 40 : i32
        %parallel_loop3A_689 = arith.addi %parallel_loop3A_688, %parallel_loop3A_619 : i32
        %parallel_loop3A_690 = arith.index_cast %parallel_loop3A_689 : i32 to index
        %parallel_loop3A_691 = arith.constant 112 : index
        %parallel_loop3A_692 = tpu.vector_load %arg7[%parallel_loop3A_690, %parallel_loop3A_691] {strides = array<i32>} : memref<400x128xf32, #tpu.memory_space<vmem>>, vector<16xf32>,
        %parallel_loop3A_693 = arith.mulf %parallel_loop3A_643, %parallel_loop3A_692 : vector<16xf32>
        %parallel_loop3A_694 = arith.addf %parallel_loop3A_651, %parallel_loop3A_657 : vector<16xf32>
        %parallel_loop3A_695 = arith.addf %parallel_loop3A_663, %parallel_loop3A_669 : vector<16xf32>
        %parallel_loop3A_696 = arith.addf %parallel_loop3A_675, %parallel_loop3A_681 : vector<16xf32>
        %parallel_loop3A_697 = arith.addf %parallel_loop3A_687, %parallel_loop3A_693 : vector<16xf32>
        %parallel_loop3A_698 = arith.addf %parallel_loop3A_694, %parallel_loop3A_695 : vector<16xf32>
        %parallel_loop3A_699 = arith.addf %parallel_loop3A_696, %parallel_loop3A_697 : vector<16xf32>
        %parallel_loop3A_700 = arith.addf %parallel_loop3A_698, %parallel_loop3A_699 : vector<16xf32>
        %parallel_loop3A_701 = arith.constant true
        %parallel_loop3A_702 = vector.broadcast %parallel_loop3A_701 : i1 to vector<16xi1>
        %parallel_loop3A_703 = tpu.scan <sum>, %parallel_loop3A_700 masked %parallel_loop3A_702 : vector<16xf32>, vector<16xi1> -> vector<16xf32>
        %parallel_loop3A_704 = vector.extract %parallel_loop3A_703[15] : f32 from vector<16xf32>
        %parallel_loop3A_705 = vector.broadcast %parallel_loop3A_704 : f32 to vector<16xf32>
        %parallel_loop3A_706 = arith.select %eq3A_180, %parallel_loop3A_705, %parallel_loop3A_645 : vector<16xi1>, vector<16xf32>
        %parallel_loop3A_707 = arith.constant 80 : i32
        %parallel_loop3A_708 = arith.addi %parallel_loop3A_707, %parallel_loop3A_619 : i32
        %parallel_loop3A_709 = arith.index_cast %parallel_loop3A_708 : i32 to index
        %parallel_loop3A_710 = arith.constant 0 : index
        %parallel_loop3A_711 = tpu.vector_load %arg7[%parallel_loop3A_709, %parallel_loop3A_710] {strides = array<i32>} : memref<400x128xf32, #tpu.memory_space<vmem>>, vector<16xf32>,
        %parallel_loop3A_712 = arith.mulf %parallel_loop3A_622, %parallel_loop3A_711 : vector<16xf32>
        %parallel_loop3A_713 = arith.constant 80 : i32
        %parallel_loop3A_714 = arith.addi %parallel_loop3A_713, %parallel_loop3A_619 : i32
        %parallel_loop3A_715 = arith.index_cast %parallel_loop3A_714 : i32 to index
        %parallel_loop3A_716 = arith.constant 16 : index
        %parallel_loop3A_717 = tpu.vector_load %arg7[%parallel_loop3A_715, %parallel_loop3A_716] {strides = array<i32>} : memref<400x128xf32, #tpu.memory_space<vmem>>, vector<16xf32>,
        %parallel_loop3A_718 = arith.mulf %parallel_loop3A_625, %parallel_loop3A_717 : vector<16xf32>
        %parallel_loop3A_719 = arith.constant 80 : i32
        %parallel_loop3A_720 = arith.addi %parallel_loop3A_719, %parallel_loop3A_619 : i32
        %parallel_loop3A_721 = arith.index_cast %parallel_loop3A_720 : i32 to index
        %parallel_loop3A_722 = arith.constant 32 : index
        %parallel_loop3A_723 = tpu.vector_load %arg7[%parallel_loop3A_721, %parallel_loop3A_722] {strides = array<i32>} : memref<400x128xf32, #tpu.memory_space<vmem>>, vector<16xf32>,
        %parallel_loop3A_724 = arith.mulf %parallel_loop3A_628, %parallel_loop3A_723 : vector<16xf32>
        %parallel_loop3A_725 = arith.constant 80 : i32
        %parallel_loop3A_726 = arith.addi %parallel_loop3A_725, %parallel_loop3A_619 : i32
        %parallel_loop3A_727 = arith.index_cast %parallel_loop3A_726 : i32 to index
        %parallel_loop3A_728 = arith.constant 48 : index
        %parallel_loop3A_729 = tpu.vector_load %arg7[%parallel_loop3A_727, %parallel_loop3A_728] {strides = array<i32>} : memref<400x128xf32, #tpu.memory_space<vmem>>, vector<16xf32>,
        %parallel_loop3A_730 = arith.mulf %parallel_loop3A_631, %parallel_loop3A_729 : vector<16xf32>
        %parallel_loop3A_731 = arith.constant 80 : i32
        %parallel_loop3A_732 = arith.addi %parallel_loop3A_731, %parallel_loop3A_619 : i32
        %parallel_loop3A_733 = arith.index_cast %parallel_loop3A_732 : i32 to index
        %parallel_loop3A_734 = arith.constant 64 : index
        %parallel_loop3A_735 = tpu.vector_load %arg7[%parallel_loop3A_733, %parallel_loop3A_734] {strides = array<i32>} : memref<400x128xf32, #tpu.memory_space<vmem>>, vector<16xf32>,
        %parallel_loop3A_736 = arith.mulf %parallel_loop3A_634, %parallel_loop3A_735 : vector<16xf32>
        %parallel_loop3A_737 = arith.constant 80 : i32
        %parallel_loop3A_738 = arith.addi %parallel_loop3A_737, %parallel_loop3A_619 : i32
        %parallel_loop3A_739 = arith.index_cast %parallel_loop3A_738 : i32 to index
        %parallel_loop3A_740 = arith.constant 80 : index
        %parallel_loop3A_741 = tpu.vector_load %arg7[%parallel_loop3A_739, %parallel_loop3A_740] {strides = array<i32>} : memref<400x128xf32, #tpu.memory_space<vmem>>, vector<16xf32>,
        %parallel_loop3A_742 = arith.mulf %parallel_loop3A_637, %parallel_loop3A_741 : vector<16xf32>
        %parallel_loop3A_743 = arith.constant 80 : i32
        %parallel_loop3A_744 = arith.addi %parallel_loop3A_743, %parallel_loop3A_619 : i32
        %parallel_loop3A_745 = arith.index_cast %parallel_loop3A_744 : i32 to index
        %parallel_loop3A_746 = arith.constant 96 : index
        %parallel_loop3A_747 = tpu.vector_load %arg7[%parallel_loop3A_745, %parallel_loop3A_746] {strides = array<i32>} : memref<400x128xf32, #tpu.memory_space<vmem>>, vector<16xf32>,
        %parallel_loop3A_748 = arith.mulf %parallel_loop3A_640, %parallel_loop3A_747 : vector<16xf32>
        %parallel_loop3A_749 = arith.constant 80 : i32
        %parallel_loop3A_750 = arith.addi %parallel_loop3A_749, %parallel_loop3A_619 : i32
        %parallel_loop3A_751 = arith.index_cast %parallel_loop3A_750 : i32 to index
        %parallel_loop3A_752 = arith.constant 112 : index
        %parallel_loop3A_753 = tpu.vector_load %arg7[%parallel_loop3A_751, %parallel_loop3A_752] {strides = array<i32>} : memref<400x128xf32, #tpu.memory_space<vmem>>, vector<16xf32>,
        %parallel_loop3A_754 = arith.mulf %parallel_loop3A_643, %parallel_loop3A_753 : vector<16xf32>
        %parallel_loop3A_755 = arith.addf %parallel_loop3A_712, %parallel_loop3A_718 : vector<16xf32>
        %parallel_loop3A_756 = arith.addf %parallel_loop3A_724, %parallel_loop3A_730 : vector<16xf32>
        %parallel_loop3A_757 = arith.addf %parallel_loop3A_736, %parallel_loop3A_742 : vector<16xf32>
        %parallel_loop3A_758 = arith.addf %parallel_loop3A_748, %parallel_loop3A_754 : vector<16xf32>
        %parallel_loop3A_759 = arith.addf %parallel_loop3A_755, %parallel_loop3A_756 : vector<16xf32>
        %parallel_loop3A_760 = arith.addf %parallel_loop3A_757, %parallel_loop3A_758 : vector<16xf32>
        %parallel_loop3A_761 = arith.addf %parallel_loop3A_759, %parallel_loop3A_760 : vector<16xf32>
        %parallel_loop3A_762 = arith.constant true
        %parallel_loop3A_763 = vector.broadcast %parallel_loop3A_762 : i1 to vector<16xi1>
        %parallel_loop3A_764 = tpu.scan <sum>, %parallel_loop3A_761 masked %parallel_loop3A_763 : vector<16xf32>, vector<16xi1> -> vector<16xf32>
        %parallel_loop3A_765 = vector.extract %parallel_loop3A_764[15] : f32 from vector<16xf32>
        %parallel_loop3A_766 = vector.broadcast %parallel_loop3A_765 : f32 to vector<16xf32>
        %parallel_loop3A_767 = arith.select %eq3A_183, %parallel_loop3A_766, %parallel_loop3A_706 : vector<16xi1>, vector<16xf32>
        %parallel_loop3A_768 = arith.constant 120 : i32
        %parallel_loop3A_769 = arith.addi %parallel_loop3A_768, %parallel_loop3A_619 : i32
        %parallel_loop3A_770 = arith.index_cast %parallel_loop3A_769 : i32 to index
        %parallel_loop3A_771 = arith.constant 0 : index
        %parallel_loop3A_772 = tpu.vector_load %arg7[%parallel_loop3A_770, %parallel_loop3A_771] {strides = array<i32>} : memref<400x128xf32, #tpu.memory_space<vmem>>, vector<16xf32>,
        %parallel_loop3A_773 = arith.mulf %parallel_loop3A_622, %parallel_loop3A_772 : vector<16xf32>
        %parallel_loop3A_774 = arith.constant 120 : i32
        %parallel_loop3A_775 = arith.addi %parallel_loop3A_774, %parallel_loop3A_619 : i32
        %parallel_loop3A_776 = arith.index_cast %parallel_loop3A_775 : i32 to index
        %parallel_loop3A_777 = arith.constant 16 : index
        %parallel_loop3A_778 = tpu.vector_load %arg7[%parallel_loop3A_776, %parallel_loop3A_777] {strides = array<i32>} : memref<400x128xf32, #tpu.memory_space<vmem>>, vector<16xf32>,
        %parallel_loop3A_779 = arith.mulf %parallel_loop3A_625, %parallel_loop3A_778 : vector<16xf32>
        %parallel_loop3A_780 = arith.constant 120 : i32
        %parallel_loop3A_781 = arith.addi %parallel_loop3A_780, %parallel_loop3A_619 : i32
        %parallel_loop3A_782 = arith.index_cast %parallel_loop3A_781 : i32 to index
        %parallel_loop3A_783 = arith.constant 32 : index
        %parallel_loop3A_784 = tpu.vector_load %arg7[%parallel_loop3A_782, %parallel_loop3A_783] {strides = array<i32>} : memref<400x128xf32, #tpu.memory_space<vmem>>, vector<16xf32>,
        %parallel_loop3A_785 = arith.mulf %parallel_loop3A_628, %parallel_loop3A_784 : vector<16xf32>
        %parallel_loop3A_786 = arith.constant 120 : i32
        %parallel_loop3A_787 = arith.addi %parallel_loop3A_786, %parallel_loop3A_619 : i32
        %parallel_loop3A_788 = arith.index_cast %parallel_loop3A_787 : i32 to index
        %parallel_loop3A_789 = arith.constant 48 : index
        %parallel_loop3A_790 = tpu.vector_load %arg7[%parallel_loop3A_788, %parallel_loop3A_789] {strides = array<i32>} : memref<400x128xf32, #tpu.memory_space<vmem>>, vector<16xf32>,
        %parallel_loop3A_791 = arith.mulf %parallel_loop3A_631, %parallel_loop3A_790 : vector<16xf32>
        %parallel_loop3A_792 = arith.constant 120 : i32
        %parallel_loop3A_793 = arith.addi %parallel_loop3A_792, %parallel_loop3A_619 : i32
        %parallel_loop3A_794 = arith.index_cast %parallel_loop3A_793 : i32 to index
        %parallel_loop3A_795 = arith.constant 64 : index
        %parallel_loop3A_796 = tpu.vector_load %arg7[%parallel_loop3A_794, %parallel_loop3A_795] {strides = array<i32>} : memref<400x128xf32, #tpu.memory_space<vmem>>, vector<16xf32>,
        %parallel_loop3A_797 = arith.mulf %parallel_loop3A_634, %parallel_loop3A_796 : vector<16xf32>
        %parallel_loop3A_798 = arith.constant 120 : i32
        %parallel_loop3A_799 = arith.addi %parallel_loop3A_798, %parallel_loop3A_619 : i32
        %parallel_loop3A_800 = arith.index_cast %parallel_loop3A_799 : i32 to index
        %parallel_loop3A_801 = arith.constant 80 : index
        %parallel_loop3A_802 = tpu.vector_load %arg7[%parallel_loop3A_800, %parallel_loop3A_801] {strides = array<i32>} : memref<400x128xf32, #tpu.memory_space<vmem>>, vector<16xf32>,
        %parallel_loop3A_803 = arith.mulf %parallel_loop3A_637, %parallel_loop3A_802 : vector<16xf32>
        %parallel_loop3A_804 = arith.constant 120 : i32
        %parallel_loop3A_805 = arith.addi %parallel_loop3A_804, %parallel_loop3A_619 : i32
        %parallel_loop3A_806 = arith.index_cast %parallel_loop3A_805 : i32 to index
        %parallel_loop3A_807 = arith.constant 96 : index
        %parallel_loop3A_808 = tpu.vector_load %arg7[%parallel_loop3A_806, %parallel_loop3A_807] {strides = array<i32>} : memref<400x128xf32, #tpu.memory_space<vmem>>, vector<16xf32>,
        %parallel_loop3A_809 = arith.mulf %parallel_loop3A_640, %parallel_loop3A_808 : vector<16xf32>
        %parallel_loop3A_810 = arith.constant 120 : i32
        %parallel_loop3A_811 = arith.addi %parallel_loop3A_810, %parallel_loop3A_619 : i32
        %parallel_loop3A_812 = arith.index_cast %parallel_loop3A_811 : i32 to index
        %parallel_loop3A_813 = arith.constant 112 : index
        %parallel_loop3A_814 = tpu.vector_load %arg7[%parallel_loop3A_812, %parallel_loop3A_813] {strides = array<i32>} : memref<400x128xf32, #tpu.memory_space<vmem>>, vector<16xf32>,
        %parallel_loop3A_815 = arith.mulf %parallel_loop3A_643, %parallel_loop3A_814 : vector<16xf32>
        %parallel_loop3A_816 = arith.addf %parallel_loop3A_773, %parallel_loop3A_779 : vector<16xf32>
        %parallel_loop3A_817 = arith.addf %parallel_loop3A_785, %parallel_loop3A_791 : vector<16xf32>
        %parallel_loop3A_818 = arith.addf %parallel_loop3A_797, %parallel_loop3A_803 : vector<16xf32>
        %parallel_loop3A_819 = arith.addf %parallel_loop3A_809, %parallel_loop3A_815 : vector<16xf32>
        %parallel_loop3A_820 = arith.addf %parallel_loop3A_816, %parallel_loop3A_817 : vector<16xf32>
        %parallel_loop3A_821 = arith.addf %parallel_loop3A_818, %parallel_loop3A_819 : vector<16xf32>
        %parallel_loop3A_822 = arith.addf %parallel_loop3A_820, %parallel_loop3A_821 : vector<16xf32>
        %parallel_loop3A_823 = arith.constant true
        %parallel_loop3A_824 = vector.broadcast %parallel_loop3A_823 : i1 to vector<16xi1>
        %parallel_loop3A_825 = tpu.scan <sum>, %parallel_loop3A_822 masked %parallel_loop3A_824 : vector<16xf32>, vector<16xi1> -> vector<16xf32>
        %parallel_loop3A_826 = vector.extract %parallel_loop3A_825[15] : f32 from vector<16xf32>
        %parallel_loop3A_827 = vector.broadcast %parallel_loop3A_826 : f32 to vector<16xf32>
        %parallel_loop3A_828 = arith.select %eq3A_186, %parallel_loop3A_827, %parallel_loop3A_767 : vector<16xi1>, vector<16xf32>
        %parallel_loop3A_829 = arith.constant 160 : i32
        %parallel_loop3A_830 = arith.addi %parallel_loop3A_829, %parallel_loop3A_619 : i32
        %parallel_loop3A_831 = arith.index_cast %parallel_loop3A_830 : i32 to index
        %parallel_loop3A_832 = arith.constant 0 : index
        %parallel_loop3A_833 = tpu.vector_load %arg7[%parallel_loop3A_831, %parallel_loop3A_832] {strides = array<i32>} : memref<400x128xf32, #tpu.memory_space<vmem>>, vector<16xf32>,
        %parallel_loop3A_834 = arith.mulf %parallel_loop3A_622, %parallel_loop3A_833 : vector<16xf32>
        %parallel_loop3A_835 = arith.constant 160 : i32
        %parallel_loop3A_836 = arith.addi %parallel_loop3A_835, %parallel_loop3A_619 : i32
        %parallel_loop3A_837 = arith.index_cast %parallel_loop3A_836 : i32 to index
        %parallel_loop3A_838 = arith.constant 16 : index
        %parallel_loop3A_839 = tpu.vector_load %arg7[%parallel_loop3A_837, %parallel_loop3A_838] {strides = array<i32>} : memref<400x128xf32, #tpu.memory_space<vmem>>, vector<16xf32>,
        %parallel_loop3A_840 = arith.mulf %parallel_loop3A_625, %parallel_loop3A_839 : vector<16xf32>
        %parallel_loop3A_841 = arith.constant 160 : i32
        %parallel_loop3A_842 = arith.addi %parallel_loop3A_841, %parallel_loop3A_619 : i32
        %parallel_loop3A_843 = arith.index_cast %parallel_loop3A_842 : i32 to index
        %parallel_loop3A_844 = arith.constant 32 : index
        %parallel_loop3A_845 = tpu.vector_load %arg7[%parallel_loop3A_843, %parallel_loop3A_844] {strides = array<i32>} : memref<400x128xf32, #tpu.memory_space<vmem>>, vector<16xf32>,
        %parallel_loop3A_846 = arith.mulf %parallel_loop3A_628, %parallel_loop3A_845 : vector<16xf32>
        %parallel_loop3A_847 = arith.constant 160 : i32
        %parallel_loop3A_848 = arith.addi %parallel_loop3A_847, %parallel_loop3A_619 : i32
        %parallel_loop3A_849 = arith.index_cast %parallel_loop3A_848 : i32 to index
        %parallel_loop3A_850 = arith.constant 48 : index
        %parallel_loop3A_851 = tpu.vector_load %arg7[%parallel_loop3A_849, %parallel_loop3A_850] {strides = array<i32>} : memref<400x128xf32, #tpu.memory_space<vmem>>, vector<16xf32>,
        %parallel_loop3A_852 = arith.mulf %parallel_loop3A_631, %parallel_loop3A_851 : vector<16xf32>
        %parallel_loop3A_853 = arith.constant 160 : i32
        %parallel_loop3A_854 = arith.addi %parallel_loop3A_853, %parallel_loop3A_619 : i32
        %parallel_loop3A_855 = arith.index_cast %parallel_loop3A_854 : i32 to index
        %parallel_loop3A_856 = arith.constant 64 : index
        %parallel_loop3A_857 = tpu.vector_load %arg7[%parallel_loop3A_855, %parallel_loop3A_856] {strides = array<i32>} : memref<400x128xf32, #tpu.memory_space<vmem>>, vector<16xf32>,
        %parallel_loop3A_858 = arith.mulf %parallel_loop3A_634, %parallel_loop3A_857 : vector<16xf32>
        %parallel_loop3A_859 = arith.constant 160 : i32
        %parallel_loop3A_860 = arith.addi %parallel_loop3A_859, %parallel_loop3A_619 : i32
        %parallel_loop3A_861 = arith.index_cast %parallel_loop3A_860 : i32 to index
        %parallel_loop3A_862 = arith.constant 80 : index
        %parallel_loop3A_863 = tpu.vector_load %arg7[%parallel_loop3A_861, %parallel_loop3A_862] {strides = array<i32>} : memref<400x128xf32, #tpu.memory_space<vmem>>, vector<16xf32>,
        %parallel_loop3A_864 = arith.mulf %parallel_loop3A_637, %parallel_loop3A_863 : vector<16xf32>
        %parallel_loop3A_865 = arith.constant 160 : i32
        %parallel_loop3A_866 = arith.addi %parallel_loop3A_865, %parallel_loop3A_619 : i32
        %parallel_loop3A_867 = arith.index_cast %parallel_loop3A_866 : i32 to index
        %parallel_loop3A_868 = arith.constant 96 : index
        %parallel_loop3A_869 = tpu.vector_load %arg7[%parallel_loop3A_867, %parallel_loop3A_868] {strides = array<i32>} : memref<400x128xf32, #tpu.memory_space<vmem>>, vector<16xf32>,
        %parallel_loop3A_870 = arith.mulf %parallel_loop3A_640, %parallel_loop3A_869 : vector<16xf32>
        %parallel_loop3A_871 = arith.constant 160 : i32
        %parallel_loop3A_872 = arith.addi %parallel_loop3A_871, %parallel_loop3A_619 : i32
        %parallel_loop3A_873 = arith.index_cast %parallel_loop3A_872 : i32 to index
        %parallel_loop3A_874 = arith.constant 112 : index
        %parallel_loop3A_875 = tpu.vector_load %arg7[%parallel_loop3A_873, %parallel_loop3A_874] {strides = array<i32>} : memref<400x128xf32, #tpu.memory_space<vmem>>, vector<16xf32>,
        %parallel_loop3A_876 = arith.mulf %parallel_loop3A_643, %parallel_loop3A_875 : vector<16xf32>
        %parallel_loop3A_877 = arith.addf %parallel_loop3A_834, %parallel_loop3A_840 : vector<16xf32>
        %parallel_loop3A_878 = arith.addf %parallel_loop3A_846, %parallel_loop3A_852 : vector<16xf32>
        %parallel_loop3A_879 = arith.addf %parallel_loop3A_858, %parallel_loop3A_864 : vector<16xf32>
        %parallel_loop3A_880 = arith.addf %parallel_loop3A_870, %parallel_loop3A_876 : vector<16xf32>
        %parallel_loop3A_881 = arith.addf %parallel_loop3A_877, %parallel_loop3A_878 : vector<16xf32>
        %parallel_loop3A_882 = arith.addf %parallel_loop3A_879, %parallel_loop3A_880 : vector<16xf32>
        %parallel_loop3A_883 = arith.addf %parallel_loop3A_881, %parallel_loop3A_882 : vector<16xf32>
        %parallel_loop3A_884 = arith.constant true
        %parallel_loop3A_885 = vector.broadcast %parallel_loop3A_884 : i1 to vector<16xi1>
        %parallel_loop3A_886 = tpu.scan <sum>, %parallel_loop3A_883 masked %parallel_loop3A_885 : vector<16xf32>, vector<16xi1> -> vector<16xf32>
        %parallel_loop3A_887 = vector.extract %parallel_loop3A_886[15] : f32 from vector<16xf32>
        %parallel_loop3A_888 = vector.broadcast %parallel_loop3A_887 : f32 to vector<16xf32>
        %parallel_loop3A_889 = arith.select %eq3A_189, %parallel_loop3A_888, %parallel_loop3A_828 : vector<16xi1>, vector<16xf32>
        %parallel_loop3A_890 = arith.constant 200 : i32
        %parallel_loop3A_891 = arith.addi %parallel_loop3A_890, %parallel_loop3A_619 : i32
        %parallel_loop3A_892 = arith.index_cast %parallel_loop3A_891 : i32 to index
        %parallel_loop3A_893 = arith.constant 0 : index
        %parallel_loop3A_894 = tpu.vector_load %arg7[%parallel_loop3A_892, %parallel_loop3A_893] {strides = array<i32>} : memref<400x128xf32, #tpu.memory_space<vmem>>, vector<16xf32>,
        %parallel_loop3A_895 = arith.mulf %parallel_loop3A_622, %parallel_loop3A_894 : vector<16xf32>
        %parallel_loop3A_896 = arith.constant 200 : i32
        %parallel_loop3A_897 = arith.addi %parallel_loop3A_896, %parallel_loop3A_619 : i32
        %parallel_loop3A_898 = arith.index_cast %parallel_loop3A_897 : i32 to index
        %parallel_loop3A_899 = arith.constant 16 : index
        %parallel_loop3A_900 = tpu.vector_load %arg7[%parallel_loop3A_898, %parallel_loop3A_899] {strides = array<i32>} : memref<400x128xf32, #tpu.memory_space<vmem>>, vector<16xf32>,
        %parallel_loop3A_901 = arith.mulf %parallel_loop3A_625, %parallel_loop3A_900 : vector<16xf32>
        %parallel_loop3A_902 = arith.constant 200 : i32
        %parallel_loop3A_903 = arith.addi %parallel_loop3A_902, %parallel_loop3A_619 : i32
        %parallel_loop3A_904 = arith.index_cast %parallel_loop3A_903 : i32 to index
        %parallel_loop3A_905 = arith.constant 32 : index
        %parallel_loop3A_906 = tpu.vector_load %arg7[%parallel_loop3A_904, %parallel_loop3A_905] {strides = array<i32>} : memref<400x128xf32, #tpu.memory_space<vmem>>, vector<16xf32>,
        %parallel_loop3A_907 = arith.mulf %parallel_loop3A_628, %parallel_loop3A_906 : vector<16xf32>
        %parallel_loop3A_908 = arith.constant 200 : i32
        %parallel_loop3A_909 = arith.addi %parallel_loop3A_908, %parallel_loop3A_619 : i32
        %parallel_loop3A_910 = arith.index_cast %parallel_loop3A_909 : i32 to index
        %parallel_loop3A_911 = arith.constant 48 : index
        %parallel_loop3A_912 = tpu.vector_load %arg7[%parallel_loop3A_910, %parallel_loop3A_911] {strides = array<i32>} : memref<400x128xf32, #tpu.memory_space<vmem>>, vector<16xf32>,
        %parallel_loop3A_913 = arith.mulf %parallel_loop3A_631, %parallel_loop3A_912 : vector<16xf32>
        %parallel_loop3A_914 = arith.constant 200 : i32
        %parallel_loop3A_915 = arith.addi %parallel_loop3A_914, %parallel_loop3A_619 : i32
        %parallel_loop3A_916 = arith.index_cast %parallel_loop3A_915 : i32 to index
        %parallel_loop3A_917 = arith.constant 64 : index
        %parallel_loop3A_918 = tpu.vector_load %arg7[%parallel_loop3A_916, %parallel_loop3A_917] {strides = array<i32>} : memref<400x128xf32, #tpu.memory_space<vmem>>, vector<16xf32>,
        %parallel_loop3A_919 = arith.mulf %parallel_loop3A_634, %parallel_loop3A_918 : vector<16xf32>
        %parallel_loop3A_920 = arith.constant 200 : i32
        %parallel_loop3A_921 = arith.addi %parallel_loop3A_920, %parallel_loop3A_619 : i32
        %parallel_loop3A_922 = arith.index_cast %parallel_loop3A_921 : i32 to index
        %parallel_loop3A_923 = arith.constant 80 : index
        %parallel_loop3A_924 = tpu.vector_load %arg7[%parallel_loop3A_922, %parallel_loop3A_923] {strides = array<i32>} : memref<400x128xf32, #tpu.memory_space<vmem>>, vector<16xf32>,
        %parallel_loop3A_925 = arith.mulf %parallel_loop3A_637, %parallel_loop3A_924 : vector<16xf32>
        %parallel_loop3A_926 = arith.constant 200 : i32
        %parallel_loop3A_927 = arith.addi %parallel_loop3A_926, %parallel_loop3A_619 : i32
        %parallel_loop3A_928 = arith.index_cast %parallel_loop3A_927 : i32 to index
        %parallel_loop3A_929 = arith.constant 96 : index
        %parallel_loop3A_930 = tpu.vector_load %arg7[%parallel_loop3A_928, %parallel_loop3A_929] {strides = array<i32>} : memref<400x128xf32, #tpu.memory_space<vmem>>, vector<16xf32>,
        %parallel_loop3A_931 = arith.mulf %parallel_loop3A_640, %parallel_loop3A_930 : vector<16xf32>
        %parallel_loop3A_932 = arith.constant 200 : i32
        %parallel_loop3A_933 = arith.addi %parallel_loop3A_932, %parallel_loop3A_619 : i32
        %parallel_loop3A_934 = arith.index_cast %parallel_loop3A_933 : i32 to index
        %parallel_loop3A_935 = arith.constant 112 : index
        %parallel_loop3A_936 = tpu.vector_load %arg7[%parallel_loop3A_934, %parallel_loop3A_935] {strides = array<i32>} : memref<400x128xf32, #tpu.memory_space<vmem>>, vector<16xf32>,
        %parallel_loop3A_937 = arith.mulf %parallel_loop3A_643, %parallel_loop3A_936 : vector<16xf32>
        %parallel_loop3A_938 = arith.addf %parallel_loop3A_895, %parallel_loop3A_901 : vector<16xf32>
        %parallel_loop3A_939 = arith.addf %parallel_loop3A_907, %parallel_loop3A_913 : vector<16xf32>
        %parallel_loop3A_940 = arith.addf %parallel_loop3A_919, %parallel_loop3A_925 : vector<16xf32>
        %parallel_loop3A_941 = arith.addf %parallel_loop3A_931, %parallel_loop3A_937 : vector<16xf32>
        %parallel_loop3A_942 = arith.addf %parallel_loop3A_938, %parallel_loop3A_939 : vector<16xf32>
        %parallel_loop3A_943 = arith.addf %parallel_loop3A_940, %parallel_loop3A_941 : vector<16xf32>
        %parallel_loop3A_944 = arith.addf %parallel_loop3A_942, %parallel_loop3A_943 : vector<16xf32>
        %parallel_loop3A_945 = arith.constant true
        %parallel_loop3A_946 = vector.broadcast %parallel_loop3A_945 : i1 to vector<16xi1>
        %parallel_loop3A_947 = tpu.scan <sum>, %parallel_loop3A_944 masked %parallel_loop3A_946 : vector<16xf32>, vector<16xi1> -> vector<16xf32>
        %parallel_loop3A_948 = vector.extract %parallel_loop3A_947[15] : f32 from vector<16xf32>
        %parallel_loop3A_949 = vector.broadcast %parallel_loop3A_948 : f32 to vector<16xf32>
        %parallel_loop3A_950 = arith.select %eq3A_192, %parallel_loop3A_949, %parallel_loop3A_889 : vector<16xi1>, vector<16xf32>
        %parallel_loop3A_951 = arith.constant 240 : i32
        %parallel_loop3A_952 = arith.addi %parallel_loop3A_951, %parallel_loop3A_619 : i32
        %parallel_loop3A_953 = arith.index_cast %parallel_loop3A_952 : i32 to index
        %parallel_loop3A_954 = arith.constant 0 : index
        %parallel_loop3A_955 = tpu.vector_load %arg7[%parallel_loop3A_953, %parallel_loop3A_954] {strides = array<i32>} : memref<400x128xf32, #tpu.memory_space<vmem>>, vector<16xf32>,
        %parallel_loop3A_956 = arith.mulf %parallel_loop3A_622, %parallel_loop3A_955 : vector<16xf32>
        %parallel_loop3A_957 = arith.constant 240 : i32
        %parallel_loop3A_958 = arith.addi %parallel_loop3A_957, %parallel_loop3A_619 : i32
        %parallel_loop3A_959 = arith.index_cast %parallel_loop3A_958 : i32 to index
        %parallel_loop3A_960 = arith.constant 16 : index
        %parallel_loop3A_961 = tpu.vector_load %arg7[%parallel_loop3A_959, %parallel_loop3A_960] {strides = array<i32>} : memref<400x128xf32, #tpu.memory_space<vmem>>, vector<16xf32>,
        %parallel_loop3A_962 = arith.mulf %parallel_loop3A_625, %parallel_loop3A_961 : vector<16xf32>
        %parallel_loop3A_963 = arith.constant 240 : i32
        %parallel_loop3A_964 = arith.addi %parallel_loop3A_963, %parallel_loop3A_619 : i32
        %parallel_loop3A_965 = arith.index_cast %parallel_loop3A_964 : i32 to index
        %parallel_loop3A_966 = arith.constant 32 : index
        %parallel_loop3A_967 = tpu.vector_load %arg7[%parallel_loop3A_965, %parallel_loop3A_966] {strides = array<i32>} : memref<400x128xf32, #tpu.memory_space<vmem>>, vector<16xf32>,
        %parallel_loop3A_968 = arith.mulf %parallel_loop3A_628, %parallel_loop3A_967 : vector<16xf32>
        %parallel_loop3A_969 = arith.constant 240 : i32
        %parallel_loop3A_970 = arith.addi %parallel_loop3A_969, %parallel_loop3A_619 : i32
        %parallel_loop3A_971 = arith.index_cast %parallel_loop3A_970 : i32 to index
        %parallel_loop3A_972 = arith.constant 48 : index
        %parallel_loop3A_973 = tpu.vector_load %arg7[%parallel_loop3A_971, %parallel_loop3A_972] {strides = array<i32>} : memref<400x128xf32, #tpu.memory_space<vmem>>, vector<16xf32>,
        %parallel_loop3A_974 = arith.mulf %parallel_loop3A_631, %parallel_loop3A_973 : vector<16xf32>
        %parallel_loop3A_975 = arith.constant 240 : i32
        %parallel_loop3A_976 = arith.addi %parallel_loop3A_975, %parallel_loop3A_619 : i32
        %parallel_loop3A_977 = arith.index_cast %parallel_loop3A_976 : i32 to index
        %parallel_loop3A_978 = arith.constant 64 : index
        %parallel_loop3A_979 = tpu.vector_load %arg7[%parallel_loop3A_977, %parallel_loop3A_978] {strides = array<i32>} : memref<400x128xf32, #tpu.memory_space<vmem>>, vector<16xf32>,
        %parallel_loop3A_980 = arith.mulf %parallel_loop3A_634, %parallel_loop3A_979 : vector<16xf32>
        %parallel_loop3A_981 = arith.constant 240 : i32
        %parallel_loop3A_982 = arith.addi %parallel_loop3A_981, %parallel_loop3A_619 : i32
        %parallel_loop3A_983 = arith.index_cast %parallel_loop3A_982 : i32 to index
        %parallel_loop3A_984 = arith.constant 80 : index
        %parallel_loop3A_985 = tpu.vector_load %arg7[%parallel_loop3A_983, %parallel_loop3A_984] {strides = array<i32>} : memref<400x128xf32, #tpu.memory_space<vmem>>, vector<16xf32>,
        %parallel_loop3A_986 = arith.mulf %parallel_loop3A_637, %parallel_loop3A_985 : vector<16xf32>
        %parallel_loop3A_987 = arith.constant 240 : i32
        %parallel_loop3A_988 = arith.addi %parallel_loop3A_987, %parallel_loop3A_619 : i32
        %parallel_loop3A_989 = arith.index_cast %parallel_loop3A_988 : i32 to index
        %parallel_loop3A_990 = arith.constant 96 : index
        %parallel_loop3A_991 = tpu.vector_load %arg7[%parallel_loop3A_989, %parallel_loop3A_990] {strides = array<i32>} : memref<400x128xf32, #tpu.memory_space<vmem>>, vector<16xf32>,
        %parallel_loop3A_992 = arith.mulf %parallel_loop3A_640, %parallel_loop3A_991 : vector<16xf32>
        %parallel_loop3A_993 = arith.constant 240 : i32
        %parallel_loop3A_994 = arith.addi %parallel_loop3A_993, %parallel_loop3A_619 : i32
        %parallel_loop3A_995 = arith.index_cast %parallel_loop3A_994 : i32 to index
        %parallel_loop3A_996 = arith.constant 112 : index
        %parallel_loop3A_997 = tpu.vector_load %arg7[%parallel_loop3A_995, %parallel_loop3A_996] {strides = array<i32>} : memref<400x128xf32, #tpu.memory_space<vmem>>, vector<16xf32>,
        %parallel_loop3A_998 = arith.mulf %parallel_loop3A_643, %parallel_loop3A_997 : vector<16xf32>
        %parallel_loop3A_999 = arith.addf %parallel_loop3A_956, %parallel_loop3A_962 : vector<16xf32>
        %parallel_loop3A_1000 = arith.addf %parallel_loop3A_968, %parallel_loop3A_974 : vector<16xf32>
        %parallel_loop3A_1001 = arith.addf %parallel_loop3A_980, %parallel_loop3A_986 : vector<16xf32>
        %parallel_loop3A_1002 = arith.addf %parallel_loop3A_992, %parallel_loop3A_998 : vector<16xf32>
        %parallel_loop3A_1003 = arith.addf %parallel_loop3A_999, %parallel_loop3A_1000 : vector<16xf32>
        %parallel_loop3A_1004 = arith.addf %parallel_loop3A_1001, %parallel_loop3A_1002 : vector<16xf32>
        %parallel_loop3A_1005 = arith.addf %parallel_loop3A_1003, %parallel_loop3A_1004 : vector<16xf32>
        %parallel_loop3A_1006 = arith.constant true
        %parallel_loop3A_1007 = vector.broadcast %parallel_loop3A_1006 : i1 to vector<16xi1>
        %parallel_loop3A_1008 = tpu.scan <sum>, %parallel_loop3A_1005 masked %parallel_loop3A_1007 : vector<16xf32>, vector<16xi1> -> vector<16xf32>
        %parallel_loop3A_1009 = vector.extract %parallel_loop3A_1008[15] : f32 from vector<16xf32>
        %parallel_loop3A_1010 = vector.broadcast %parallel_loop3A_1009 : f32 to vector<16xf32>
        %parallel_loop3A_1011 = arith.select %eq3A_195, %parallel_loop3A_1010, %parallel_loop3A_950 : vector<16xi1>, vector<16xf32>
        %parallel_loop3A_1012 = arith.constant 280 : i32
        %parallel_loop3A_1013 = arith.addi %parallel_loop3A_1012, %parallel_loop3A_619 : i32
        %parallel_loop3A_1014 = arith.index_cast %parallel_loop3A_1013 : i32 to index
        %parallel_loop3A_1015 = arith.constant 0 : index
        %parallel_loop3A_1016 = tpu.vector_load %arg7[%parallel_loop3A_1014, %parallel_loop3A_1015] {strides = array<i32>} : memref<400x128xf32, #tpu.memory_space<vmem>>, vector<16xf32>,
        %parallel_loop3A_1017 = arith.mulf %parallel_loop3A_622, %parallel_loop3A_1016 : vector<16xf32>
        %parallel_loop3A_1018 = arith.constant 280 : i32
        %parallel_loop3A_1019 = arith.addi %parallel_loop3A_1018, %parallel_loop3A_619 : i32
        %parallel_loop3A_1020 = arith.index_cast %parallel_loop3A_1019 : i32 to index
        %parallel_loop3A_1021 = arith.constant 16 : index
        %parallel_loop3A_1022 = tpu.vector_load %arg7[%parallel_loop3A_1020, %parallel_loop3A_1021] {strides = array<i32>} : memref<400x128xf32, #tpu.memory_space<vmem>>, vector<16xf32>,
        %parallel_loop3A_1023 = arith.mulf %parallel_loop3A_625, %parallel_loop3A_1022 : vector<16xf32>
        %parallel_loop3A_1024 = arith.constant 280 : i32
        %parallel_loop3A_1025 = arith.addi %parallel_loop3A_1024, %parallel_loop3A_619 : i32
        %parallel_loop3A_1026 = arith.index_cast %parallel_loop3A_1025 : i32 to index
        %parallel_loop3A_1027 = arith.constant 32 : index
        %parallel_loop3A_1028 = tpu.vector_load %arg7[%parallel_loop3A_1026, %parallel_loop3A_1027] {strides = array<i32>} : memref<400x128xf32, #tpu.memory_space<vmem>>, vector<16xf32>,
        %parallel_loop3A_1029 = arith.mulf %parallel_loop3A_628, %parallel_loop3A_1028 : vector<16xf32>
        %parallel_loop3A_1030 = arith.constant 280 : i32
        %parallel_loop3A_1031 = arith.addi %parallel_loop3A_1030, %parallel_loop3A_619 : i32
        %parallel_loop3A_1032 = arith.index_cast %parallel_loop3A_1031 : i32 to index
        %parallel_loop3A_1033 = arith.constant 48 : index
        %parallel_loop3A_1034 = tpu.vector_load %arg7[%parallel_loop3A_1032, %parallel_loop3A_1033] {strides = array<i32>} : memref<400x128xf32, #tpu.memory_space<vmem>>, vector<16xf32>,
        %parallel_loop3A_1035 = arith.mulf %parallel_loop3A_631, %parallel_loop3A_1034 : vector<16xf32>
        %parallel_loop3A_1036 = arith.constant 280 : i32
        %parallel_loop3A_1037 = arith.addi %parallel_loop3A_1036, %parallel_loop3A_619 : i32
        %parallel_loop3A_1038 = arith.index_cast %parallel_loop3A_1037 : i32 to index
        %parallel_loop3A_1039 = arith.constant 64 : index
        %parallel_loop3A_1040 = tpu.vector_load %arg7[%parallel_loop3A_1038, %parallel_loop3A_1039] {strides = array<i32>} : memref<400x128xf32, #tpu.memory_space<vmem>>, vector<16xf32>,
        %parallel_loop3A_1041 = arith.mulf %parallel_loop3A_634, %parallel_loop3A_1040 : vector<16xf32>
        %parallel_loop3A_1042 = arith.constant 280 : i32
        %parallel_loop3A_1043 = arith.addi %parallel_loop3A_1042, %parallel_loop3A_619 : i32
        %parallel_loop3A_1044 = arith.index_cast %parallel_loop3A_1043 : i32 to index
        %parallel_loop3A_1045 = arith.constant 80 : index
        %parallel_loop3A_1046 = tpu.vector_load %arg7[%parallel_loop3A_1044, %parallel_loop3A_1045] {strides = array<i32>} : memref<400x128xf32, #tpu.memory_space<vmem>>, vector<16xf32>,
        %parallel_loop3A_1047 = arith.mulf %parallel_loop3A_637, %parallel_loop3A_1046 : vector<16xf32>
        %parallel_loop3A_1048 = arith.constant 280 : i32
        %parallel_loop3A_1049 = arith.addi %parallel_loop3A_1048, %parallel_loop3A_619 : i32
        %parallel_loop3A_1050 = arith.index_cast %parallel_loop3A_1049 : i32 to index
        %parallel_loop3A_1051 = arith.constant 96 : index
        %parallel_loop3A_1052 = tpu.vector_load %arg7[%parallel_loop3A_1050, %parallel_loop3A_1051] {strides = array<i32>} : memref<400x128xf32, #tpu.memory_space<vmem>>, vector<16xf32>,
        %parallel_loop3A_1053 = arith.mulf %parallel_loop3A_640, %parallel_loop3A_1052 : vector<16xf32>
        %parallel_loop3A_1054 = arith.constant 280 : i32
        %parallel_loop3A_1055 = arith.addi %parallel_loop3A_1054, %parallel_loop3A_619 : i32
        %parallel_loop3A_1056 = arith.index_cast %parallel_loop3A_1055 : i32 to index
        %parallel_loop3A_1057 = arith.constant 112 : index
        %parallel_loop3A_1058 = tpu.vector_load %arg7[%parallel_loop3A_1056, %parallel_loop3A_1057] {strides = array<i32>} : memref<400x128xf32, #tpu.memory_space<vmem>>, vector<16xf32>,
        %parallel_loop3A_1059 = arith.mulf %parallel_loop3A_643, %parallel_loop3A_1058 : vector<16xf32>
        %parallel_loop3A_1060 = arith.addf %parallel_loop3A_1017, %parallel_loop3A_1023 : vector<16xf32>
        %parallel_loop3A_1061 = arith.addf %parallel_loop3A_1029, %parallel_loop3A_1035 : vector<16xf32>
        %parallel_loop3A_1062 = arith.addf %parallel_loop3A_1041, %parallel_loop3A_1047 : vector<16xf32>
        %parallel_loop3A_1063 = arith.addf %parallel_loop3A_1053, %parallel_loop3A_1059 : vector<16xf32>
        %parallel_loop3A_1064 = arith.addf %parallel_loop3A_1060, %parallel_loop3A_1061 : vector<16xf32>
        %parallel_loop3A_1065 = arith.addf %parallel_loop3A_1062, %parallel_loop3A_1063 : vector<16xf32>
        %parallel_loop3A_1066 = arith.addf %parallel_loop3A_1064, %parallel_loop3A_1065 : vector<16xf32>
        %parallel_loop3A_1067 = arith.constant true
        %parallel_loop3A_1068 = vector.broadcast %parallel_loop3A_1067 : i1 to vector<16xi1>
        %parallel_loop3A_1069 = tpu.scan <sum>, %parallel_loop3A_1066 masked %parallel_loop3A_1068 : vector<16xf32>, vector<16xi1> -> vector<16xf32>
        %parallel_loop3A_1070 = vector.extract %parallel_loop3A_1069[15] : f32 from vector<16xf32>
        %parallel_loop3A_1071 = vector.broadcast %parallel_loop3A_1070 : f32 to vector<16xf32>
        %parallel_loop3A_1072 = arith.select %eq3A_198, %parallel_loop3A_1071, %parallel_loop3A_1011 : vector<16xi1>, vector<16xf32>
        %parallel_loop3A_1073 = arith.constant 320 : i32
        %parallel_loop3A_1074 = arith.addi %parallel_loop3A_1073, %parallel_loop3A_619 : i32
        %parallel_loop3A_1075 = arith.index_cast %parallel_loop3A_1074 : i32 to index
        %parallel_loop3A_1076 = arith.constant 0 : index
        %parallel_loop3A_1077 = tpu.vector_load %arg7[%parallel_loop3A_1075, %parallel_loop3A_1076] {strides = array<i32>} : memref<400x128xf32, #tpu.memory_space<vmem>>, vector<16xf32>,
        %parallel_loop3A_1078 = arith.mulf %parallel_loop3A_622, %parallel_loop3A_1077 : vector<16xf32>
        %parallel_loop3A_1079 = arith.constant 320 : i32
        %parallel_loop3A_1080 = arith.addi %parallel_loop3A_1079, %parallel_loop3A_619 : i32
        %parallel_loop3A_1081 = arith.index_cast %parallel_loop3A_1080 : i32 to index
        %parallel_loop3A_1082 = arith.constant 16 : index
        %parallel_loop3A_1083 = tpu.vector_load %arg7[%parallel_loop3A_1081, %parallel_loop3A_1082] {strides = array<i32>} : memref<400x128xf32, #tpu.memory_space<vmem>>, vector<16xf32>,
        %parallel_loop3A_1084 = arith.mulf %parallel_loop3A_625, %parallel_loop3A_1083 : vector<16xf32>
        %parallel_loop3A_1085 = arith.constant 320 : i32
        %parallel_loop3A_1086 = arith.addi %parallel_loop3A_1085, %parallel_loop3A_619 : i32
        %parallel_loop3A_1087 = arith.index_cast %parallel_loop3A_1086 : i32 to index
        %parallel_loop3A_1088 = arith.constant 32 : index
        %parallel_loop3A_1089 = tpu.vector_load %arg7[%parallel_loop3A_1087, %parallel_loop3A_1088] {strides = array<i32>} : memref<400x128xf32, #tpu.memory_space<vmem>>, vector<16xf32>,
        %parallel_loop3A_1090 = arith.mulf %parallel_loop3A_628, %parallel_loop3A_1089 : vector<16xf32>
        %parallel_loop3A_1091 = arith.constant 320 : i32
        %parallel_loop3A_1092 = arith.addi %parallel_loop3A_1091, %parallel_loop3A_619 : i32
        %parallel_loop3A_1093 = arith.index_cast %parallel_loop3A_1092 : i32 to index
        %parallel_loop3A_1094 = arith.constant 48 : index
        %parallel_loop3A_1095 = tpu.vector_load %arg7[%parallel_loop3A_1093, %parallel_loop3A_1094] {strides = array<i32>} : memref<400x128xf32, #tpu.memory_space<vmem>>, vector<16xf32>,
        %parallel_loop3A_1096 = arith.mulf %parallel_loop3A_631, %parallel_loop3A_1095 : vector<16xf32>
        %parallel_loop3A_1097 = arith.constant 320 : i32
        %parallel_loop3A_1098 = arith.addi %parallel_loop3A_1097, %parallel_loop3A_619 : i32
        %parallel_loop3A_1099 = arith.index_cast %parallel_loop3A_1098 : i32 to index
        %parallel_loop3A_1100 = arith.constant 64 : index
        %parallel_loop3A_1101 = tpu.vector_load %arg7[%parallel_loop3A_1099, %parallel_loop3A_1100] {strides = array<i32>} : memref<400x128xf32, #tpu.memory_space<vmem>>, vector<16xf32>,
        %parallel_loop3A_1102 = arith.mulf %parallel_loop3A_634, %parallel_loop3A_1101 : vector<16xf32>
        %parallel_loop3A_1103 = arith.constant 320 : i32
        %parallel_loop3A_1104 = arith.addi %parallel_loop3A_1103, %parallel_loop3A_619 : i32
        %parallel_loop3A_1105 = arith.index_cast %parallel_loop3A_1104 : i32 to index
        %parallel_loop3A_1106 = arith.constant 80 : index
        %parallel_loop3A_1107 = tpu.vector_load %arg7[%parallel_loop3A_1105, %parallel_loop3A_1106] {strides = array<i32>} : memref<400x128xf32, #tpu.memory_space<vmem>>, vector<16xf32>,
        %parallel_loop3A_1108 = arith.mulf %parallel_loop3A_637, %parallel_loop3A_1107 : vector<16xf32>
        %parallel_loop3A_1109 = arith.constant 320 : i32
        %parallel_loop3A_1110 = arith.addi %parallel_loop3A_1109, %parallel_loop3A_619 : i32
        %parallel_loop3A_1111 = arith.index_cast %parallel_loop3A_1110 : i32 to index
        %parallel_loop3A_1112 = arith.constant 96 : index
        %parallel_loop3A_1113 = tpu.vector_load %arg7[%parallel_loop3A_1111, %parallel_loop3A_1112] {strides = array<i32>} : memref<400x128xf32, #tpu.memory_space<vmem>>, vector<16xf32>,
        %parallel_loop3A_1114 = arith.mulf %parallel_loop3A_640, %parallel_loop3A_1113 : vector<16xf32>
        %parallel_loop3A_1115 = arith.constant 320 : i32
        %parallel_loop3A_1116 = arith.addi %parallel_loop3A_1115, %parallel_loop3A_619 : i32
        %parallel_loop3A_1117 = arith.index_cast %parallel_loop3A_1116 : i32 to index
        %parallel_loop3A_1118 = arith.constant 112 : index
        %parallel_loop3A_1119 = tpu.vector_load %arg7[%parallel_loop3A_1117, %parallel_loop3A_1118] {strides = array<i32>} : memref<400x128xf32, #tpu.memory_space<vmem>>, vector<16xf32>,
        %parallel_loop3A_1120 = arith.mulf %parallel_loop3A_643, %parallel_loop3A_1119 : vector<16xf32>
        %parallel_loop3A_1121 = arith.addf %parallel_loop3A_1078, %parallel_loop3A_1084 : vector<16xf32>
        %parallel_loop3A_1122 = arith.addf %parallel_loop3A_1090, %parallel_loop3A_1096 : vector<16xf32>
        %parallel_loop3A_1123 = arith.addf %parallel_loop3A_1102, %parallel_loop3A_1108 : vector<16xf32>
        %parallel_loop3A_1124 = arith.addf %parallel_loop3A_1114, %parallel_loop3A_1120 : vector<16xf32>
        %parallel_loop3A_1125 = arith.addf %parallel_loop3A_1121, %parallel_loop3A_1122 : vector<16xf32>
        %parallel_loop3A_1126 = arith.addf %parallel_loop3A_1123, %parallel_loop3A_1124 : vector<16xf32>
        %parallel_loop3A_1127 = arith.addf %parallel_loop3A_1125, %parallel_loop3A_1126 : vector<16xf32>
        %parallel_loop3A_1128 = arith.constant true
        %parallel_loop3A_1129 = vector.broadcast %parallel_loop3A_1128 : i1 to vector<16xi1>
        %parallel_loop3A_1130 = tpu.scan <sum>, %parallel_loop3A_1127 masked %parallel_loop3A_1129 : vector<16xf32>, vector<16xi1> -> vector<16xf32>
        %parallel_loop3A_1131 = vector.extract %parallel_loop3A_1130[15] : f32 from vector<16xf32>
        %parallel_loop3A_1132 = vector.broadcast %parallel_loop3A_1131 : f32 to vector<16xf32>
        %parallel_loop3A_1133 = arith.select %eq3A_201, %parallel_loop3A_1132, %parallel_loop3A_1072 : vector<16xi1>, vector<16xf32>
        %parallel_loop3A_1134 = arith.constant 360 : i32
        %parallel_loop3A_1135 = arith.addi %parallel_loop3A_1134, %parallel_loop3A_619 : i32
        %parallel_loop3A_1136 = arith.index_cast %parallel_loop3A_1135 : i32 to index
        %parallel_loop3A_1137 = arith.constant 0 : index
        %parallel_loop3A_1138 = tpu.vector_load %arg7[%parallel_loop3A_1136, %parallel_loop3A_1137] {strides = array<i32>} : memref<400x128xf32, #tpu.memory_space<vmem>>, vector<16xf32>,
        %parallel_loop3A_1139 = arith.mulf %parallel_loop3A_622, %parallel_loop3A_1138 : vector<16xf32>
        %parallel_loop3A_1140 = arith.constant 360 : i32
        %parallel_loop3A_1141 = arith.addi %parallel_loop3A_1140, %parallel_loop3A_619 : i32
        %parallel_loop3A_1142 = arith.index_cast %parallel_loop3A_1141 : i32 to index
        %parallel_loop3A_1143 = arith.constant 16 : index
        %parallel_loop3A_1144 = tpu.vector_load %arg7[%parallel_loop3A_1142, %parallel_loop3A_1143] {strides = array<i32>} : memref<400x128xf32, #tpu.memory_space<vmem>>, vector<16xf32>,
        %parallel_loop3A_1145 = arith.mulf %parallel_loop3A_625, %parallel_loop3A_1144 : vector<16xf32>
        %parallel_loop3A_1146 = arith.constant 360 : i32
        %parallel_loop3A_1147 = arith.addi %parallel_loop3A_1146, %parallel_loop3A_619 : i32
        %parallel_loop3A_1148 = arith.index_cast %parallel_loop3A_1147 : i32 to index
        %parallel_loop3A_1149 = arith.constant 32 : index
        %parallel_loop3A_1150 = tpu.vector_load %arg7[%parallel_loop3A_1148, %parallel_loop3A_1149] {strides = array<i32>} : memref<400x128xf32, #tpu.memory_space<vmem>>, vector<16xf32>,
        %parallel_loop3A_1151 = arith.mulf %parallel_loop3A_628, %parallel_loop3A_1150 : vector<16xf32>
        %parallel_loop3A_1152 = arith.constant 360 : i32
        %parallel_loop3A_1153 = arith.addi %parallel_loop3A_1152, %parallel_loop3A_619 : i32
        %parallel_loop3A_1154 = arith.index_cast %parallel_loop3A_1153 : i32 to index
        %parallel_loop3A_1155 = arith.constant 48 : index
        %parallel_loop3A_1156 = tpu.vector_load %arg7[%parallel_loop3A_1154, %parallel_loop3A_1155] {strides = array<i32>} : memref<400x128xf32, #tpu.memory_space<vmem>>, vector<16xf32>,
        %parallel_loop3A_1157 = arith.mulf %parallel_loop3A_631, %parallel_loop3A_1156 : vector<16xf32>
        %parallel_loop3A_1158 = arith.constant 360 : i32
        %parallel_loop3A_1159 = arith.addi %parallel_loop3A_1158, %parallel_loop3A_619 : i32
        %parallel_loop3A_1160 = arith.index_cast %parallel_loop3A_1159 : i32 to index
        %parallel_loop3A_1161 = arith.constant 64 : index
        %parallel_loop3A_1162 = tpu.vector_load %arg7[%parallel_loop3A_1160, %parallel_loop3A_1161] {strides = array<i32>} : memref<400x128xf32, #tpu.memory_space<vmem>>, vector<16xf32>,
        %parallel_loop3A_1163 = arith.mulf %parallel_loop3A_634, %parallel_loop3A_1162 : vector<16xf32>
        %parallel_loop3A_1164 = arith.constant 360 : i32
        %parallel_loop3A_1165 = arith.addi %parallel_loop3A_1164, %parallel_loop3A_619 : i32
        %parallel_loop3A_1166 = arith.index_cast %parallel_loop3A_1165 : i32 to index
        %parallel_loop3A_1167 = arith.constant 80 : index
        %parallel_loop3A_1168 = tpu.vector_load %arg7[%parallel_loop3A_1166, %parallel_loop3A_1167] {strides = array<i32>} : memref<400x128xf32, #tpu.memory_space<vmem>>, vector<16xf32>,
        %parallel_loop3A_1169 = arith.mulf %parallel_loop3A_637, %parallel_loop3A_1168 : vector<16xf32>
        %parallel_loop3A_1170 = arith.constant 360 : i32
        %parallel_loop3A_1171 = arith.addi %parallel_loop3A_1170, %parallel_loop3A_619 : i32
        %parallel_loop3A_1172 = arith.index_cast %parallel_loop3A_1171 : i32 to index
        %parallel_loop3A_1173 = arith.constant 96 : index
        %parallel_loop3A_1174 = tpu.vector_load %arg7[%parallel_loop3A_1172, %parallel_loop3A_1173] {strides = array<i32>} : memref<400x128xf32, #tpu.memory_space<vmem>>, vector<16xf32>,
        %parallel_loop3A_1175 = arith.mulf %parallel_loop3A_640, %parallel_loop3A_1174 : vector<16xf32>
        %parallel_loop3A_1176 = arith.constant 360 : i32
        %parallel_loop3A_1177 = arith.addi %parallel_loop3A_1176, %parallel_loop3A_619 : i32
        %parallel_loop3A_1178 = arith.index_cast %parallel_loop3A_1177 : i32 to index
        %parallel_loop3A_1179 = arith.constant 112 : index
        %parallel_loop3A_1180 = tpu.vector_load %arg7[%parallel_loop3A_1178, %parallel_loop3A_1179] {strides = array<i32>} : memref<400x128xf32, #tpu.memory_space<vmem>>, vector<16xf32>,
        %parallel_loop3A_1181 = arith.mulf %parallel_loop3A_643, %parallel_loop3A_1180 : vector<16xf32>
        %parallel_loop3A_1182 = arith.addf %parallel_loop3A_1139, %parallel_loop3A_1145 : vector<16xf32>
        %parallel_loop3A_1183 = arith.addf %parallel_loop3A_1151, %parallel_loop3A_1157 : vector<16xf32>
        %parallel_loop3A_1184 = arith.addf %parallel_loop3A_1163, %parallel_loop3A_1169 : vector<16xf32>
        %parallel_loop3A_1185 = arith.addf %parallel_loop3A_1175, %parallel_loop3A_1181 : vector<16xf32>
        %parallel_loop3A_1186 = arith.addf %parallel_loop3A_1182, %parallel_loop3A_1183 : vector<16xf32>
        %parallel_loop3A_1187 = arith.addf %parallel_loop3A_1184, %parallel_loop3A_1185 : vector<16xf32>
        %parallel_loop3A_1188 = arith.addf %parallel_loop3A_1186, %parallel_loop3A_1187 : vector<16xf32>
        %parallel_loop3A_1189 = arith.constant true
        %parallel_loop3A_1190 = vector.broadcast %parallel_loop3A_1189 : i1 to vector<16xi1>
        %parallel_loop3A_1191 = tpu.scan <sum>, %parallel_loop3A_1188 masked %parallel_loop3A_1190 : vector<16xf32>, vector<16xi1> -> vector<16xf32>
        %parallel_loop3A_1192 = vector.extract %parallel_loop3A_1191[15] : f32 from vector<16xf32>
        %parallel_loop3A_1193 = vector.broadcast %parallel_loop3A_1192 : f32 to vector<16xf32>
        %parallel_loop3A_1194 = arith.select %eq3A_204, %parallel_loop3A_1193, %parallel_loop3A_1133 : vector<16xi1>, vector<16xf32>
        %parallel_loop3A_1195 = arith.index_cast %parallel_loop3A_619 : i32 to index
        %parallel_loop3A_1196 = arith.constant 0 : index
        %parallel_loop3A_1197 = tpu.vector_load %arg9[%parallel_loop3A_1195, %parallel_loop3A_1196] {strides = array<i32>} : memref<40x16xf32, #tpu.memory_space<vmem>>, vector<16xf32>,
        tpu.vector_store %arg9[%parallel_loop3A_1195, %parallel_loop3A_1196], %parallel_loop3A_1194 {strides = array<i32>} : memref<40x16xf32, #tpu.memory_space<vmem>>, vector<16xf32>,
      } {sc.loop_unroll_factor = 1 : i64, sc.parallel_access}
      %mul3A_610 = arith.constant 22 : i32
      %mul3A_611 = arith.muli %add3A, %mul3A_610 : i32
      %add3A_612 = arith.addi %mul3A_611, %add3A_314 : i32
      %mul3A_613 = arith.constant 40 : i32
      %mul3A_614 = arith.muli %add3A_612, %mul3A_613 : i32
      %dma_start3A_615 = arith.constant 0 : i32
      %dma_start3A_616 = tpu.memref_slice %arg4[%mul3A_614, %dma_start3A_615] : memref<28160x16xf32, #tpu.memory_space<hbm>> -> memref<40x16xf32, #tpu.memory_space<hbm>>
      %dma_start3A_617 = arith.constant 0 : i32
      %dma_start3A_618 = tpu.memref_slice %arg4[%mul3A_614, %dma_start3A_617] : memref<28160x16xf32, #tpu.memory_space<hbm>> -> memref<40x16xf32, #tpu.memory_space<hbm>>
      tpu.enqueue_dma source(%arg9 : memref<40x16xf32, #tpu.memory_space<vmem>>) target(%dma_start3A_618 : memref<40x16xf32, #tpu.memory_space<hbm>>) target_semaphore(%arg13 : memref<!tpu.dma_semaphore, #tpu.memory_space<semaphore_mem>>)
    }
    %scan3A_289 = arith.constant 11 : i32
    %mul3A_290 = arith.constant 22 : i32
    %mul3A_291 = arith.muli %add3A, %mul3A_290 : i32
    %add3A_292 = arith.constant 20 : i32
    %add3A_293 = arith.addi %mul3A_291, %add3A_292 : i32
    %mul3A_294 = arith.constant 40 : i32
    %mul3A_295 = arith.muli %add3A_293, %mul3A_294 : i32
    %dma_wait3A_296 = arith.constant 0 : i32
    %dma_wait3A_297 = tpu.memref_slice %arg4[%mul3A_295, %dma_wait3A_296] : memref<28160x16xf32, #tpu.memory_space<hbm>> -> memref<40x16xf32, #tpu.memory_space<hbm>>
    %dma_wait3A_298 = arith.constant 0 : i32
    %dma_wait3A_299 = tpu.memref_slice %arg4[%mul3A_295, %dma_wait3A_298] : memref<28160x16xf32, #tpu.memory_space<hbm>> -> memref<40x16xf32, #tpu.memory_space<hbm>>
    tpu.wait_dma2 semaphore(%arg12 : memref<!tpu.dma_semaphore, #tpu.memory_space<semaphore_mem>>) src(%arg8 : memref<40x16xf32, #tpu.memory_space<vmem>>) dst(%dma_wait3A_299 : memref<40x16xf32, #tpu.memory_space<hbm>>)
    %mul3A_300 = arith.constant 22 : i32
    %mul3A_301 = arith.muli %add3A, %mul3A_300 : i32
    %add3A_302 = arith.constant 21 : i32
    %add3A_303 = arith.addi %mul3A_301, %add3A_302 : i32
    %mul3A_304 = arith.constant 40 : i32
    %mul3A_305 = arith.muli %add3A_303, %mul3A_304 : i32
    %dma_wait3A_306 = arith.constant 0 : i32
    %dma_wait3A_307 = tpu.memref_slice %arg4[%mul3A_305, %dma_wait3A_306] : memref<28160x16xf32, #tpu.memory_space<hbm>> -> memref<40x16xf32, #tpu.memory_space<hbm>>
    %dma_wait3A_308 = arith.constant 0 : i32
    %dma_wait3A_309 = tpu.memref_slice %arg4[%mul3A_305, %dma_wait3A_308] : memref<28160x16xf32, #tpu.memory_space<hbm>> -> memref<40x16xf32, #tpu.memory_space<hbm>>
    tpu.wait_dma2 semaphore(%arg13 : memref<!tpu.dma_semaphore, #tpu.memory_space<semaphore_mem>>) src(%arg9 : memref<40x16xf32, #tpu.memory_space<vmem>>) dst(%dma_wait3A_309 : memref<40x16xf32, #tpu.memory_space<hbm>>)
    return
  }
}

module attributes {stable_mosaic.version = 14 : i64} {
  func.func @body(%arg0: memref<3520x128xf32, #tpu.memory_space<vmem>>, %arg1: memref<1x1xf32, #tpu.memory_space<vmem>>) attributes {dimension_semantics = [], scalar_prefetch = 0 : i64, scratch_operands = 0 : i64, tpu.core_type = #tpu.core_type<tc>} {
    %get3A = arith.constant 0 : index
    %get3A_0 = arith.constant 0 : index
    %get3A_1 = vector.load %arg0[%get3A, %get3A_0] : memref<3520x128xf32, #tpu.memory_space<vmem>>, vector<3520x128xf32>
    %neg3A = arith.constant 0.000000e+00 : f32
    %neg3A_2 = vector.broadcast %neg3A : f32 to vector<3520x128xf32>
    %neg3A_3 = arith.subf %neg3A_2, %get3A_1 : vector<3520x128xf32>
    %exp3A = math.exp %neg3A_3 : vector<3520x128xf32>
    %add3A = arith.constant 1.000000e+00 : f32
    %add3A_4 = vector.broadcast %add3A : f32 to vector<3520x128xf32>
    %add3A_5 = arith.addf %add3A_4, %exp3A : vector<3520x128xf32>
    %div3A = arith.constant 1.000000e+00 : f32
    %div3A_6 = vector.broadcast %div3A : f32 to vector<3520x128xf32>
    %div3A_7 = arith.divf %div3A_6, %add3A_5 : vector<3520x128xf32>
    %iota3A = tpu.iota {dimensions = array<i32: 1>} : vector<3520x128xi32>
    %jit3A = arith.constant 16 : i32
    %eq3A = arith.constant 0 : i32
    %eq3A_8 = arith.cmpi eq, %jit3A, %eq3A : i32
    %jit3A_9 = arith.constant 1 : i32
    %select_n3A = arith.select %eq3A_8, %jit3A_9, %jit3A : i32
    %rem3A = vector.broadcast %select_n3A : i32 to vector<3520x128xi32>
    %rem3A_10 = arith.remsi %iota3A, %rem3A : vector<3520x128xi32>
    %ne3A = arith.constant 0 : i32
    %ne3A_11 = vector.broadcast %ne3A : i32 to vector<3520x128xi32>
    %ne3A_12 = arith.cmpi ne, %rem3A_10, %ne3A_11 : vector<3520x128xi32>
    %lt3A = arith.constant 0 : i32
    %lt3A_13 = vector.broadcast %lt3A : i32 to vector<3520x128xi32>
    %lt3A_14 = arith.cmpi slt, %rem3A_10, %lt3A_13 : vector<3520x128xi32>
    %lt3A_15 = arith.constant 0 : i32
    %lt3A_16 = arith.cmpi slt, %select_n3A, %lt3A_15 : i32
    %ne3A_17 = vector.broadcast %lt3A_16 : i1 to vector<3520x128xi1>
    %ne3A_18 = vector.broadcast %ne3A_17 : vector<3520x128xi1> to vector<3520x128xi1>
    %ne3A_19 = arith.xori %lt3A_14, %ne3A_18 : vector<3520x128xi1>
    %and3A = arith.andi %ne3A_19, %ne3A_12 : vector<3520x128xi1>
    %add3A_20 = vector.broadcast %select_n3A : i32 to vector<3520x128xi32>
    %add3A_21 = arith.addi %rem3A_10, %add3A_20 : vector<3520x128xi32>
    %select_n3A_22 = arith.select %and3A, %add3A_21, %rem3A_10 : vector<3520x128xi1>, vector<3520x128xi32>
    %iota3A_23 = tpu.iota {dimensions = array<i32: 0>} : vector<3520x128xi32>
    %lt3A_24 = arith.constant 1760 : i32
    %lt3A_25 = vector.broadcast %lt3A_24 : i32 to vector<3520x128xi32>
    %lt3A_26 = arith.cmpi slt, %iota3A_23, %lt3A_25 : vector<3520x128xi32>
    %add3A_27 = arith.constant 1.000000e-15 : f32
    %add3A_28 = vector.broadcast %add3A_27 : f32 to vector<3520x128xf32>
    %add3A_29 = arith.addf %div3A_7, %add3A_28 : vector<3520x128xf32>
    %log3A = math.log %add3A_29 : vector<3520x128xf32>
    %neg3A_30 = arith.constant 0.000000e+00 : f32
    %neg3A_31 = vector.broadcast %neg3A_30 : f32 to vector<3520x128xf32>
    %neg3A_32 = arith.subf %neg3A_31, %log3A : vector<3520x128xf32>
    %sub3A = arith.constant 1.000000e+00 : f32
    %sub3A_33 = vector.broadcast %sub3A : f32 to vector<3520x128xf32>
    %sub3A_34 = arith.subf %sub3A_33, %div3A_7 : vector<3520x128xf32>
    %add3A_35 = arith.constant 1.000000e-15 : f32
    %add3A_36 = vector.broadcast %add3A_35 : f32 to vector<3520x128xf32>
    %add3A_37 = arith.addf %sub3A_34, %add3A_36 : vector<3520x128xf32>
    %log3A_38 = math.log %add3A_37 : vector<3520x128xf32>
    %neg3A_39 = arith.constant 0.000000e+00 : f32
    %neg3A_40 = vector.broadcast %neg3A_39 : f32 to vector<3520x128xf32>
    %neg3A_41 = arith.subf %neg3A_40, %log3A_38 : vector<3520x128xf32>
    %select_n3A_42 = arith.select %lt3A_26, %neg3A_32, %neg3A_41 : vector<3520x128xi1>, vector<3520x128xf32>
    %lt3A_43 = arith.constant 9 : i32
    %lt3A_44 = vector.broadcast %lt3A_43 : i32 to vector<3520x128xi32>
    %lt3A_45 = arith.cmpi slt, %select_n3A_22, %lt3A_44 : vector<3520x128xi32>
    %jit3A_46 = arith.constant 0.000000e+00 : f32
    %broadcast_in_dim3A = vector.broadcast %jit3A_46 : f32 to vector<3520x128xf32>
    %select_n3A_47 = arith.select %lt3A_45, %select_n3A_42, %broadcast_in_dim3A : vector<3520x128xi1>, vector<3520x128xf32>
    %reduce_sum3A = vector.shape_cast %select_n3A_47 : vector<3520x128xf32> to vector<1x3520x128xf32>
    %reduce_sum3A_48 = arith.constant dense<0.000000e+00> : vector<1xf32>
    %reduce_sum3A_49 = vector.multi_reduction <add>, %reduce_sum3A, %reduce_sum3A_48 [1, 2] : vector<1x3520x128xf32> to vector<1xf32>
    %reduce_sum3A_50 = vector.shape_cast %reduce_sum3A_49 : vector<1xf32> to vector<1x1x1xf32>
    %reduce_sum3A_51 = vector.extract %reduce_sum3A_50[0, 0, 0] : f32 from vector<1x1x1xf32>
    %div3A_52 = arith.constant 1.267200e+05 : f32
    %div3A_53 = arith.divf %reduce_sum3A_51, %div3A_52 : f32
    %reshape3A = vector.broadcast %div3A_53 : f32 to vector<1x1xf32>
    %swap3A = arith.constant 0 : index
    %swap3A_54 = arith.constant 0 : index
    %swap3A_55 = vector.load %arg1[%swap3A, %swap3A_54] : memref<1x1xf32, #tpu.memory_space<vmem>>, vector<1x1xf32>
    tpu.vector_store %arg1[%swap3A, %swap3A_54], %reshape3A {strides = array<i32>} : memref<1x1xf32, #tpu.memory_space<vmem>>, vector<1x1xf32>,
    return
  }
}

</mosaic_0001>

<sc_bundles>
// kernel: kernel.4.cloned.1.call-start
scs
__scs_entry_jumppad:
0x0: {  	(pc) =	sbr.rel $0x88, $3  }
0x1: {  	(tag) =	ssettag $0x0;
	lr =	simm.s32 $0x1  }
0x2: {  	[smem:$0x3F9E] =	sst lr;
	_ =	strace $0xD0000000  }
0x3: {  	_ = 	snop  }
0x4: {  	_ = 	snop  }
0x5: {  	_ = 	snop  }
0x6: {  	_ = 	snop  }
0x7: {  	_ = 	snop  }
__scs_overlays_trampoline_lowered:
0x8: {  	[smem:$0x3FAD] =	sst s0  }
0x9: {  	[smem:$0x3FAE] =	sst s1  }
0xa: {  	[smem:$0x3FAF] =	sst s2  }
0xb: {  	[smem:$0x3FB0] =	sst s3  }
0xc: {  	[smem:$0x3FB1] =	sst s4  }
0xd: {  	[smem:$0x3FB2] =	sst s5  }
0xe: {  	[smem:$0x3FB3] =	sst s6  }
0xf: {  	[smem:$0x3FB4] =	sst s7  }
0x10: {  	[smem:$0x3FB5] =	sst s8  }
0x11: {  	[smem:$0x3FB6] =	sst s9;
	s0 =	simm.s32 @!p0 $0x0  }
0x12: {  	s1 =	sld [smem:$0x3F9C];
	s0 =	simm.s32 @p0 $0x1  }
0x13: {  	[smem:$0x3FB7] =	sst s0;
	s0 =	simm.s32 @!p1 $0x0  }
0x14: {  	s2 =	sld [smem:$0x3F9B];
	s0 =	simm.s32 @p1 $0x1  }
0x15: {  	[smem:$0x3FB8] =	sst s0;
	s0 =	simm.s32 @!p2 $0x0  }
0x16: {  	s3 =	sld [smem:$0x3FDB];
	s0 =	simm.s32 @p2 $0x1  }
0x17: {  	s4 =	simm.s32 $0x1BF5;
	[smem:$0x3FBA] =	sst s0  }
0x18: {  	s0 =	sld [smem:$0x3F9D];
	_ =	swait.ge [sflag:s4], $0x0  }
0x19: {  	s7 =	sld [smem:$0x3F9E]  }
0x1a: {  	s8 =	sadd.s32 $0xFFFFE003, lr  }
0x1b: {  	s9 =	sadd.s32 $0xFFFFFEF7, lr;
	s5 =	simm.s32 $0xFFFFFFFF;
	p2 =	slt.u32 s8, $0xFFFFF086  }
0x1c: {  	p1 =	slt.u32 s9, $0xF7A;
	s5 =	simm.s32 @!p2 $0x0  }
0x1d: {  	s5 =	simm.s32 @p1 $0x1;
	p0 =	seq.s32 s7, s2  }
0x1e: {  	s7 =	smul.u32 @!p0 $0xF7A, s2;
	p2 =	seq.s32 @!p0 s5, $0x0  }
0x1f: {  	s9 =	smul.u32 $0xF7A, s1;
	s8 =	simm.s32 @!p0 $0x1BF5;
	p2 =	por !p2, p0  }
0x20: {  	[sflag:s8] =	ssyncset.s32 @!p0 $0xFFFFF086;
	s6 =	sadd.s32 @!p0 s3, s7;
	s7 =	simm.s32 @!p0 $0x108  }
0x21: {  	s3 =	sadd.s32 s3, s9;
	s6 =	sadd.s32 @!p0 $0x88, s6;
	s7 =	simm.s32 @p2 $0x1082  }
0x22: {  	[simem:s7], [sflag:s8] =	dma.local @!p0 [hbm:s6], $0xF7A  }
0x23: {  	s9 =	sor.u32 $0xD0000000, s2;
	s6 =	simm.s32 $0x108;
	_ =	swait.ge @!p0 [sflag:s8], $0x0  }
0x24: {  	s3 =	sadd.s32 $0x88, s3;
	s6 =	simm.s32 @!p1 $0x1082;
	[sflag:s4] =	ssyncset.s32 $0xFFFFF086  }
0x25: {  	[simem:s6], [sflag:s4] =	dma.local [hbm:s3], $0xF7A  }
0x26: {  	[smem:$0x3F9E] =	sst s1;
	(tag) =	ssettag s2;
	_ =	strace s9  }
0x27: {  	s1 =	sld [smem:$0x3FAE]  }
0x28: {  	s2 =	sld [smem:$0x3FAF]  }
0x29: {  	s4 =	sld [smem:$0x3FB1]  }
0x2a: {  	p0 =	seq.s32 s5, $0x0;
	s5 =	sld [smem:$0x3FB2]  }
0x2b: {  	s6 =	sld [smem:$0x3FB3]  }
0x2c: {  	s7 =	sld [smem:$0x3FB4]  }
0x2d: {  	s3 =	simm.s32 $0x108;
	s8 =	sld [smem:$0x3FB5]  }
0x2e: {  	s3 =	simm.s32 @!p0 $0x1082;
	s9 =	sld [smem:$0x3FB6]  }
0x2f: {  	lr =	sadd.s32 s0, s3;
	s0 =	sld [smem:$0x3FAD]  }
0x30: {  	s3 =	sld [smem:$0x3FB0]  }
0x31: {  	[smem:$0x3FB9] =	sst s10  }
0x32: {  	s10 =	sld [smem:$0x3FB7];
	_ =	sdelay $0x3  }
0x33: {  	p0 =	seq.s32 s10, $0x1;
	s10 =	sld [smem:$0x3FB9];
	_ =	sdelay $0x3  }
0x34: {  	[smem:$0x3FB9] =	sst s10  }
0x35: {  	s10 =	sld [smem:$0x3FB8];
	_ =	sdelay $0x3  }
0x36: {  	p1 =	seq.s32 s10, $0x1;
	s10 =	sld [smem:$0x3FB9];
	_ =	sdelay $0x3  }
0x37: {  	[smem:$0x3FB9] =	sst s10  }
0x38: {  	s10 =	sld [smem:$0x3FBA]  }
0x39: {  	_ = 	snop;
	(pc) =	sbr.ind lr, $3  }
0x3a: {  	_ = 	snop  }
0x3b: {  	_ = 	snop  }
0x3c: {  	p2 =	seq.s32 s10, $0x1;
	s10 =	sld [smem:$0x3FB9]  }
0x3d: {  	_ =	shalt  }
0x3e: {  	_ =	shalt  }
0x3f: {  	_ =	shalt  }
0x40: {  	_ =	shalt  }
0x41: {  	_ =	shalt  }
0x42: {  	_ =	shalt  }
0x43: {  	_ =	shalt  }
0x44: {  	_ =	shalt  }
0x45: {  	_ =	shalt  }
0x46: {  	_ =	shalt  }
0x47: {  	_ =	shalt  }
0x48: {  	_ =	shalt  }
0x49: {  	_ =	shalt  }
0x4a: {  	_ =	shalt  }
0x4b: {  	_ =	shalt  }
0x4c: {  	_ =	shalt  }
0x4d: {  	_ =	shalt  }
0x4e: {  	_ =	shalt  }
0x4f: {  	_ =	shalt  }
0x50: {  	_ =	shalt  }
0x51: {  	_ =	shalt  }
0x52: {  	_ =	shalt  }
0x53: {  	_ =	shalt  }
0x54: {  	_ =	shalt  }
0x55: {  	_ =	shalt  }
0x56: {  	_ =	shalt  }
0x57: {  	_ =	shalt  }
0x58: {  	_ =	shalt  }
0x59: {  	_ =	shalt  }
0x5a: {  	_ =	shalt  }
0x5b: {  	_ =	shalt  }
0x5c: {  	_ =	shalt  }
0x5d: {  	_ =	shalt  }
0x5e: {  	_ =	shalt  }
0x5f: {  	_ =	shalt  }
0x60: {  	_ =	shalt  }
0x61: {  	_ =	shalt  }
0x62: {  	_ =	shalt  }
0x63: {  	_ =	shalt  }
0x64: {  	_ =	shalt  }
0x65: {  	_ =	shalt  }
0x66: {  	_ =	shalt  }
0x67: {  	_ =	shalt  }
0x68: {  	_ =	shalt  }
0x69: {  	_ =	shalt  }
0x6a: {  	_ =	shalt  }
0x6b: {  	_ =	shalt  }
0x6c: {  	_ =	shalt  }
0x6d: {  	_ =	shalt  }
0x6e: {  	_ =	shalt  }
0x6f: {  	_ =	shalt  }
0x70: {  	_ =	shalt  }
0x71: {  	_ =	shalt  }
0x72: {  	_ =	shalt  }
0x73: {  	_ =	shalt  }
0x74: {  	_ =	shalt  }
0x75: {  	_ =	shalt  }
0x76: {  	_ =	shalt  }
0x77: {  	_ =	shalt  }
0x78: {  	_ =	shalt  }
0x79: {  	_ =	shalt  }
0x7a: {  	_ =	shalt  }
0x7b: {  	_ =	shalt  }
0x7c: {  	_ =	shalt  }
0x7d: {  	_ =	shalt  }
0x7e: {  	_ =	shalt  }
0x7f: {  	_ =	shalt  }
0x80: {  	_ =	shalt  }
0x81: {  	_ =	shalt  }
0x82: {  	_ =	shalt  }
0x83: {  	_ =	shalt  }
0x84: {  	_ =	shalt  }
0x85: {  	_ =	shalt  }
0x86: {  	_ =	shalt  }
0x87: {  	_ =	shalt  }
.Lfunc_end0:
.L_simem_size_0:
called_computation_lowered:
.L_overlay_start_0:
0x88: {  	s2 =	sld [smem:$0x3FD9]  }
0x89: {  	s3 =	sld [smem:$0x3FFE];
	_ =	sdelay $0x1  }
0x8a: {  	s1 =	srdreg.scid  }
0x8b: {  	s0 =	sand.u32 $0x1, s1  }
0x8c: {  	s17 =	sshll.u32 s0, $0xA;
	s2 =	sadd.s32 s3, s2  }
0x8d: {  	s2 =	sadd.s32 s2, s17  }
0x8e: {  	[smem:$0x3FC5] =	sst s2  }
0x8f: {  	_ = 	snop  }
0x90: {  	s2 =	sld [smem:$0x3FC7];
	(tm) =	ssettm $0x1  }
0x91: {  	s18 =	sld [smem:$0x3FFB];
	_ =	sdelay $0x3  }
0x92: {  	_ =	strace s18  }
0x93: {  	s3 =	sld [smem:$0x3FFC];
	_ =	sdelay $0x3  }
0x94: {  	_ =	strace s3  }
0x95: {  	s3 =	sld [smem:$0x3FFD];
	_ =	sdelay $0x3  }
0x96: {  	_ =	strace s3  }
0x97: {  	_ =	strace $0x8FFFFFFF  }
0x98: {  	s19 =	sld [smem:$0x3FDB];
	_ =	sdelay $0x1  }
0x99: {  	s4 =	simm.s32 $_scs_section_size  }
0x9a: {  	s5 =	simm.s32 $_size__tile_overlayer_lowered;
	s6 =	simm.s32 $_tile_overlayer_lowered  }
0x9b: {  	s22 =	simm.s32 $0x1BFF;
	s21 =	sshll.u32 s6, $0x1;
	s3 =	sadd.s32 s4, s19  }
0x9c: {  	s7 =	simm.s32 $0x0;
	s20 =	sshll.u32 s5, $0x1;
	s5 =	sadd.s32 s21, s3  }
0x9d: {  	[timem:s7], [sflag:s22] =	dma.local [hbm:s5], s20  }
0x9e: {  	_ =	swait.ge [sflag:s22], s20  }
0x9f: {  	s4 =	ssub.s32 $0x0, s20;
	[sflag:s22] =	ssyncset.done $0x0  }
0xa0: {  	[sflag:s22] =	ssyncadd.s32 s4;
	_ =	sdelay $0x1  }
0xa1: {  	s23 =	simm.s32 $0x1B8B  }
0xa2: {  	_ =	swait.ge [sflag:s23], $0x1  }
0xa3: {  	[sflag:s23] =	ssyncset.done $0x0  }
0xa4: {  	s25 =	simm.s32 $0x1B8E;
	s24 =	sld [smem:$0x3FFE];
	[sflag:s23] =	ssyncadd.s32 $0xFFFFFFFF  }
0xa5: {  	s26 =	simm.s32 $execute0_lowered;
	[smem:$0x3FD2] =	sst s25  }
0xa6: {  	s5 =	sshll.u32 s26, $0x1;
	_ =	strace $0x80000046;
	[dreg:$0x1] =	wrdreg $0xFFFFFFFF  }
0xa7: {  	s28 =	simm.s32 $_size_execute0_lowered;
	s3 =	sadd.s32 s3, s5;
	[dreg:$0x0] =	wrdreg $0x0  }
0xa8: {  	s5 =	sshll.u32 s28, $0x1;
	[dreg:$0x2] =	wrdreg s3  }
0xa9: {  	[dreg:$0x3] =	wrdreg s5  }
0xaa: {  	[dreg:$0x4] =	wrdreg $0xC0  }
0xab: {  	_ =	task [dreg:s7], $0x5FFFF  }
0xac: {  	[dreg:$0x1] =	wrdreg $0xFFFFFFFF  }
0xad: {  	[dreg:$0x0] =	wrdreg $0x60  }
0xae: {  	[dreg:$0x2] =	wrdreg s24  }
0xaf: {  	[dreg:$0x3] =	wrdreg s2  }
0xb0: {  	[dreg:$0x4] =	wrdreg $0x9  }
0xb1: {  	_ =	task.clear_ibuf [dreg:s7], $0x5FFFF;
	_ =	strace $0x90000046  }
0xb2: {  	s29 =	simm.s32 $0x9;
	_ =	strace $0x80000048  }
0xb3: {  	_ =	swait.ge [sflag:s29], $0x1  }
0xb4: {  	[sflag:s29] =	ssyncadd.s32 $0xFFFFFFFF  }
0xb5: {  	_ =	strace $0x90000048  }
0xb6: {  	_ =	sfence  }
0xb7: {  	s30 =	sld [smem:$0x0];
	_ =	sdelay $0x2  }
0xb8: {  	s31 =	sshll.u32 s1, $0xD;
	s1 =	sshrl.u32 s1, $0x2  }
0xb9: {  	s3 =	sand.u32 $0x4000, s31;
	s1 =	sadd.s32 s1, s30  }
0xba: {  	s0 =	sor.u32 s3, s0;
	s1 =	sshll.u32 s1, $0x11  }
0xbb: {  	s0 =	sor.u32 s1, s0  }
0xbc: {  	s0 =	sadd.s32 $0x8F2B, s0  }
0xbd: {  	[sflag:s0] =	ssyncadd.remote.s32 $0x1  }
0xbe: {  	_ =	sfence.sel $0xFFFF  }
0xbf: {  	[dreg:$0x0] =	wrdreg $0xFFFFFFFF;
	(pc) =	sbr.abs _section_cstart, $3  }
0xc0: {  	[dreg:$0x1] =	wrdreg $0xFFFFFFFF  }
0xc1: {  	_ =	task.clear_ibuf [dreg:s7], $0x2FFFF;
	_ =	strace $0x9FFFFFFF  }
0xc2: {  	(tm) =	ssettm $0x7FFFFFFF  }
0xc3: {  	_ =	shalt  }
tec
execute0_lowered:
.L_overlay_start_1:
0x0: {  	(tag) =	ssettag $0x1  }
0x1: {  	s0 =	srdreg.scid;
	s1 =	stileid.u32  }
0x2: {  	s4 =	rddreg [dreg:$0x0];
	s0 =	sand.u32 $0x1, s0;
	s1 =	sshll.u32 s1, $0x1  }
0x3: {  	s2 =	rddreg [dreg:$0x1];
	s1 =	sor.u32 s0, s1  }
0x4: {  	s3 =	simm.s32 $0x0;
	s0 =	ssub.s32 $0x2, s0;
	s5 =	smul.u32 $0x370, s1  }
0x5: {  	s28 =	simm.s32 $0x28;
	s29 =	simm.s32 $0xEA80;
	s6 =	sshrl.u32 s0, $0x1  }
0x6: {  	s30 =	simm.s32 $0xFE80;
	s0 =	ssub.s32 s0, s6;
	s5 =	sshrl.u32 s5, $0x3  }
0x7: {  	[smem:$0x7FF] =	sst s3;
	s0 =	smax.u32 s0, $0x1;
	s5 =	sadd.s32 s5, s4  }
0x8: {  	_ =	strace $0x80000047;
	[dreg:$0xd] =	wrdreg s0;
	s18 =	sadd.s32 $0x400, s5  }
0x9: {  	s31 =	simm.s32 $0x11280;
	s19 =	sadd.s32 $0x11C0, s5;
	[dreg:$0x3] =	wrdreg s18  }
0xa: {  	s17 =	simm.s32 $0x14E80;
	s20 =	sadd.s32 $0x1F80, s5;
	[dreg:$0x4] =	wrdreg s19  }
0xb: {  	s13 =	simm.s32 $0x14A0;
	s21 =	sadd.s32 $0x2D40, s5;
	[dreg:$0x5] =	wrdreg s20  }
0xc: {  	s14 =	simm.s32 $0x1810;
	s22 =	sadd.s32 $0x3B00, s5;
	[dreg:$0x6] =	wrdreg s21  }
0xd: {  	s16 =	simm.s32 $0x1B80;
	s23 =	sadd.s32 $0x48C0, s5;
	[dreg:$0x7] =	wrdreg s22  }
0xe: {  	s15 =	smul.u32 $0x16, s1;
	s24 =	sadd.s32 $0x5680, s5;
	[dreg:$0x8] =	wrdreg s23  }
0xf: {  	s1 =	simm.s32 $0x12680;
	s25 =	sadd.s32 $0x6440, s5;
	[dreg:$0x9] =	wrdreg s24  }
0x10: {  	s6 =	simm.s32 $0x0;
	s26 =	sadd.s32 $0x7200, s5;
	[dreg:$0xa] =	wrdreg s25  }
0x11: {  	s4 =	sadd.s32 $0x8E00, s4;
	s5 =	sadd.s32 $0x7FC0, s5;
	[dreg:$0xb] =	wrdreg s26  }
0x12: {  	s0 =	simm.s32 $0x13A80;
	[dreg:$0xc] =	wrdreg s5;
	s26 =	simm.s32 $0x1  }
0x13: {  	vm0 =	vmmov $0x1;
	vm1 =	vcmask $0x324;
	vm2 =	vcmask $0x724;
	s18 =	simm.s32 $0x16280;
	s19 =	simm.s32 $0x17680;
	s20 =	simm.s32 $0x18A80  }
0x14: {  	vm3 =	vcmask $0xB24;
	vm4 =	vcmask $0xF24;
	vm5 =	vcmask $0x1324;
	s21 =	simm.s32 $0x19E80;
	s22 =	simm.s32 $0x1B280;
	s23 =	simm.s32 $0x2  }
0x15: {  	vm6 =	vcmask $0x1724;
	vm7 =	vcmask $0x1B24;
	vm8 =	vcmask $0x1F24;
	s24 =	simm.s32 $0x1C680;
	s5 =	simm.s32 $0x4;
	s25 =	simm.s32 $0x1EF0  }
.LBB2_1:
0x16: {  	s7 =	rddreg [dreg:$0x3]  }
0x17: {  	[tilespmem:s3], [sflag:$0x1] =	stream.linear.gather [hbm4b:s7+s3], $0x370, $0x38;
	[tilespmem:$0x1DA80] =	vst v63  }
0x18: {  	s9 =	rddreg [dreg:$0x4];
	s8 =	simm.s32 $0x370  }
0x19: {  	[tilespmem:s8], [sflag:$0x1] =	stream.linear.gather [hbm4b:s9+s3], $0x370, $0x38;
	[tilespmem:$0x1DA80] =	vst v63  }
0x1a: {  	s10 =	rddreg [dreg:$0x5];
	s9 =	simm.s32 $0x6E0  }
0x1b: {  	[tilespmem:s9], [sflag:$0x1] =	stream.linear.gather [hbm4b:s10+s3], $0x370, $0x38;
	[tilespmem:$0x1DA80] =	vst v63  }
0x1c: {  	s11 =	rddreg [dreg:$0x6];
	s10 =	simm.s32 $0xA50  }
0x1d: {  	[tilespmem:s10], [sflag:$0x1] =	stream.linear.gather [hbm4b:s11+s3], $0x370, $0x38;
	[tilespmem:$0x1DA80] =	vst v63  }
0x1e: {  	s12 =	rddreg [dreg:$0x7];
	s11 =	simm.s32 $0xDC0  }
0x1f: {  	[tilespmem:s11], [sflag:$0x1] =	stream.linear.gather [hbm4b:s12+s3], $0x370, $0x38;
	[tilespmem:$0x1DA80] =	vst v63  }
0x20: {  	s7 =	rddreg [dreg:$0x8];
	s12 =	simm.s32 $0x1130  }
0x21: {  	[tilespmem:s12], [sflag:$0x1] =	stream.linear.gather [hbm4b:s7+s3], $0x370, $0x38;
	[tilespmem:$0x1DA80] =	vst v63  }
0x22: {  	s7 =	rddreg [dreg:$0x9]  }
0x23: {  	[tilespmem:s13], [sflag:$0x1] =	stream.linear.gather [hbm4b:s7+s3], $0x370, $0x38;
	[tilespmem:$0x1DA80] =	vst v63  }
0x24: {  	s7 =	rddreg [dreg:$0xa]  }
0x25: {  	[tilespmem:s14], [sflag:$0x1] =	stream.linear.gather [hbm4b:s7+s3], $0x370, $0x38;
	[tilespmem:$0x1DA80] =	vst v63  }
0x26: {  	s7 =	rddreg [dreg:$0xb]  }
0x27: {  	[tilespmem:s16], [sflag:$0x1] =	stream.linear.gather [hbm4b:s7+s3], $0x370, $0x38;
	[tilespmem:$0x1DA80] =	vst v63  }
0x28: {  	s7 =	rddreg [dreg:$0xc]  }
0x29: {  	[tilespmem:s25], [sflag:$0x1] =	stream.linear.gather [hbm4b:s7+s3], $0x370, $0x38;
	[tilespmem:$0x1DA80] =	vst v63  }
0x2a: {  	_ =	swait.ge [sflag:s26], $0x370  }
0x2b: {  	[sflag:s26] =	ssyncset.done $0x0  }
0x2c: {  	[sflag:s26] =	ssyncadd.s32 $0xFFFFFC90  }
0x2d: {  	_ =	swait.ge [sflag:s26], $0x370  }
0x2e: {  	[sflag:s26] =	ssyncset.done $0x0  }
0x2f: {  	[sflag:s26] =	ssyncadd.s32 $0xFFFFFC90  }
0x30: {  	_ =	swait.ge [sflag:s26], $0x370  }
0x31: {  	[sflag:s26] =	ssyncset.done $0x0  }
0x32: {  	[sflag:s26] =	ssyncadd.s32 $0xFFFFFC90  }
0x33: {  	_ =	swait.ge [sflag:s26], $0x370  }
0x34: {  	[sflag:s26] =	ssyncset.done $0x0  }
0x35: {  	[sflag:s26] =	ssyncadd.s32 $0xFFFFFC90  }
0x36: {  	_ =	swait.ge [sflag:s26], $0x370  }
0x37: {  	[sflag:s26] =	ssyncset.done $0x0  }
0x38: {  	[sflag:s26] =	ssyncadd.s32 $0xFFFFFC90  }
0x39: {  	_ =	swait.ge [sflag:s26], $0x370  }
0x3a: {  	[sflag:s26] =	ssyncset.done $0x0  }
0x3b: {  	[sflag:s26] =	ssyncadd.s32 $0xFFFFFC90  }
0x3c: {  	_ =	swait.ge [sflag:s26], $0x370  }
0x3d: {  	[sflag:s26] =	ssyncset.done $0x0  }
0x3e: {  	[sflag:s26] =	ssyncadd.s32 $0xFFFFFC90  }
0x3f: {  	_ =	swait.ge [sflag:s26], $0x370  }
0x40: {  	[sflag:s26] =	ssyncset.done $0x0  }
0x41: {  	[sflag:s26] =	ssyncadd.s32 $0xFFFFFC90  }
0x42: {  	_ =	swait.ge [sflag:s26], $0x370  }
0x43: {  	[sflag:s26] =	ssyncset.done $0x0  }
0x44: {  	[sflag:s26] =	ssyncadd.s32 $0xFFFFFC90  }
0x45: {  	_ =	swait.ge [sflag:s26], $0x370  }
0x46: {  	[sflag:s26] =	ssyncset.done $0x0  }
0x47: {  	s7 =	simm.s32 $0x2280;
	[sflag:s26] =	ssyncadd.s32 $0xFFFFFC90  }
0x48: {  	[tilespmem:s7], [sflag:$0x1] =	stream.indirect.gather [hbm4b:s2+s28], $0x80, s3, s28, $0xb8;
	[tilespmem:$0x1DA80] =	vst v63  }
0x49: {  	s7 =	simm.s32 $0x3680  }
0x4a: {  	[tilespmem:s7], [sflag:$0x1] =	stream.indirect.gather [hbm4b:s2+s28], $0x80, s8, s28, $0xb8;
	[tilespmem:$0x1DA80] =	vst v63  }
0x4b: {  	s8 =	simm.s32 $0x4A80  }
0x4c: {  	[tilespmem:s8], [sflag:$0x1] =	stream.indirect.gather [hbm4b:s2+s28], $0x80, s9, s28, $0xb8;
	[tilespmem:$0x1DA80] =	vst v63  }
0x4d: {  	s9 =	simm.s32 $0x5E80  }
0x4e: {  	[tilespmem:s9], [sflag:$0x1] =	stream.indirect.gather [hbm4b:s2+s28], $0x80, s10, s28, $0xb8;
	[tilespmem:$0x1DA80] =	vst v63  }
0x4f: {  	s10 =	simm.s32 $0x7280  }
0x50: {  	[tilespmem:s10], [sflag:$0x1] =	stream.indirect.gather [hbm4b:s2+s28], $0x80, s11, s28, $0xb8;
	[tilespmem:$0x1DA80] =	vst v63  }
0x51: {  	s8 =	simm.s32 $0x8680  }
0x52: {  	[tilespmem:s8], [sflag:$0x1] =	stream.indirect.gather [hbm4b:s2+s28], $0x80, s12, s28, $0xb8;
	[tilespmem:$0x1DA80] =	vst v63  }
0x53: {  	s9 =	simm.s32 $0x9A80  }
0x54: {  	[tilespmem:s9], [sflag:$0x1] =	stream.indirect.gather [hbm4b:s2+s28], $0x80, s13, s28, $0xb8;
	[tilespmem:$0x1DA80] =	vst v63  }
0x55: {  	s10 =	simm.s32 $0xAE80  }
0x56: {  	[tilespmem:s10], [sflag:$0x1] =	stream.indirect.gather [hbm4b:s2+s28], $0x80, s14, s28, $0xb8;
	[tilespmem:$0x1DA80] =	vst v63  }
0x57: {  	s11 =	simm.s32 $0xC280  }
0x58: {  	[tilespmem:s11], [sflag:$0x1] =	stream.indirect.gather [hbm4b:s2+s28], $0x80, s16, s28, $0xb8;
	[tilespmem:$0x1DA80] =	vst v63  }
0x59: {  	s7 =	simm.s32 $0x0;
	s12 =	simm.s32 $0xD680  }
0x5a: {  	[tilespmem:s12], [sflag:$0x1] =	stream.indirect.gather [hbm4b:s2+s28], $0x80, s25, s28, $0xb8;
	[tilespmem:$0x1DA80] =	vst v63  }
.LBB2_2:
0x5b: {  	s8 =	sshllo.u32 s7, $0x1  }
0x5c: {  	s9 =	smul.u32 $0xA0, s8;
	_ =	sdelay $0x1  }
0x5d: {  	s9 =	sshra.s32 s9, $0x2  }
0x5e: {  	[tilespmem:s29], [sflag:$0x2] =	stream.indirect.gather [hbm4b:s2+s28], $0x80, s9, s28, $0xb8;
	[tilespmem:$0x1DA80] =	vst v63  }
0x5f: {  	s10 =	sadd.s32 $0x370, s9  }
0x60: {  	[tilespmem:s30], [sflag:$0x2] =	stream.indirect.gather [hbm4b:s2+s28], $0x80, s10, s28, $0xb8;
	[tilespmem:$0x1DA80] =	vst v63  }
0x61: {  	s12 =	sadd.s32 $0x6E0, s9  }
0x62: {  	[tilespmem:s31], [sflag:$0x2] =	stream.indirect.gather [hbm4b:s2+s28], $0x80, s12, s28, $0xb8;
	[tilespmem:$0x1DA80] =	vst v63  }
0x63: {  	s11 =	sadd.s32 $0xA50, s9  }
0x64: {  	[tilespmem:s1], [sflag:$0x2] =	stream.indirect.gather [hbm4b:s2+s28], $0x80, s11, s28, $0xb8;
	[tilespmem:$0x1DA80] =	vst v63  }
0x65: {  	s12 =	sadd.s32 $0xDC0, s9  }
0x66: {  	[tilespmem:s0], [sflag:$0x2] =	stream.indirect.gather [hbm4b:s2+s28], $0x80, s12, s28, $0xb8;
	[tilespmem:$0x1DA80] =	vst v63  }
0x67: {  	s11 =	sadd.s32 $0x1130, s9  }
0x68: {  	[tilespmem:s17], [sflag:$0x2] =	stream.indirect.gather [hbm4b:s2+s28], $0x80, s11, s28, $0xb8;
	[tilespmem:$0x1DA80] =	vst v63  }
0x69: {  	s12 =	sadd.s32 $0x14A0, s9  }
0x6a: {  	[tilespmem:s18], [sflag:$0x2] =	stream.indirect.gather [hbm4b:s2+s28], $0x80, s12, s28, $0xb8;
	[tilespmem:$0x1DA80] =	vst v63  }
0x6b: {  	s11 =	sadd.s32 $0x1810, s9  }
0x6c: {  	[tilespmem:s19], [sflag:$0x2] =	stream.indirect.gather [hbm4b:s2+s28], $0x80, s11, s28, $0xb8;
	[tilespmem:$0x1DA80] =	vst v63  }
0x6d: {  	s12 =	sadd.s32 $0x1B80, s9  }
0x6e: {  	[tilespmem:s20], [sflag:$0x2] =	stream.indirect.gather [hbm4b:s2+s28], $0x80, s12, s28, $0xb8;
	[tilespmem:$0x1DA80] =	vst v63  }
0x6f: {  	s9 =	sadd.s32 $0x1EF0, s9  }
0x70: {  	[tilespmem:s21], [sflag:$0x2] =	stream.indirect.gather [hbm4b:s2+s28], $0x80, s9, s28, $0xb8;
	[tilespmem:$0x1DA80] =	vst v63  }
0x71: {  	_ =	swait.ge [sflag:s26], $0x1400  }
0x72: {  	[sflag:s26] =	ssyncset.done $0x0  }
0x73: {  	[sflag:s26] =	ssyncadd.s32 $0xFFFFEC00  }
0x74: {  	_ =	swait.ge [sflag:s26], $0x1400  }
0x75: {  	[sflag:s26] =	ssyncset.done $0x0  }
0x76: {  	[sflag:s26] =	ssyncadd.s32 $0xFFFFEC00  }
0x77: {  	_ =	swait.ge [sflag:s26], $0x1400  }
0x78: {  	[sflag:s26] =	ssyncset.done $0x0  }
0x79: {  	[sflag:s26] =	ssyncadd.s32 $0xFFFFEC00  }
0x7a: {  	_ =	swait.ge [sflag:s26], $0x1400  }
0x7b: {  	[sflag:s26] =	ssyncset.done $0x0  }
0x7c: {  	[sflag:s26] =	ssyncadd.s32 $0xFFFFEC00  }
0x7d: {  	_ =	swait.ge [sflag:s26], $0x1400  }
0x7e: {  	[sflag:s26] =	ssyncset.done $0x0  }
0x7f: {  	[sflag:s26] =	ssyncadd.s32 $0xFFFFEC00  }
0x80: {  	_ =	swait.ge [sflag:s26], $0x1400  }
0x81: {  	[sflag:s26] =	ssyncset.done $0x0  }
0x82: {  	[sflag:s26] =	ssyncadd.s32 $0xFFFFEC00  }
0x83: {  	_ =	swait.ge [sflag:s26], $0x1400  }
0x84: {  	[sflag:s26] =	ssyncset.done $0x0  }
0x85: {  	[sflag:s26] =	ssyncadd.s32 $0xFFFFEC00  }
0x86: {  	_ =	swait.ge [sflag:s26], $0x1400  }
0x87: {  	[sflag:s26] =	ssyncset.done $0x0  }
0x88: {  	[sflag:s26] =	ssyncadd.s32 $0xFFFFEC00  }
0x89: {  	_ =	swait.ge [sflag:s26], $0x1400  }
0x8a: {  	[sflag:s26] =	ssyncset.done $0x0  }
0x8b: {  	[sflag:s26] =	ssyncadd.s32 $0xFFFFEC00  }
0x8c: {  	_ =	swait.ge [sflag:s26], $0x1400  }
0x8d: {  	p0 =	seq.s32 s7, $0x0;
	[sflag:s26] =	ssyncset.done $0x0  }
0x8e: {  	s9 =	simm.s32 @!p0 $0x3;
	[sflag:s26] =	ssyncadd.s32 $0xFFFFEC00  }
0x8f: {  	_ =	swait.ge @!p0 [sflag:s9], $0x1400  }
0x90: {  	[sflag:s9] =	ssyncset.done @!p0 $0x0  }
0x91: {  	[sflag:s9] =	ssyncadd.s32 @!p0 $0xFFFFEC00;
	s9 =	simm.s32 $0x0  }
0x92: {  	v3 =	vld [tilespmem:s9+$0xD680]  }
0x93: {  	v4 =	vld [tilespmem:s9+$0xD690]  }
0x94: {  	v5 =	vld [tilespmem:s9+$0xD6A0]  }
0x95: {  	v9 =	vld [tilespmem:s9+$0xD6B0]  }
0x96: {  	v10 =	vld [tilespmem:s9+$0xD6C0]  }
0x97: {  	v11 =	vld [tilespmem:s9+$0xD6D0]  }
0x98: {  	v12 =	vld [tilespmem:s9+$0xD6E0]  }
0x99: {  	v15 =	vld [tilespmem:s9+$0xD6F0]  }
0x9a: {  	v16 =	vld [tilespmem:s9+$0xC280]  }
0x9b: {  	v17 =	vld [tilespmem:s9+$0xC290]  }
0x9c: {  	v18 =	vld [tilespmem:s9+$0xC2A0]  }
0x9d: {  	v19 =	vld [tilespmem:s9+$0xC2B0]  }
0x9e: {  	v20 =	vld [tilespmem:s9+$0xC2C0]  }
0x9f: {  	v21 =	vld [tilespmem:s9+$0xC2D0]  }
0xa0: {  	v22 =	vld [tilespmem:s9+$0xC2E0]  }
0xa1: {  	v23 =	vld [tilespmem:s9+$0xC2F0]  }
0xa2: {  	v24 =	vld [tilespmem:s9+$0xAE80]  }
0xa3: {  	v25 =	vld [tilespmem:s9+$0xAE90]  }
0xa4: {  	v26 =	vld [tilespmem:s9+$0xAEA0]  }
0xa5: {  	v27 =	vld [tilespmem:s9+$0xAEB0]  }
0xa6: {  	v28 =	vld [tilespmem:s9+$0xAEC0]  }
0xa7: {  	v29 =	vld [tilespmem:s9+$0x9A80]  }
0xa8: {  	v30 =	vld [tilespmem:s9+$0x9A90]  }
0xa9: {  	v31 =	vld [tilespmem:s9+$0x9AA0]  }
0xaa: {  	v32 =	vld [tilespmem:s9+$0x9AB0]  }
0xab: {  	v33 =	vld [tilespmem:s9+$0x9AC0]  }
0xac: {  	v34 =	vld [tilespmem:s9+$0x9AD0]  }
0xad: {  	v14 =	vld [tilespmem:s9+$0x2280]  }
0xae: {  	v13 =	vld [tilespmem:s9+$0x2290]  }
0xaf: {  	v8 =	vld [tilespmem:s9+$0x22A0]  }
0xb0: {  	v7 =	vld [tilespmem:s9+$0x22B0]  }
0xb1: {  	v6 =	vld [tilespmem:s9+$0x22C0]  }
0xb2: {  	v2 =	vld [tilespmem:s9+$0x22D0]  }
0xb3: {  	v1 =	vld [tilespmem:s9+$0x22E0]  }
0xb4: {  	v0 =	vld [tilespmem:s9+$0x22F0]  }
0xb5: {  	v35 =	vld [tilespmem:s9+$0x9AE0]  }
0xb6: {  	v37 =	vld [tilespmem:s9+$0x9AF0]  }
0xb7: {  	v40 =	vld [tilespmem:s9+$0x8680]  }
0xb8: {  	v44 =	vld [tilespmem:s9+$0x86C0];
	v36 =	vmul.f32 v3, v14;
	v38 =	vmul.f32 v4, v13  }
0xb9: {  	v45 =	vld [tilespmem:s9+$0x86D0];
	v39 =	vmul.f32 v5, v8;
	v41 =	vmul.f32 v9, v7  }
0xba: {  	v46 =	vld [tilespmem:s9+$0x86E0];
	v10 =	vmul.f32 v10, v6;
	v42 =	vmul.f32 v11, v2  }
0xbb: {  	v47 =	vld [tilespmem:s9+$0x86F0];
	v43 =	vmul.f32 v12, v1;
	v16 =	vmul.f32 v16, v14  }
0xbc: {  	v48 =	vld [tilespmem:s9+$0x72B0];
	v15 =	vmul.f32 v15, v0;
	v17 =	vmul.f32 v17, v13  }
0xbd: {  	v49 =	vld [tilespmem:s9+$0x72C0];
	v18 =	vmul.f32 v18, v8;
	v19 =	vmul.f32 v19, v7  }
0xbe: {  	v50 =	vld [tilespmem:s9+$0x5E80];
	v20 =	vmul.f32 v20, v6;
	v21 =	vmul.f32 v21, v2  }
0xbf: {  	v52 =	vld [tilespmem:s9+$0x5E90];
	v22 =	vmul.f32 v22, v1;
	v24 =	vmul.f32 v24, v14  }
0xc0: {  	v55 =	vld [tilespmem:s9+$0x5EA0];
	v23 =	vmul.f32 v23, v0;
	v25 =	vmul.f32 v25, v13  }
0xc1: {  	v56 =	vld [tilespmem:s9+$0x5EB0];
	v4 =	vmul.f32 v26, v8;
	v5 =	vmul.f32 v27, v7  }
0xc2: {  	v62 =	vld [tilespmem:s9+$0x4AE0];
	v3 =	vmul.f32 v28, v6;
	v28 =	vmul.f32 v29, v14  }
0xc3: {  	v9 =	vld [tilespmem:s9+$0x8690];
	v29 =	vmul.f32 v30, v13;
	v31 =	vmul.f32 v31, v8  }
0xc4: {  	v11 =	vld [tilespmem:s9+$0x86A0];
	v32 =	vmul.f32 v32, v7;
	v33 =	vmul.f32 v33, v6  }
0xc5: {  	v12 =	vld [tilespmem:s9+$0x86B0];
	v34 =	vmul.f32 v34, v2;
	v35 =	vmul.f32 v35, v1  }
0xc6: {  	v26 =	vld [tilespmem:s9+$0x7280];
	v37 =	vmul.f32 v37, v0;
	v40 =	vmul.f32 v40, v14;
	v39 =	vadd.f32 v41, v39  }
0xc7: {  	v27 =	vld [tilespmem:s9+$0x7290];
	v44 =	vmul.f32 v44, v6;
	v41 =	vadd.f32 v42, v10;
	v20 =	vadd.f32 v21, v20  }
0xc8: {  	v30 =	vld [tilespmem:s9+$0x72A0];
	v45 =	vmul.f32 v45, v2;
	v10 =	vadd.f32 v25, v24;
	v25 =	vadd.f32 v23, v22  }
0xc9: {  	v57 =	vld [tilespmem:s9+$0x5EC0];
	v46 =	vmul.f32 v46, v1;
	v47 =	vmul.f32 v47, v0;
	v36 =	vadd.f32 v38, v36  }
0xca: {  	v60 =	vld [tilespmem:s9+$0x5EE0];
	v25 =	vadd.f32 v25, v20;
	v20 =	vmul.f32 v62, v1;
	v51 =	vmul.f32 v9, v13  }
0xcb: {  	v61 =	vld [tilespmem:s9+$0x5EF0];
	v15 =	vadd.f32 v15, v43;
	v53 =	vmul.f32 v11, v8;
	v54 =	vmul.f32 v12, v7  }
0xcc: {  	v63 =	vld [tilespmem:s9+$0x4AF0];
	v32 =	vadd.f32 v32, v31;
	v58 =	vmul.f32 v26, v14;
	v27 =	vmul.f32 v27, v13  }
0xcd: {  	v38 =	vld [tilespmem:s9+$0x4A80];
	v33 =	vadd.f32 v34, v33;
	v11 =	vmul.f32 v30, v8;
	v12 =	vmul.f32 v48, v7  }
0xce: {  	v34 =	vadd.f32 v37, v35;
	v26 =	vld [tilespmem:s9+$0x5ED0];
	v30 =	vmul.f32 v50, v14;
	v9 =	vmul.f32 v49, v6  }
0xcf: {  	v42 =	vld [tilespmem:s9+$0x4A90];
	v24 =	vadd.f32 v45, v44;
	v49 =	vmul.f32 v52, v13;
	v50 =	vmul.f32 v55, v8  }
0xd0: {  	v43 =	vld [tilespmem:s9+$0x4AA0];
	v15 =	vadd.f32 v15, v41;
	v55 =	vmul.f32 v56, v7;
	v56 =	vmul.f32 v57, v6  }
0xd1: {  	v21 =	vld [tilespmem:s9+$0x4AC0];
	v57 =	vadd.f32 v17, v16;
	v48 =	vmul.f32 v60, v1;
	v60 =	vadd.f32 v29, v28  }
0xd2: {  	v52 =	vmul.f32 v61, v0;
	v29 =	vld [tilespmem:s9+$0x4AD0];
	v28 =	vadd.f32 v39, v36;
	v22 =	vadd.f32 v51, v40  }
0xd3: {  	v23 =	vadd.f32 v54, v53;
	v51 =	vld [tilespmem:s9+$0x3680];
	v59 =	vmul.f32 v26, v2;
	v26 =	vadd.f32 v19, v18  }
0xd4: {  	v16 =	vmul.f32 v38, v14;
	v53 =	vadd.f32 v15, v28;
	v54 =	vld [tilespmem:s9+$0x3690];
	v15 =	vadd.f32 v27, v58  }
0xd5: {  	v17 =	vmul.f32 v42, v13;
	v27 =	vadd.f32 v49, v30;
	v19 =	vld [tilespmem:s9+$0x4AB0];
	v57 =	vadd.f32 v26, v57  }
0xd6: {  	v21 =	vmul.f32 v21, v6;
	v28 =	vld [tilespmem:s9+$0x36A0];
	v62 =	vadd.f32 v32, v60;
	v37 =	vadd.f32 v52, v48;
	(xrf2) =	vadd.scan.msk.f32 $0xffff, v53  }
0xd7: {  	v31 =	vld [tilespmem:s9+$0x36B0];
	v18 =	vmul.f32 v43, v8;
	v26 =	vmul.f32 v29, v2;
	v61 =	vadd.f32 v25, v57  }
0xd8: {  	v30 =	vld [tilespmem:s9+$0x36C0];
	v29 =	vadd.f32 v47, v46;
	v25 =	vmul.f32 v63, v0;
	v63 =	vadd.f32 v34, v33  }
0xd9: {  	v32 =	vld [tilespmem:s9+$0x36D0];
	v14 =	vmul.f32 v51, v14;
	v13 =	vmul.f32 v54, v13;
	v33 =	vadd.f32 v55, v50;
	(xrf2) =	vadd.scan.msk.f32 $0xffff, v61  }
0xda: {  	s10 =	sshll.u32 s7, $0x1;
	s11 =	simm.s32 $0x200;
	v36 =	vld [tilespmem:s9+$0x36E0];
	v34 =	vadd.f32 v59, v56;
	v19 =	vmul.f32 v19, v7;
	v35 =	vadd.f32 v63, v62  }
.LBB2_3:
0xdb: {  	p1 =	sne.s32 s11, $0x4E00;
	v8 =	vmul.f32 v28, v8;
	v28 =	vld [tilespmem:s9+$0x36F0];
	v22 =	vadd.f32 v23, v22;
	v23 =	vadd.f32 v29, v24  }
0xdc: {  	v16 =	vadd.f32 v17, v16;
	v17 =	vadd.f32 v19, v18;
	v7 =	vmul.f32 v31, v7;
	v18 =	vld [tilespmem:s9+$0x72D0];
	(xrf2) =	vadd.scan.msk.f32 $0xffff, v35  }
0xdd: {  	v19 =	vadd.f32 v26, v21;
	v6 =	vmul.f32 v30, v6;
	v21 =	vld [tilespmem:s9+$0x72E0];
	v22 =	vadd.f32 v23, v22  }
0xde: {  	v24 =	vadd.f32 v33, v27;
	v26 =	vadd.f32 v37, v34;
	v23 =	vmul.f32 v32, v2;
	v27 =	vld [tilespmem:s9+$0x72F0]  }
0xdf: {  	v13 =	vadd.f32 v13, v14;
	v14 =	vadd.f32 v25, v20;
	v29 =	vmul.f32 v36, v1;
	v20 =	vld [tilespmem:s9+$0xAED0];
	(xrf2) =	vadd.scan.msk.f32 $0xffff, v22  }
0xe0: {  	v7 =	vadd.f32 v7, v8;
	v8 =	vadd.f32 v26, v24;
	v22 =	vmul.f32 v28, v0;
	v24 =	vld [tilespmem:s9+$0xAEE0];
	v25, _, _ =	vpop (xrf2)  }
0xe1: {  	s12 =	sshra.s32 s11, $0x2;
	v16 =	vadd.f32 v17, v16;
	v14 =	vadd.f32 v14, v19;
	v17 =	vmul.f32 v18, v2;
	v18 =	vld [tilespmem:s9+$0xAEF0]  }
0xe2: {  	v6 =	vadd.f32 v23, v6;
	v19 =	vld [tilespmem:s12+$0xD680];
	v22 =	vadd.f32 v22, v29;
	v21 =	vmul.f32 v21, v1;
	(xrf2) =	vadd.scan.msk.f32 $0xffff, v8  }
0xe3: {  	v11 =	vadd.f32 v12, v11;
	v8 =	vadd.f32 v14, v16;
	v23 =	vld [tilespmem:s12+$0xD690];
	v14 =	vmul.f32 v27, v0;
	v12, _, _ =	vpop (xrf2)  }
0xe4: {  	v7 =	vadd.f32 v7, v13;
	v16 =	vld [tilespmem:s12+$0xD6A0];
	v6 =	vadd.f32 v22, v6;
	v2 =	vmul.f32 v20, v2  }
0xe5: {  	v9 =	vadd.f32 v17, v9;
	v20 =	vld [tilespmem:s12+$0xD6B0];
	v13 =	vadd.f32 v14, v21;
	v1 =	vmul.f32 v24, v1;
	(xrf2) =	vadd.scan.msk.f32 $0xffff, v8  }
0xe6: {  	v4 =	vadd.f32 v5, v4;
	v17 =	vld [tilespmem:s12+$0xD6C0];
	v14 =	vadd.f32 v6, v7;
	v0 =	vmul.f32 v18, v0;
	v5, _, _ =	vpop (xrf2)  }
0xe7: {  	v7 =	vadd.f32 v11, v15;
	v18 =	vld [tilespmem:s12+$0xD6D0];
	v8 =	vadd.f32 v13, v9  }
0xe8: {  	v2 =	vadd.f32 v2, v3;
	v9 =	vld [tilespmem:s12+$0xD6E0];
	v0 =	vadd.f32 v0, v1;
	(xrf2) =	vadd.scan.msk.f32 $0xffff, v14  }
0xe9: {  	v3 =	vld [tilespmem:s12+$0xD6F0];
	v7 =	vadd.f32 v8, v7;
	v6, _, _ =	vpop (xrf2)  }
0xea: {  	v4 =	vadd.f32 v4, v10;
	v11 =	vld [tilespmem:s12+$0xC280];
	v0 =	vadd.f32 v0, v2  }
0xeb: {  	v10 =	vld [tilespmem:s12+$0xC290];
	(xrf2) =	vadd.scan.msk.f32 $0xffff, v7  }
0xec: {  	v15 =	vld [tilespmem:s12+$0xC2A0];
	v2 =	vadd.f32 v0, v4;
	v1, _, _ =	vpop (xrf2)  }
0xed: {  	v4 =	vld [tilespmem:s12+$0xC2B0]  }
0xee: {  	v21 =	vld [tilespmem:s12+$0xC2C0];
	(xrf2) =	vadd.scan.msk.f32 $0xffff, v2  }
0xef: {  	v22 =	vld [tilespmem:s12+$0xC2D0];
	v0, _, _ =	vpop (xrf2)  }
0xf0: {  	v24 =	vld [tilespmem:s12+$0xC2E0]  }
0xf1: {  	v26 =	vld [tilespmem:s12+$0xC2F0]  }
0xf2: {  	v27 =	vld [tilespmem:s12+$0xAE80];
	v2, _, _ =	vpop (xrf2)  }
0xf3: {  	v28 =	vld [tilespmem:s12+$0xAE90];
	v2 =	vbroadcast v2, $0xF  }
0xf4: {  	v0 =	vbroadcast v0, $0xF;
	v29 =	vld [tilespmem:s12+$0xAEA0]  }
0xf5: {  	v1 =	vbroadcast v1, $0xF;
	v30 =	vld [tilespmem:s12+$0xAEB0];
	v2 =	vnsel vm0, $0x0, v2;
	v7, _, _ =	vpop (xrf2)  }
0xf6: {  	v31 =	vld [tilespmem:s12+$0xAEC0];
	v0 =	vsel vm1, v2, v0;
	v2 =	vbroadcast v7, $0xF  }
0xf7: {  	v32 =	vld [tilespmem:s12+$0x9A80];
	v0 =	vsel vm2, v0, v1;
	v1 =	vbroadcast v6, $0xF  }
0xf8: {  	v33 =	vld [tilespmem:s12+$0x9A90];
	v0 =	vsel vm3, v0, v2;
	v2 =	vbroadcast v5, $0xF;
	v5, _, _ =	vpop (xrf2)  }
0xf9: {  	v34 =	vld [tilespmem:s12+$0x9AA0];
	v0 =	vsel vm4, v0, v1;
	v1 =	vbroadcast v5, $0xF  }
0xfa: {  	v35 =	vld [tilespmem:s12+$0x9AB0];
	v0 =	vsel vm5, v0, v2;
	v2 =	vbroadcast v12, $0xF  }
0xfb: {  	v12 =	vld [tilespmem:s12+$0x9AC0];
	v0 =	vsel vm6, v0, v1;
	v1 =	vbroadcast v25, $0xF  }
0xfc: {  	v25 =	vld [tilespmem:s12+$0x9AD0];
	v0 =	vsel vm7, v0, v2  }
0xfd: {  	v14 =	vld [tilespmem:s12+$0x2280];
	v0 =	vsel vm8, v0, v1  }
0xfe: {  	v13 =	vld [tilespmem:s12+$0x2290];
	[tilespmem:s9+$0x1B280] =	vst v0;
	s9 =	smov.u32 s12  }
0xff: {  	v8 =	vld [tilespmem:s9+$0x22A0]  }
0x100: {  	v7 =	vld [tilespmem:s9+$0x22B0]  }
0x101: {  	v6 =	vld [tilespmem:s9+$0x22C0]  }
0x102: {  	v2 =	vld [tilespmem:s9+$0x22D0]  }
0x103: {  	v1 =	vld [tilespmem:s9+$0x22E0]  }
0x104: {  	v0 =	vld [tilespmem:s9+$0x22F0]  }
0x105: {  	v19 =	vmul.f32 v19, v14;
	v36 =	vld [tilespmem:s9+$0x9AE0]  }
0x106: {  	v23 =	vmul.f32 v23, v13;
	v16 =	vmul.f32 v16, v8;
	v37 =	vld [tilespmem:s9+$0x9AF0]  }
0x107: {  	v20 =	vmul.f32 v20, v7;
	v17 =	vmul.f32 v17, v6;
	v38 =	vld [tilespmem:s9+$0x8680]  }
0x108: {  	v18 =	vmul.f32 v18, v2;
	v39 =	vld [tilespmem:s9+$0x8690];
	v40 =	vmul.f32 v9, v1  }
0x109: {  	v41 =	vmul.f32 v11, v14;
	v9 =	vld [tilespmem:s9+$0x86A0];
	v42 =	vmul.f32 v3, v0  }
0x10a: {  	v10 =	vmul.f32 v10, v13;
	v15 =	vmul.f32 v15, v8;
	v11 =	vld [tilespmem:s9+$0x86B0]  }
0x10b: {  	v44 =	vmul.f32 v4, v7;
	v21 =	vmul.f32 v21, v6;
	v43 =	vld [tilespmem:s9+$0x86C0]  }
0x10c: {  	v22 =	vmul.f32 v22, v2;
	v24 =	vmul.f32 v24, v1;
	v45 =	vld [tilespmem:s9+$0x86D0]  }
0x10d: {  	v27 =	vmul.f32 v27, v14;
	v26 =	vmul.f32 v26, v0;
	v46 =	vld [tilespmem:s9+$0x86E0]  }
0x10e: {  	v28 =	vmul.f32 v28, v13;
	v4 =	vmul.f32 v29, v8;
	v47 =	vld [tilespmem:s9+$0x86F0]  }
0x10f: {  	v5 =	vmul.f32 v30, v7;
	v3 =	vmul.f32 v31, v6;
	v29 =	vld [tilespmem:s9+$0x7280]  }
0x110: {  	v31 =	vmul.f32 v32, v14;
	v32 =	vmul.f32 v33, v13;
	v30 =	vld [tilespmem:s9+$0x7290]  }
0x111: {  	v34 =	vmul.f32 v34, v8;
	v35 =	vmul.f32 v35, v7;
	v33 =	vld [tilespmem:s9+$0x72A0]  }
0x112: {  	v49 =	vmul.f32 v12, v6;
	v25 =	vmul.f32 v25, v2;
	v48 =	vld [tilespmem:s9+$0x72B0]  }
0x113: {  	v36 =	vmul.f32 v36, v1;
	v37 =	vmul.f32 v37, v0;
	v50 =	vld [tilespmem:s9+$0x72C0]  }
0x114: {  	v38 =	vmul.f32 v38, v14;
	v39 =	vmul.f32 v39, v13;
	v51 =	vld [tilespmem:s9+$0x5E80]  }
0x115: {  	v53 =	vmul.f32 v9, v8;
	v54 =	vmul.f32 v11, v7;
	v52 =	vld [tilespmem:s9+$0x5E90]  }
0x116: {  	v43 =	vmul.f32 v43, v6;
	v45 =	vmul.f32 v45, v2;
	v55 =	vld [tilespmem:s9+$0x5EA0]  }
0x117: {  	v46 =	vmul.f32 v46, v1;
	v47 =	vmul.f32 v47, v0;
	v56 =	vld [tilespmem:s9+$0x5EB0]  }
0x118: {  	v29 =	vmul.f32 v29, v14;
	v30 =	vmul.f32 v30, v13;
	v57 =	vld [tilespmem:s9+$0x5EC0]  }
0x119: {  	v11 =	vmul.f32 v33, v8;
	v12 =	vmul.f32 v48, v7;
	v58 =	vld [tilespmem:s9+$0x5ED0]  }
0x11a: {  	v9 =	vmul.f32 v50, v6;
	v33 =	vmul.f32 v51, v14;
	v48 =	vld [tilespmem:s9+$0x5EE0]  }
0x11b: {  	v19 =	vadd.f32 v23, v19;
	v50 =	vmul.f32 v52, v13;
	v51 =	vmul.f32 v55, v8;
	v52 =	vld [tilespmem:s9+$0x5EF0]  }
0x11c: {  	v20 =	vadd.f32 v20, v16;
	v18 =	vadd.f32 v18, v17;
	v23 =	vld [tilespmem:s9+$0x4A80];
	v55 =	vmul.f32 v56, v7  }
0x11d: {  	v41 =	vadd.f32 v10, v41;
	v40 =	vadd.f32 v42, v40;
	v17 =	vld [tilespmem:s9+$0x4A90];
	v56 =	vmul.f32 v57, v6  }
0x11e: {  	v15 =	vadd.f32 v44, v15;
	v44 =	vadd.f32 v22, v21;
	v42 =	vld [tilespmem:s9+$0x4AA0];
	v57 =	vmul.f32 v58, v2  }
0x11f: {  	v10 =	vadd.f32 v28, v27;
	v26 =	vadd.f32 v26, v24;
	v21 =	vld [tilespmem:s9+$0x4AB0];
	v48 =	vmul.f32 v48, v1  }
0x120: {  	v34 =	vadd.f32 v35, v34;
	v32 =	vadd.f32 v32, v31;
	v27 =	vld [tilespmem:s9+$0x4AC0];
	v52 =	vmul.f32 v52, v0  }
0x121: {  	v35 =	vadd.f32 v25, v49;
	v36 =	vadd.f32 v37, v36;
	v16 =	vmul.f32 v23, v14;
	v31 =	vld [tilespmem:s9+$0x4AD0]  }
0x122: {  	v20 =	vadd.f32 v20, v19;
	v28 =	vadd.f32 v40, v18;
	v17 =	vmul.f32 v17, v13;
	v25 =	vld [tilespmem:s9+$0x4AE0]  }
0x123: {  	v22 =	vadd.f32 v39, v38;
	v23 =	vadd.f32 v54, v53;
	v18 =	vmul.f32 v42, v8;
	v37 =	vld [tilespmem:s9+$0x4AF0]  }
0x124: {  	v20 =	vadd.f32 v28, v20;
	v24 =	vadd.f32 v45, v43;
	v38 =	vld [tilespmem:s9+$0x3680];
	v19 =	vmul.f32 v21, v7  }
0x125: {  	v40 =	vadd.f32 v15, v41;
	v41 =	vadd.f32 v26, v44;
	v39 =	vld [tilespmem:s9+$0x3690];
	v21 =	vmul.f32 v27, v6  }
.Ltmp0:
0x126: {  	v15 =	vadd.f32 v30, v29;
	v29 =	vadd.f32 v47, v46;
	v28 =	vld [tilespmem:s9+$0x36A0];
	v26 =	vmul.f32 v31, v2;
	(xrf2) =	vadd.scan.msk.f32 $0xffff, v20;
	(pc) =	sbr.rel @p1 .LBB2_3-.Ltmp0, $4  }
0x127: {  	v40 =	vadd.f32 v41, v40;
	v27 =	vadd.f32 v50, v33;
	v31 =	vld [tilespmem:s9+$0x36B0];
	v20 =	vmul.f32 v25, v1  }
0x128: {  	v41 =	vadd.f32 v34, v32;
	v35 =	vadd.f32 v36, v35;
	v30 =	vld [tilespmem:s9+$0x36C0];
	v25 =	vmul.f32 v37, v0  }
0x129: {  	v34 =	vadd.f32 v57, v56;
	v33 =	vadd.f32 v55, v51;
	v14 =	vmul.f32 v38, v14;
	v32 =	vld [tilespmem:s9+$0x36D0];
	(xrf2) =	vadd.scan.msk.f32 $0xffff, v40  }
0x12a: {  	s11 =	sadd.s32 $0x200, s11;
	v35 =	vadd.f32 v35, v41;
	v37 =	vadd.f32 v52, v48;
	v13 =	vmul.f32 v39, v13;
	v36 =	vld [tilespmem:s9+$0x36E0]  }
0x12b: {  	v22 =	vadd.f32 v23, v22;
	v23 =	vadd.f32 v29, v24  }
0x12c: {  	v8 =	vmul.f32 v28, v8;
	v28 =	vld [tilespmem:s9+$0x36F0];
	v16 =	vadd.f32 v17, v16;
	v17 =	vadd.f32 v19, v18  }
0x12d: {  	v18 =	vld [tilespmem:s9+$0x72D0];
	v19 =	vadd.f32 v26, v21;
	v24 =	vadd.f32 v33, v27  }
0x12e: {  	v21 =	vld [tilespmem:s9+$0x72E0];
	v11 =	vadd.f32 v12, v11;
	v7 =	vmul.f32 v31, v7;
	v26 =	vadd.f32 v37, v34  }
0x12f: {  	v27 =	vld [tilespmem:s9+$0x72F0];
	v13 =	vadd.f32 v13, v14;
	v14 =	vadd.f32 v25, v20;
	v6 =	vmul.f32 v30, v6  }
0x130: {  	v20 =	vld [tilespmem:s9+$0xAED0];
	v22 =	vadd.f32 v23, v22;
	v16 =	vadd.f32 v17, v16;
	v23 =	vmul.f32 v32, v2  }
0x131: {  	v7 =	vadd.f32 v7, v8;
	v8 =	vadd.f32 v26, v24;
	v24 =	vld [tilespmem:s9+$0xAEE0];
	v29 =	vmul.f32 v36, v1  }
0x132: {  	v14 =	vadd.f32 v14, v19;
	v25 =	vmul.f32 v28, v0;
	v17 =	vmul.f32 v18, v2;
	v18 =	vld [tilespmem:s9+$0xAEF0]  }
0x133: {  	v4 =	vadd.f32 v5, v4;
	v6 =	vadd.f32 v23, v6;
	v21 =	vmul.f32 v21, v1  }
0x134: {  	v14 =	vadd.f32 v14, v16;
	v16 =	vmul.f32 v27, v0;
	v19 =	vadd.f32 v25, v29  }
0x135: {  	v7 =	vadd.f32 v7, v13;
	v9 =	vadd.f32 v17, v9  }
0x136: {  	(xrf2) =	vadd.scan.msk.f32 $0xffff, v35;
	v2 =	vmul.f32 v20, v2;
	v12 =	vadd.f32 v16, v21;
	v6 =	vadd.f32 v19, v6  }
0x137: {  	v5 =	vadd.f32 v11, v15;
	(xrf2) =	vadd.scan.msk.f32 $0xffff, v22;
	v1 =	vmul.f32 v24, v1;
	v0 =	vmul.f32 v18, v0  }
0x138: {  	(xrf2) =	vadd.scan.msk.f32 $0xffff, v8;
	v6 =	vadd.f32 v6, v7;
	v7 =	vadd.f32 v12, v9  }
0x139: {  	(xrf2) =	vadd.scan.msk.f32 $0xffff, v14;
	v2 =	vadd.f32 v2, v3;
	v0 =	vadd.f32 v0, v1  }
0x13a: {  	(xrf2) =	vadd.scan.msk.f32 $0xffff, v6;
	v1 =	vadd.f32 v7, v5  }
0x13b: {  	v3 =	vadd.f32 v4, v10;
	v0 =	vadd.f32 v0, v2;
	_ =	sdelay $0x1  }
0x13c: {  	v0 =	vadd.f32 v0, v3  }
0x13d: {  	(xrf2) =	vadd.scan.msk.f32 $0xffff, v1;
	v1, _, _ =	vpop (xrf2)  }
0x13e: {  	v2, _, _ =	vpop (xrf2)  }
0x13f: {  	v3, _, _ =	vpop (xrf2)  }
0x140: {  	(xrf2) =	vadd.scan.msk.f32 $0xffff, v0;
	v0, _, _ =	vpop (xrf2)  }
0x141: {  	v4, _, _ =	vpop (xrf2)  }
0x142: {  	v5, _, _ =	vpop (xrf2)  }
0x143: {  	v6, _, _ =	vpop (xrf2)  }
0x144: {  	v6 =	vbroadcast v6, $0xF  }
0x145: {  	v5 =	vbroadcast v5, $0xF  }
0x146: {  	v6 =	vnsel vm0, $0x0, v6  }
0x147: {  	v4 =	vbroadcast v4, $0xF;
	v7, _, _ =	vpop (xrf2);
	v5 =	vsel vm1, v6, v5  }
0x148: {  	v6 =	vbroadcast v7, $0xF  }
0x149: {  	v0 =	vbroadcast v0, $0xF;
	v4 =	vsel vm2, v5, v4  }
0x14a: {  	v3 =	vbroadcast v3, $0xF;
	v4 =	vsel vm3, v4, v6;
	v5, _, _ =	vpop (xrf2)  }
0x14b: {  	s10 =	sadd.s32 s15, s10;
	v0 =	vsel vm4, v4, v0;
	v4 =	vbroadcast v5, $0xF  }
0x14c: {  	s10 =	smul.u32 $0x280, s10;
	v2 =	vbroadcast v2, $0xF;
	v0 =	vsel vm5, v0, v3  }
0x14d: {  	p1 =	seq.s32 s7, $0xA;
	v1 =	vbroadcast v1, $0xF;
	v0 =	vsel vm6, v0, v4  }
0x14e: {  	s12 =	sadd.s32 s4, s10;
	s10 =	smul.u32 @!p1 $0x140, s7;
	v0 =	vsel vm7, v0, v2  }
0x14f: {  	v0 =	vsel vm8, v0, v1  }
0x150: {  	[tilespmem:s9+$0x1B280] =	vst v0;
	s9 =	sshra.s32 @!p1 s10, $0x2  }
0x151: {  	[hbm4b:s12+s3] =	stream.linear.scatter [tilespmem:s22], [sflag:$0x3], $0x1400, $0x38;
	[tilespmem:$0x1DA80] =	vst v63  }
0x152: {  	s11 =	simm.s32 @!p1 $0x28;
	s10 =	sadd.s32 @!p1 $0x50, s9;
	s12 =	simm.s32 @!p1 $0x2280  }
0x153: {  	[tilespmem:s12], [sflag:$0x1] =	stream.indirect.gather @!p1 [hbm4b:s2+s11], $0x80, s10, s11, $0xb8;
	[tilespmem:$0x1DA80] =	vst v63  }
0x154: {  	s10 =	sadd.s32 @!p1 $0x3C0, s9;
	s12 =	simm.s32 @!p1 $0x3680  }
0x155: {  	[tilespmem:s12], [sflag:$0x1] =	stream.indirect.gather @!p1 [hbm4b:s2+s11], $0x80, s10, s11, $0xb8;
	[tilespmem:$0x1DA80] =	vst v63  }
0x156: {  	s10 =	sadd.s32 @!p1 $0x730, s9;
	s12 =	simm.s32 @!p1 $0x4A80  }
0x157: {  	[tilespmem:s12], [sflag:$0x1] =	stream.indirect.gather @!p1 [hbm4b:s2+s11], $0x80, s10, s11, $0xb8;
	[tilespmem:$0x1DA80] =	vst v63  }
0x158: {  	s10 =	sadd.s32 @!p1 $0xAA0, s9;
	s12 =	simm.s32 @!p1 $0x5E80  }
0x159: {  	[tilespmem:s12], [sflag:$0x1] =	stream.indirect.gather @!p1 [hbm4b:s2+s11], $0x80, s10, s11, $0xb8;
	[tilespmem:$0x1DA80] =	vst v63  }
0x15a: {  	s10 =	sadd.s32 @!p1 $0xE10, s9;
	s12 =	simm.s32 @!p1 $0x7280  }
0x15b: {  	[tilespmem:s12], [sflag:$0x1] =	stream.indirect.gather @!p1 [hbm4b:s2+s11], $0x80, s10, s11, $0xb8;
	[tilespmem:$0x1DA80] =	vst v63  }
0x15c: {  	s10 =	sadd.s32 @!p1 $0x1180, s9;
	s12 =	simm.s32 @!p1 $0x8680  }
0x15d: {  	[tilespmem:s12], [sflag:$0x1] =	stream.indirect.gather @!p1 [hbm4b:s2+s11], $0x80, s10, s11, $0xb8;
	[tilespmem:$0x1DA80] =	vst v63  }
0x15e: {  	s10 =	sadd.s32 @!p1 $0x14F0, s9;
	s12 =	simm.s32 @!p1 $0x9A80  }
0x15f: {  	[tilespmem:s12], [sflag:$0x1] =	stream.indirect.gather @!p1 [hbm4b:s2+s11], $0x80, s10, s11, $0xb8;
	[tilespmem:$0x1DA80] =	vst v63  }
0x160: {  	s10 =	sadd.s32 @!p1 $0x1860, s9;
	s12 =	simm.s32 @!p1 $0xAE80  }
0x161: {  	[tilespmem:s12], [sflag:$0x1] =	stream.indirect.gather @!p1 [hbm4b:s2+s11], $0x80, s10, s11, $0xb8;
	[tilespmem:$0x1DA80] =	vst v63  }
0x162: {  	s10 =	sadd.s32 @!p1 $0x1BD0, s9;
	s12 =	simm.s32 @!p1 $0xC280  }
0x163: {  	[tilespmem:s12], [sflag:$0x1] =	stream.indirect.gather @!p1 [hbm4b:s2+s11], $0x80, s10, s11, $0xb8;
	[tilespmem:$0x1DA80] =	vst v63  }
0x164: {  	s9 =	sadd.s32 @!p1 $0x1F40, s9;
	s10 =	simm.s32 @!p1 $0xD680  }
0x165: {  	[tilespmem:s10], [sflag:$0x1] =	stream.indirect.gather @!p1 [hbm4b:s2+s11], $0x80, s9, s11, $0xb8;
	[tilespmem:$0x1DA80] =	vst v63  }
0x166: {  	_ =	swait.ge [sflag:s23], $0x1400  }
0x167: {  	[sflag:s23] =	ssyncset.done $0x0  }
0x168: {  	[sflag:s23] =	ssyncadd.s32 $0xFFFFEC00  }
0x169: {  	_ =	swait.ge [sflag:s23], $0x1400  }
0x16a: {  	[sflag:s23] =	ssyncset.done $0x0  }
0x16b: {  	[sflag:s23] =	ssyncadd.s32 $0xFFFFEC00  }
0x16c: {  	_ =	swait.ge [sflag:s23], $0x1400  }
0x16d: {  	[sflag:s23] =	ssyncset.done $0x0  }
0x16e: {  	[sflag:s23] =	ssyncadd.s32 $0xFFFFEC00  }
0x16f: {  	_ =	swait.ge [sflag:s23], $0x1400  }
0x170: {  	[sflag:s23] =	ssyncset.done $0x0  }
0x171: {  	[sflag:s23] =	ssyncadd.s32 $0xFFFFEC00  }
0x172: {  	_ =	swait.ge [sflag:s23], $0x1400  }
0x173: {  	[sflag:s23] =	ssyncset.done $0x0  }
0x174: {  	[sflag:s23] =	ssyncadd.s32 $0xFFFFEC00  }
0x175: {  	_ =	swait.ge [sflag:s23], $0x1400  }
0x176: {  	[sflag:s23] =	ssyncset.done $0x0  }
0x177: {  	[sflag:s23] =	ssyncadd.s32 $0xFFFFEC00  }
0x178: {  	_ =	swait.ge [sflag:s23], $0x1400  }
0x179: {  	[sflag:s23] =	ssyncset.done $0x0  }
0x17a: {  	[sflag:s23] =	ssyncadd.s32 $0xFFFFEC00  }
0x17b: {  	_ =	swait.ge [sflag:s23], $0x1400  }
0x17c: {  	[sflag:s23] =	ssyncset.done $0x0  }
0x17d: {  	[sflag:s23] =	ssyncadd.s32 $0xFFFFEC00  }
0x17e: {  	_ =	swait.ge [sflag:s23], $0x1400  }
0x17f: {  	[sflag:s23] =	ssyncset.done $0x0  }
0x180: {  	[sflag:s23] =	ssyncadd.s32 $0xFFFFEC00  }
0x181: {  	_ =	swait.ge [sflag:s23], $0x1400  }
0x182: {  	[sflag:s23] =	ssyncset.done $0x0  }
0x183: {  	s9 =	simm.s32 @!p0 $0x4;
	[sflag:s23] =	ssyncadd.s32 $0xFFFFEC00  }
0x184: {  	_ =	swait.ge @!p0 [sflag:s9], $0x1400  }
0x185: {  	[sflag:s9] =	ssyncset.done @!p0 $0x0  }
0x186: {  	[sflag:s9] =	ssyncadd.s32 @!p0 $0xFFFFEC00;
	s9 =	simm.s32 $0x0  }
0x187: {  	v3 =	vld [tilespmem:s9+$0x19E80]  }
0x188: {  	v4 =	vld [tilespmem:s9+$0x19E90]  }
0x189: {  	v5 =	vld [tilespmem:s9+$0x19EA0]  }
0x18a: {  	v9 =	vld [tilespmem:s9+$0x19EB0]  }
0x18b: {  	v10 =	vld [tilespmem:s9+$0x19EC0]  }
0x18c: {  	v11 =	vld [tilespmem:s9+$0x19ED0]  }
0x18d: {  	v12 =	vld [tilespmem:s9+$0x19EE0]  }
0x18e: {  	v15 =	vld [tilespmem:s9+$0x19EF0]  }
0x18f: {  	v16 =	vld [tilespmem:s9+$0x18A80]  }
0x190: {  	v17 =	vld [tilespmem:s9+$0x18A90]  }
0x191: {  	v18 =	vld [tilespmem:s9+$0x18AA0]  }
0x192: {  	v19 =	vld [tilespmem:s9+$0x18AB0]  }
0x193: {  	v20 =	vld [tilespmem:s9+$0x18AC0]  }
0x194: {  	v21 =	vld [tilespmem:s9+$0x18AD0]  }
0x195: {  	v22 =	vld [tilespmem:s9+$0x18AE0]  }
0x196: {  	v23 =	vld [tilespmem:s9+$0x18AF0]  }
0x197: {  	v24 =	vld [tilespmem:s9+$0x17680]  }
0x198: {  	v25 =	vld [tilespmem:s9+$0x17690]  }
0x199: {  	v26 =	vld [tilespmem:s9+$0x176A0]  }
0x19a: {  	v27 =	vld [tilespmem:s9+$0x176B0]  }
0x19b: {  	v28 =	vld [tilespmem:s9+$0x176C0]  }
0x19c: {  	v29 =	vld [tilespmem:s9+$0x16280]  }
0x19d: {  	v30 =	vld [tilespmem:s9+$0x16290]  }
0x19e: {  	v31 =	vld [tilespmem:s9+$0x162A0]  }
0x19f: {  	v58 =	vld [tilespmem:s9+$0x162B0]  }
0x1a0: {  	v59 =	vld [tilespmem:s9+$0x162C0]  }
0x1a1: {  	v61 =	vld [tilespmem:s9+$0x162D0]  }
0x1a2: {  	v14 =	vld [tilespmem:s9+$0xEA80]  }
0x1a3: {  	v13 =	vld [tilespmem:s9+$0xEA90]  }
0x1a4: {  	v8 =	vld [tilespmem:s9+$0xEAA0]  }
0x1a5: {  	v7 =	vld [tilespmem:s9+$0xEAB0]  }
0x1a6: {  	v6 =	vld [tilespmem:s9+$0xEAC0]  }
0x1a7: {  	v2 =	vld [tilespmem:s9+$0xEAD0]  }
0x1a8: {  	v1 =	vld [tilespmem:s9+$0xEAE0]  }
0x1a9: {  	v0 =	vld [tilespmem:s9+$0xEAF0]  }
0x1aa: {  	v62 =	vld [tilespmem:s9+$0x162E0]  }
0x1ab: {  	v60 =	vld [tilespmem:s9+$0x162F0]  }
0x1ac: {  	v40 =	vld [tilespmem:s9+$0x14E80]  }
0x1ad: {  	v44 =	vld [tilespmem:s9+$0x14EC0];
	v63 =	vmul.f32 v3, v14;
	v38 =	vmul.f32 v4, v13  }
0x1ae: {  	v45 =	vld [tilespmem:s9+$0x14ED0];
	v39 =	vmul.f32 v5, v8;
	v41 =	vmul.f32 v9, v7  }
0x1af: {  	v46 =	vld [tilespmem:s9+$0x14EE0];
	v10 =	vmul.f32 v10, v6;
	v42 =	vmul.f32 v11, v2  }
0x1b0: {  	v47 =	vld [tilespmem:s9+$0x14EF0];
	v43 =	vmul.f32 v12, v1;
	v16 =	vmul.f32 v16, v14  }
0x1b1: {  	v48 =	vld [tilespmem:s9+$0x13AB0];
	v15 =	vmul.f32 v15, v0;
	v17 =	vmul.f32 v17, v13  }
0x1b2: {  	v49 =	vld [tilespmem:s9+$0x13AC0];
	v18 =	vmul.f32 v18, v8;
	v19 =	vmul.f32 v19, v7  }
0x1b3: {  	v50 =	vld [tilespmem:s9+$0x12680];
	v20 =	vmul.f32 v20, v6;
	v21 =	vmul.f32 v21, v2  }
0x1b4: {  	v52 =	vld [tilespmem:s9+$0x12690];
	v22 =	vmul.f32 v22, v1;
	v24 =	vmul.f32 v24, v14  }
0x1b5: {  	v55 =	vld [tilespmem:s9+$0x126A0];
	v23 =	vmul.f32 v23, v0;
	v25 =	vmul.f32 v25, v13  }
0x1b6: {  	v56 =	vld [tilespmem:s9+$0x126B0];
	v4 =	vmul.f32 v26, v8;
	v5 =	vmul.f32 v27, v7  }
0x1b7: {  	v57 =	vld [tilespmem:s9+$0x126C0];
	v3 =	vmul.f32 v28, v6;
	v28 =	vmul.f32 v29, v14  }
0x1b8: {  	v9 =	vld [tilespmem:s9+$0x14E90];
	v29 =	vmul.f32 v30, v13;
	v31 =	vmul.f32 v31, v8  }
0x1b9: {  	v11 =	vld [tilespmem:s9+$0x14EA0];
	v32 =	vmul.f32 v58, v7;
	v33 =	vmul.f32 v59, v6  }
0x1ba: {  	v12 =	vld [tilespmem:s9+$0x14EB0];
	v34 =	vmul.f32 v61, v2;
	v35 =	vmul.f32 v62, v1  }
0x1bb: {  	v26 =	vld [tilespmem:s9+$0x13A80];
	v37 =	vmul.f32 v60, v0;
	v40 =	vmul.f32 v40, v14;
	v36 =	vadd.f32 v38, v63  }
0x1bc: {  	v27 =	vld [tilespmem:s9+$0x13A90];
	v44 =	vmul.f32 v44, v6;
	v39 =	vadd.f32 v41, v39;
	v41 =	vadd.f32 v42, v10  }
0x1bd: {  	v30 =	vld [tilespmem:s9+$0x13AA0];
	v45 =	vmul.f32 v45, v2;
	v15 =	vadd.f32 v15, v43;
	v20 =	vadd.f32 v21, v20  }
0x1be: {  	v46 =	vmul.f32 v46, v1;
	v61 =	vld [tilespmem:s9+$0x126E0];
	v10 =	vadd.f32 v25, v24;
	v25 =	vadd.f32 v23, v22  }
0x1bf: {  	v47 =	vmul.f32 v47, v0;
	v62 =	vld [tilespmem:s9+$0x126F0];
	v60 =	vadd.f32 v29, v28;
	v32 =	vadd.f32 v32, v31  }
0x1c0: {  	v38 =	vld [tilespmem:s9+$0x11280];
	v33 =	vadd.f32 v34, v33;
	v51 =	vmul.f32 v9, v13;
	v53 =	vmul.f32 v11, v8  }
0x1c1: {  	v42 =	vld [tilespmem:s9+$0x11290];
	v34 =	vadd.f32 v37, v35;
	v54 =	vmul.f32 v12, v7;
	v58 =	vmul.f32 v26, v14  }
0x1c2: {  	v43 =	vld [tilespmem:s9+$0x112A0];
	v24 =	vadd.f32 v45, v44;
	v27 =	vmul.f32 v27, v13;
	v11 =	vmul.f32 v30, v8  }
0x1c3: {  	v28 =	vadd.f32 v39, v36;
	v26 =	vld [tilespmem:s9+$0x126D0];
	v12 =	vmul.f32 v48, v7;
	v30 =	vmul.f32 v50, v14  }
0x1c4: {  	v21 =	vld [tilespmem:s9+$0x112C0];
	v15 =	vadd.f32 v15, v41;
	v9 =	vmul.f32 v49, v6;
	v49 =	vmul.f32 v52, v13  }
0x1c5: {  	v29 =	vld [tilespmem:s9+$0x112D0];
	v25 =	vadd.f32 v25, v20;
	v50 =	vmul.f32 v55, v8;
	v55 =	vmul.f32 v56, v7  }
0x1c6: {  	v35 =	vld [tilespmem:s9+$0x112E0];
	v32 =	vadd.f32 v32, v60;
	v56 =	vmul.f32 v57, v6;
	v48 =	vmul.f32 v61, v1  }
0x1c7: {  	v57 =	vadd.f32 v17, v16;
	v52 =	vmul.f32 v62, v0;
	v61 =	vld [tilespmem:s9+$0xFE90];
	v16 =	vmul.f32 v38, v14  }
0x1c8: {  	v63 =	vld [tilespmem:s9+$0x112F0];
	v22 =	vadd.f32 v51, v40;
	v59 =	vmul.f32 v26, v2;
	v26 =	vadd.f32 v19, v18  }
0x1c9: {  	v17 =	vmul.f32 v42, v13;
	v23 =	vadd.f32 v54, v53;
	v53 =	vld [tilespmem:s9+$0xFE80];
	v54 =	vadd.f32 v15, v28  }
0x1ca: {  	v21 =	vmul.f32 v21, v6;
	v15 =	vadd.f32 v27, v58;
	v19 =	vld [tilespmem:s9+$0x112B0];
	v62 =	vadd.f32 v26, v57  }
0x1cb: {  	v28 =	vld [tilespmem:s9+$0xFEA0];
	v20 =	vmul.f32 v35, v1;
	v27 =	vadd.f32 v49, v30;
	v37 =	vadd.f32 v52, v48;
	(xrf2) =	vadd.scan.msk.f32 $0xffff, v54  }
0x1cc: {  	v31 =	vld [tilespmem:s9+$0xFEB0];
	v18 =	vmul.f32 v43, v8;
	v13 =	vmul.f32 v61, v13;
	v40 =	vadd.f32 v25, v62  }
0x1cd: {  	v30 =	vld [tilespmem:s9+$0xFEC0];
	v26 =	vmul.f32 v29, v2;
	v25 =	vmul.f32 v63, v0;
	v63 =	vadd.f32 v34, v33  }
0x1ce: {  	v29 =	vadd.f32 v47, v46;
	v14 =	vmul.f32 v53, v14;
	v35 =	vadd.f32 v59, v56;
	v33 =	vld [tilespmem:s9+$0xFED0];
	(xrf2) =	vadd.scan.msk.f32 $0xffff, v40  }
0x1cf: {  	s10 =	simm.s32 $0x200;
	v36 =	vld [tilespmem:s9+$0xFEE0];
	v34 =	vadd.f32 v55, v50;
	v19 =	vmul.f32 v19, v7;
	v32 =	vadd.f32 v63, v32  }
.LBB2_5:
0x1d0: {  	p0 =	sne.s32 s10, $0x4E00;
	v8 =	vmul.f32 v28, v8;
	v28 =	vld [tilespmem:s9+$0xFEF0];
	v22 =	vadd.f32 v23, v22;
	v23 =	vadd.f32 v29, v24  }
0x1d1: {  	v16 =	vadd.f32 v17, v16;
	v17 =	vadd.f32 v19, v18;
	v7 =	vmul.f32 v31, v7;
	v18 =	vld [tilespmem:s9+$0x13AD0];
	(xrf2) =	vadd.scan.msk.f32 $0xffff, v32  }
0x1d2: {  	v19 =	vadd.f32 v26, v21;
	v6 =	vmul.f32 v30, v6;
	v21 =	vld [tilespmem:s9+$0x13AE0];
	v22 =	vadd.f32 v23, v22  }
0x1d3: {  	v24 =	vadd.f32 v34, v27;
	v26 =	vadd.f32 v37, v35;
	v23 =	vmul.f32 v33, v2;
	v27 =	vld [tilespmem:s9+$0x13AF0]  }
0x1d4: {  	v13 =	vadd.f32 v13, v14;
	v14 =	vadd.f32 v25, v20;
	v29 =	vmul.f32 v36, v1;
	v20 =	vld [tilespmem:s9+$0x176D0];
	(xrf2) =	vadd.scan.msk.f32 $0xffff, v22  }
0x1d5: {  	v7 =	vadd.f32 v7, v8;
	v8 =	vadd.f32 v26, v24;
	v22 =	vmul.f32 v28, v0;
	v24 =	vld [tilespmem:s9+$0x176E0];
	v25, _, _ =	vpop (xrf2)  }
0x1d6: {  	s11 =	sshra.s32 s10, $0x2;
	v16 =	vadd.f32 v17, v16;
	v14 =	vadd.f32 v14, v19;
	v17 =	vmul.f32 v18, v2;
	v18 =	vld [tilespmem:s9+$0x176F0]  }
0x1d7: {  	v6 =	vadd.f32 v23, v6;
	v19 =	vld [tilespmem:s11+$0x19E80];
	v22 =	vadd.f32 v22, v29;
	v21 =	vmul.f32 v21, v1;
	(xrf2) =	vadd.scan.msk.f32 $0xffff, v8  }
0x1d8: {  	v11 =	vadd.f32 v12, v11;
	v8 =	vadd.f32 v14, v16;
	v23 =	vld [tilespmem:s11+$0x19E90];
	v14 =	vmul.f32 v27, v0;
	v12, _, _ =	vpop (xrf2)  }
0x1d9: {  	v7 =	vadd.f32 v7, v13;
	v16 =	vld [tilespmem:s11+$0x19EA0];
	v6 =	vadd.f32 v22, v6;
	v2 =	vmul.f32 v20, v2  }
0x1da: {  	v9 =	vadd.f32 v17, v9;
	v20 =	vld [tilespmem:s11+$0x19EB0];
	v13 =	vadd.f32 v14, v21;
	v1 =	vmul.f32 v24, v1;
	(xrf2) =	vadd.scan.msk.f32 $0xffff, v8  }
0x1db: {  	v4 =	vadd.f32 v5, v4;
	v17 =	vld [tilespmem:s11+$0x19EC0];
	v14 =	vadd.f32 v6, v7;
	v0 =	vmul.f32 v18, v0;
	v5, _, _ =	vpop (xrf2)  }
0x1dc: {  	v7 =	vadd.f32 v11, v15;
	v18 =	vld [tilespmem:s11+$0x19ED0];
	v8 =	vadd.f32 v13, v9  }
0x1dd: {  	v2 =	vadd.f32 v2, v3;
	v9 =	vld [tilespmem:s11+$0x19EE0];
	v0 =	vadd.f32 v0, v1;
	(xrf2) =	vadd.scan.msk.f32 $0xffff, v14  }
0x1de: {  	v3 =	vld [tilespmem:s11+$0x19EF0];
	v7 =	vadd.f32 v8, v7;
	v6, _, _ =	vpop (xrf2)  }
0x1df: {  	v4 =	vadd.f32 v4, v10;
	v11 =	vld [tilespmem:s11+$0x18A80];
	v0 =	vadd.f32 v0, v2  }
0x1e0: {  	v10 =	vld [tilespmem:s11+$0x18A90];
	(xrf2) =	vadd.scan.msk.f32 $0xffff, v7  }
0x1e1: {  	v15 =	vld [tilespmem:s11+$0x18AA0];
	v2 =	vadd.f32 v0, v4;
	v1, _, _ =	vpop (xrf2)  }
0x1e2: {  	v4 =	vld [tilespmem:s11+$0x18AB0]  }
0x1e3: {  	v21 =	vld [tilespmem:s11+$0x18AC0];
	(xrf2) =	vadd.scan.msk.f32 $0xffff, v2  }
0x1e4: {  	v22 =	vld [tilespmem:s11+$0x18AD0];
	v0, _, _ =	vpop (xrf2)  }
0x1e5: {  	v24 =	vld [tilespmem:s11+$0x18AE0]  }
0x1e6: {  	v26 =	vld [tilespmem:s11+$0x18AF0]  }
0x1e7: {  	v27 =	vld [tilespmem:s11+$0x17680];
	v2, _, _ =	vpop (xrf2)  }
0x1e8: {  	v28 =	vld [tilespmem:s11+$0x17690];
	v2 =	vbroadcast v2, $0xF  }
0x1e9: {  	v0 =	vbroadcast v0, $0xF;
	v29 =	vld [tilespmem:s11+$0x176A0]  }
0x1ea: {  	v1 =	vbroadcast v1, $0xF;
	v30 =	vld [tilespmem:s11+$0x176B0];
	v2 =	vnsel vm0, $0x0, v2;
	v7, _, _ =	vpop (xrf2)  }
0x1eb: {  	v31 =	vld [tilespmem:s11+$0x176C0];
	v0 =	vsel vm1, v2, v0;
	v2 =	vbroadcast v7, $0xF  }
0x1ec: {  	v32 =	vld [tilespmem:s11+$0x16280];
	v0 =	vsel vm2, v0, v1;
	v1 =	vbroadcast v6, $0xF  }
0x1ed: {  	v33 =	vld [tilespmem:s11+$0x16290];
	v0 =	vsel vm3, v0, v2;
	v2 =	vbroadcast v5, $0xF;
	v5, _, _ =	vpop (xrf2)  }
0x1ee: {  	v34 =	vld [tilespmem:s11+$0x162A0];
	v0 =	vsel vm4, v0, v1;
	v1 =	vbroadcast v5, $0xF  }
0x1ef: {  	v35 =	vld [tilespmem:s11+$0x162B0];
	v0 =	vsel vm5, v0, v2;
	v2 =	vbroadcast v12, $0xF  }
0x1f0: {  	v12 =	vld [tilespmem:s11+$0x162C0];
	v0 =	vsel vm6, v0, v1;
	v1 =	vbroadcast v25, $0xF  }
0x1f1: {  	v25 =	vld [tilespmem:s11+$0x162D0];
	v0 =	vsel vm7, v0, v2  }
0x1f2: {  	v14 =	vld [tilespmem:s11+$0xEA80];
	v0 =	vsel vm8, v0, v1  }
0x1f3: {  	v13 =	vld [tilespmem:s11+$0xEA90];
	[tilespmem:s9+$0x1C680] =	vst v0;
	s9 =	smov.u32 s11  }
0x1f4: {  	v8 =	vld [tilespmem:s9+$0xEAA0]  }
0x1f5: {  	v7 =	vld [tilespmem:s9+$0xEAB0]  }
0x1f6: {  	v6 =	vld [tilespmem:s9+$0xEAC0]  }
0x1f7: {  	v2 =	vld [tilespmem:s9+$0xEAD0]  }
0x1f8: {  	v1 =	vld [tilespmem:s9+$0xEAE0]  }
0x1f9: {  	v0 =	vld [tilespmem:s9+$0xEAF0]  }
0x1fa: {  	v19 =	vmul.f32 v19, v14;
	v36 =	vld [tilespmem:s9+$0x162E0]  }
0x1fb: {  	v23 =	vmul.f32 v23, v13;
	v16 =	vmul.f32 v16, v8;
	v37 =	vld [tilespmem:s9+$0x162F0]  }
0x1fc: {  	v20 =	vmul.f32 v20, v7;
	v17 =	vmul.f32 v17, v6;
	v38 =	vld [tilespmem:s9+$0x14E80]  }
0x1fd: {  	v18 =	vmul.f32 v18, v2;
	v39 =	vld [tilespmem:s9+$0x14E90];
	v40 =	vmul.f32 v9, v1  }
0x1fe: {  	v41 =	vmul.f32 v11, v14;
	v9 =	vld [tilespmem:s9+$0x14EA0];
	v42 =	vmul.f32 v3, v0  }
0x1ff: {  	v10 =	vmul.f32 v10, v13;
	v15 =	vmul.f32 v15, v8;
	v11 =	vld [tilespmem:s9+$0x14EB0]  }
0x200: {  	v44 =	vmul.f32 v4, v7;
	v21 =	vmul.f32 v21, v6;
	v43 =	vld [tilespmem:s9+$0x14EC0]  }
0x201: {  	v22 =	vmul.f32 v22, v2;
	v24 =	vmul.f32 v24, v1;
	v45 =	vld [tilespmem:s9+$0x14ED0]  }
0x202: {  	v27 =	vmul.f32 v27, v14;
	v26 =	vmul.f32 v26, v0;
	v46 =	vld [tilespmem:s9+$0x14EE0]  }
0x203: {  	v28 =	vmul.f32 v28, v13;
	v4 =	vmul.f32 v29, v8;
	v47 =	vld [tilespmem:s9+$0x14EF0]  }
0x204: {  	v5 =	vmul.f32 v30, v7;
	v3 =	vmul.f32 v31, v6;
	v29 =	vld [tilespmem:s9+$0x13A80]  }
0x205: {  	v31 =	vmul.f32 v32, v14;
	v32 =	vmul.f32 v33, v13;
	v30 =	vld [tilespmem:s9+$0x13A90]  }
0x206: {  	v34 =	vmul.f32 v34, v8;
	v35 =	vmul.f32 v35, v7;
	v33 =	vld [tilespmem:s9+$0x13AA0]  }
0x207: {  	v49 =	vmul.f32 v12, v6;
	v25 =	vmul.f32 v25, v2;
	v48 =	vld [tilespmem:s9+$0x13AB0]  }
0x208: {  	v36 =	vmul.f32 v36, v1;
	v37 =	vmul.f32 v37, v0;
	v50 =	vld [tilespmem:s9+$0x13AC0]  }
0x209: {  	v38 =	vmul.f32 v38, v14;
	v39 =	vmul.f32 v39, v13;
	v51 =	vld [tilespmem:s9+$0x12680]  }
0x20a: {  	v53 =	vmul.f32 v9, v8;
	v54 =	vmul.f32 v11, v7;
	v52 =	vld [tilespmem:s9+$0x12690]  }
0x20b: {  	v43 =	vmul.f32 v43, v6;
	v45 =	vmul.f32 v45, v2;
	v55 =	vld [tilespmem:s9+$0x126A0]  }
0x20c: {  	v46 =	vmul.f32 v46, v1;
	v47 =	vmul.f32 v47, v0;
	v56 =	vld [tilespmem:s9+$0x126B0]  }
0x20d: {  	v29 =	vmul.f32 v29, v14;
	v30 =	vmul.f32 v30, v13;
	v57 =	vld [tilespmem:s9+$0x126C0]  }
0x20e: {  	v11 =	vmul.f32 v33, v8;
	v12 =	vmul.f32 v48, v7;
	v58 =	vld [tilespmem:s9+$0x126D0]  }
0x20f: {  	v9 =	vmul.f32 v50, v6;
	v33 =	vmul.f32 v51, v14;
	v48 =	vld [tilespmem:s9+$0x126E0]  }
0x210: {  	v19 =	vadd.f32 v23, v19;
	v50 =	vmul.f32 v52, v13;
	v51 =	vmul.f32 v55, v8;
	v52 =	vld [tilespmem:s9+$0x126F0]  }
0x211: {  	v20 =	vadd.f32 v20, v16;
	v18 =	vadd.f32 v18, v17;
	v23 =	vld [tilespmem:s9+$0x11280];
	v55 =	vmul.f32 v56, v7  }
0x212: {  	v41 =	vadd.f32 v10, v41;
	v40 =	vadd.f32 v42, v40;
	v17 =	vld [tilespmem:s9+$0x11290];
	v56 =	vmul.f32 v57, v6  }
0x213: {  	v15 =	vadd.f32 v44, v15;
	v44 =	vadd.f32 v22, v21;
	v42 =	vld [tilespmem:s9+$0x112A0];
	v57 =	vmul.f32 v58, v2  }
0x214: {  	v10 =	vadd.f32 v28, v27;
	v26 =	vadd.f32 v26, v24;
	v21 =	vld [tilespmem:s9+$0x112B0];
	v48 =	vmul.f32 v48, v1  }
0x215: {  	v34 =	vadd.f32 v35, v34;
	v32 =	vadd.f32 v32, v31;
	v27 =	vld [tilespmem:s9+$0x112C0];
	v52 =	vmul.f32 v52, v0  }
0x216: {  	v35 =	vadd.f32 v25, v49;
	v36 =	vadd.f32 v37, v36;
	v16 =	vmul.f32 v23, v14;
	v31 =	vld [tilespmem:s9+$0x112D0]  }
0x217: {  	v20 =	vadd.f32 v20, v19;
	v28 =	vadd.f32 v40, v18;
	v17 =	vmul.f32 v17, v13;
	v25 =	vld [tilespmem:s9+$0x112E0]  }
0x218: {  	v22 =	vadd.f32 v39, v38;
	v23 =	vadd.f32 v54, v53;
	v18 =	vmul.f32 v42, v8;
	v37 =	vld [tilespmem:s9+$0x112F0]  }
0x219: {  	v20 =	vadd.f32 v28, v20;
	v24 =	vadd.f32 v45, v43;
	v38 =	vld [tilespmem:s9+$0xFE80];
	v19 =	vmul.f32 v21, v7  }
0x21a: {  	v40 =	vadd.f32 v15, v41;
	v41 =	vadd.f32 v26, v44;
	v39 =	vld [tilespmem:s9+$0xFE90];
	v21 =	vmul.f32 v27, v6  }
.Ltmp1:
0x21b: {  	v15 =	vadd.f32 v30, v29;
	v29 =	vadd.f32 v47, v46;
	v28 =	vld [tilespmem:s9+$0xFEA0];
	v26 =	vmul.f32 v31, v2;
	(xrf2) =	vadd.scan.msk.f32 $0xffff, v20;
	(pc) =	sbr.rel @p0 .LBB2_5-.Ltmp1, $4  }
0x21c: {  	v40 =	vadd.f32 v41, v40;
	v27 =	vadd.f32 v50, v33;
	v31 =	vld [tilespmem:s9+$0xFEB0];
	v20 =	vmul.f32 v25, v1  }
0x21d: {  	v32 =	vadd.f32 v34, v32;
	v41 =	vadd.f32 v36, v35;
	v30 =	vld [tilespmem:s9+$0xFEC0];
	v25 =	vmul.f32 v37, v0  }
0x21e: {  	v34 =	vadd.f32 v55, v51;
	v35 =	vadd.f32 v57, v56;
	v14 =	vmul.f32 v38, v14;
	v33 =	vld [tilespmem:s9+$0xFED0];
	(xrf2) =	vadd.scan.msk.f32 $0xffff, v40  }
0x21f: {  	s10 =	sadd.s32 $0x200, s10;
	v32 =	vadd.f32 v41, v32;
	v37 =	vadd.f32 v52, v48;
	v13 =	vmul.f32 v39, v13;
	v36 =	vld [tilespmem:s9+$0xFEE0]  }
0x220: {  	v22 =	vadd.f32 v23, v22  }
0x221: {  	v58 =	vadd.f32 v29, v24;
	v16 =	vadd.f32 v17, v16  }
0x222: {  	v57 =	vld [tilespmem:s9+$0xFEF0];
	v59 =	vadd.f32 v19, v18;
	v61 =	vadd.f32 v26, v21  }
0x223: {  	v8 =	vmul.f32 v28, v8;
	v60 =	vld [tilespmem:s9+$0x13AD0];
	v11 =	vadd.f32 v12, v11;
	v4 =	vadd.f32 v5, v4  }
0x224: {  	v62 =	vld [tilespmem:s9+$0x13AE0];
	v7 =	vmul.f32 v31, v7;
	v13 =	vadd.f32 v13, v14;
	v22 =	vadd.f32 v58, v22  }
0x225: {  	v63 =	vmul.f32 v33, v2;
	v33 =	vadd.f32 v34, v27;
	v34 =	vadd.f32 v37, v35;
	v35 =	vld [tilespmem:s9+$0x13AF0]  }
0x226: {  	v38 =	vld [tilespmem:s9+$0x176D0];
	v6 =	vmul.f32 v30, v6;
	v16 =	vadd.f32 v59, v16;
	v37 =	vadd.f32 v25, v20  }
0x227: {  	v41 =	vld [tilespmem:s9+$0x176E0];
	v7 =	vadd.f32 v7, v8;
	v36 =	vmul.f32 v36, v1;
	v39 =	vmul.f32 v57, v0  }
0x228: {  	v43 =	vld [tilespmem:s9+$0x176F0];
	v40 =	vadd.f32 v34, v33;
	v14 =	vadd.f32 v37, v61  }
0x229: {  	v42 =	vmul.f32 v60, v2;
	v6 =	vadd.f32 v63, v6;
	v44 =	vadd.f32 v39, v36  }
0x22a: {  	v21 =	vmul.f32 v62, v1;
	v7 =	vadd.f32 v7, v13;
	v45 =	vmul.f32 v35, v0  }
0x22b: {  	(xrf2) =	vadd.scan.msk.f32 $0xffff, v32;
	v14 =	vadd.f32 v14, v16;
	v6 =	vadd.f32 v44, v6  }
0x22c: {  	(xrf2) =	vadd.scan.msk.f32 $0xffff, v22;
	v46 =	vmul.f32 v38, v2;
	v9 =	vadd.f32 v42, v9;
	v47 =	vadd.f32 v45, v21  }
0x22d: {  	v48 =	vmul.f32 v41, v1;
	v49 =	vmul.f32 v43, v0;
	(xrf2) =	vadd.scan.msk.f32 $0xffff, v40;
	v6 =	vadd.f32 v6, v7  }
0x22e: {  	v50 =	vadd.f32 v11, v15;
	(xrf2) =	vadd.scan.msk.f32 $0xffff, v14;
	v51 =	vadd.f32 v47, v9  }
0x22f: {  	v2 =	vadd.f32 v46, v3;
	v0 =	vadd.f32 v49, v48;
	(xrf2) =	vadd.scan.msk.f32 $0xffff, v6  }
0x230: {  	v52 =	vadd.f32 v51, v50  }
0x231: {  	v53 =	vadd.f32 v4, v10;
	v0 =	vadd.f32 v0, v2  }
0x232: {  	(xrf2) =	vadd.scan.msk.f32 $0xffff, v52  }
0x233: {  	v54, _, _ =	vpop (xrf2);
	v0 =	vadd.f32 v0, v53  }
0x234: {  	v55, _, _ =	vpop (xrf2)  }
0x235: {  	v56, _, _ =	vpop (xrf2);
	(xrf2) =	vadd.scan.msk.f32 $0xffff, v0  }
0x236: {  	v57, _, _ =	vpop (xrf2)  }
0x237: {  	v58, _, _ =	vpop (xrf2)  }
0x238: {  	v59, _, _ =	vpop (xrf2)  }
0x239: {  	v6, _, _ =	vpop (xrf2)  }
0x23a: {  	v6 =	vbroadcast v6, $0xF  }
0x23b: {  	v5 =	vbroadcast v59, $0xF  }
0x23c: {  	v4 =	vbroadcast v58, $0xF;
	v6 =	vnsel vm0, $0x0, v6;
	v60, _, _ =	vpop (xrf2)  }
0x23d: {  	v5 =	vsel vm1, v6, v5;
	v61 =	vbroadcast v60, $0xF  }
0x23e: {  	v0 =	vbroadcast v57, $0xF;
	v4 =	vsel vm2, v5, v4  }
0x23f: {  	v3 =	vbroadcast v56, $0xF;
	v62, _, _ =	vpop (xrf2);
	v4 =	vsel vm3, v4, v61  }
0x240: {  	s7 =	sadd.s32 $0x1, s7;
	v63 =	vbroadcast v62, $0xF;
	v0 =	vsel vm4, v4, v0  }
0x241: {  	p0 =	sne.s32 s7, $0xB;
	v2 =	vbroadcast v55, $0xF;
	v0 =	vsel vm5, v0, v3  }
.Ltmp2:
0x242: {  	s8 =	sadd.s32 s15, s8;
	v1 =	vbroadcast v54, $0xF;
	v0 =	vsel vm6, v0, v63;
	(pc) =	sbr.rel @p0 .LBB2_2-.Ltmp2, $4  }
0x243: {  	s8 =	smul.u32 $0x280, s8;
	v0 =	vsel vm7, v0, v2  }
0x244: {  	v0 =	vsel vm8, v0, v1  }
0x245: {  	s8 =	sadd.s32 s4, s8;
	[tilespmem:s9+$0x1C680] =	vst v0  }
0x246: {  	[hbm4b:s8+s3] =	stream.linear.scatter [tilespmem:s24], [sflag:$0x4], $0x1400, $0x38;
	[tilespmem:$0x1DA80] =	vst v63  }
0x247: {  	s7 =	simm.s32 $0x3  }
0x248: {  	_ =	swait.ge [sflag:s7], $0x1400  }
0x249: {  	[sflag:s7] =	ssyncset.done $0x0  }
0x24a: {  	[sflag:s7] =	ssyncadd.s32 $0xFFFFEC00  }
0x24b: {  	_ =	swait.ge [sflag:s5], $0x1400  }
0x24c: {  	s6 =	sadd.s32 $0x1, s6;
	s12 =	rddreg [dreg:$0xd]  }
0x24d: {  	p0 =	sne.s32 s6, s12  }
.Ltmp3:
0x24e: {  	_ = 	snop;
	(pc) =	sbr.rel @p0 .LBB2_1-.Ltmp3, $3  }
0x24f: {  	_ =	sdelay $0x1  }
0x250: {  	[sflag:s5] =	ssyncset.done $0x0  }
0x251: {  	[sflag:s5] =	ssyncadd.s32 $0xFFFFEC00  }
0x252: {  	_ =	sfence.sel $0x180000  }
0x253: {  	[bflag:$0x0] =	sbarrier.arrive $0xFFFF  }
0x254: {  	_ =	strace $0x90000047  }
0x255: {  	s0 =	stileid.u32;
	[bflag:$0x2] =	sbarrier.arrive $0xFFFF  }
0x256: {  	p0 =	sne.s32 s0, $0x0;
	s0 =	rddreg [dreg:$0x2]  }
0x257: {  	s0 =	sadd.s32 @!p0 $0x100000, s0  }
0x258: {  	[sflag:s0] =	ssyncadd.tile.s32 @!p0 $0x1;
	_ =	shalt  }
.Lfunc_end2:
_tile_overlayer_lowered:
.L_overlay_start_2:
0x259: {  	(tag) =	ssettag $0x2  }
0x25a: {  	s0 =	rddreg [dreg:$0x0];
	s2 =	stileid.u32  }
0x25b: {  	s1 =	rddreg [dreg:$0x1];
	p0 =	sne.s32 s2, $0x0  }
0x25c: {  	s3 =	rddreg [dreg:$0x2];
	[bflag:$0x3] =	sbarrier.arrive $0xFFFF;
	s2 =	simm.s32 @!p0 $0x1C05  }
0x25d: {  	[timem:s3], [sflag:s2] =	dma.local @!p0 [hbm:s0], s1  }
0x25e: {  	s0 =	simm.s32 @!p0 $0x5  }
0x25f: {  	_ =	swait.ge @!p0 [sflag:s0], s1  }
0x260: {  	s1 =	ssub.s32 @!p0 $0x0, s1;
	[sflag:s0] =	ssyncset.done @!p0 $0x0  }
0x261: {  	[sflag:s0] =	ssyncadd.s32 @!p0 s1  }
0x262: {  	[bflag:$0x3] =	sbarrier.arrive $0xFFFF  }
0x263: {  	_ =	shalt  }

</sc_bundles>
